<compile_context>
chip_gen: v7x
topology: tpu7x:2x2x1
jax: 0.10.2.dev20260603
libtpu: 0.0.44.dev20260713+nightly
codegen_flags: <defaults>
</compile_context>

<pallas_src>
import functools

import jax
import jax.numpy as jnp
import numpy as np
from jax import lax
from jax.experimental import pallas as pl
from jax.experimental.pallas import tpu as pltpu
from jax.experimental.pallas import tpu_sc as plsc

_NC = 2
_NS = 16
_NW = _NC * _NS
_BLK = 128
_NBLK = 12
_CH = _NBLK * _BLK

_LOG_A = np.float32(np.log(0.7660379))
_LOG_B = np.float32(np.log(0.12117091))
_LOG_C = np.float32(np.log(1.2125463))
_LOG_D = np.float32(np.log(0.1562228))


@functools.lru_cache(maxsize=None)
def _edge_sc_kernel(N, E, N_pad):
    NB = E // _BLK
    q, r = divmod(NB, _NW)
    NCH = -(-(q + (1 if r else 0)) // _NBLK)
    assert NCH % 2 == 0 and NCH >= 4, NCH
    NP16 = N_pad // _NS

    mesh = plsc.VectorSubcoreMesh(core_axis_name="c", subcore_axis_name="s")

    pieces = [(i * _CH, _CH) for i in range(NP16 // _CH)]
    if NP16 % _CH:
        pieces.append((NP16 - NP16 % _CH, NP16 % _CH))

    def body(x_hbm, ei_hbm, db_hbm, out_hbm,
             x_v, ei_a, db_a, col_a, e0_a, e1_a,
             ei_b, db_b, col_b, e0_b, e1_b,
             agg0_s, agg1_s, in_sem_a, in_sem_b, sc_sem_a, sc_sem_b):
        c = lax.axis_index("c")
        s = lax.axis_index("s")
        wid = c * _NS + s
        start_blk = q * wid + jnp.minimum(wid, r)
        nblk_w = q + jnp.where(wid < r, 1, 0)
        last_base = start_blk + nblk_w - _NBLK
        seta = (ei_a, db_a, col_a, e0_a, e1_a, in_sem_a, sc_sem_a)
        setb = (ei_b, db_b, col_b, e0_b, e1_b, in_sem_b, sc_sem_b)

        def chunk_base(ci):
            return jnp.minimum(start_blk + ci * _NBLK, last_base)

        def fire_inputs(ci, st):
            ei_v, db_v, _, _, _, isem, _ = st
            base = chunk_base(ci)
            pltpu.async_copy(ei_hbm.at[pl.ds(base, _NBLK), :, :], ei_v, isem)
            pltpu.async_copy(db_hbm.at[pl.ds(base * _BLK, _CH)], db_v, isem)

        def wait_inputs(ci, st):
            ei_v, db_v, _, _, _, isem, _ = st
            base = chunk_base(ci)
            pltpu.make_async_copy(
                ei_hbm.at[pl.ds(base, _NBLK), :, :], ei_v, isem).wait()
            pltpu.make_async_copy(
                db_hbm.at[pl.ds(base * _BLK, _CH)], db_v, isem).wait()

        def compute(ci, st):
            ei_v, db_v, col_v, e0_v, e1_v, _, _ = st
            base = chunk_base(ci)
            vstart = start_blk + ci * _NBLK

            @plsc.parallel_loop(0, _CH, step=16)
            def vec_body(p):
                blk = p // _BLK
                l = p - blk * _BLK
                rows = ei_v[blk, 0, pl.ds(l, 16)]
                cols = ei_v[blk, 1, pl.ds(l, 16)]
                vi = plsc.load_gather(x_v, [rows])
                vj = plsc.load_gather(x_v, [cols])
                db = db_v[pl.ds(p, 16)]
                valid = base + blk >= vstart
                e0 = (jnp.abs((vi / 0.9484139 - (vj - 0.2123214)) * -1.3248432)
                      + (db - 1.7348461 + vj) * -0.12084719)
                e1 = (jnp.abs((vi - vj * 1.0584362) * 1.5344211 + 0.45368108)
                      + (vi - vj * 1.0239582) * 1.931712 + 0.546892)
                col_v[pl.ds(p, 16)] = cols
                e0_v[pl.ds(p, 16)] = jnp.where(valid, e0, 0.0)
                e1_v[pl.ds(p, 16)] = jnp.where(valid, e1, 0.0)

        def fire_scatter(st):
            _, _, col_v, e0_v, e1_v, _, ssem = st
            pltpu.async_copy(e0_v, agg0_s.at[col_v], ssem, add=True)
            pltpu.async_copy(e1_v, agg1_s.at[col_v], ssem, add=True)

        def drain_scatter(st):
            _, _, col_v, e0_v, e1_v, _, ssem = st
            pltpu.make_async_copy(e0_v, agg0_s.at[col_v], ssem).wait()
            pltpu.make_async_copy(e1_v, agg1_s.at[col_v], ssem).wait()

        def zbody(i, carry):
            e0_a[pl.ds(i * 16, 16)] = jnp.zeros((16,), jnp.float32)
            return carry
        lax.fori_loop(0, _CH // 16, zbody, 0)
        pltpu.async_copy(x_hbm, x_v, in_sem_a)
        fire_inputs(0, seta)
        fire_inputs(1, setb)
        for off, ln in pieces:
            pltpu.async_copy(e0_a.at[pl.ds(0, ln)],
                             agg0_s.at[pl.ds(s * NP16 + off, ln)], sc_sem_a)
            pltpu.async_copy(e0_a.at[pl.ds(0, ln)],
                             agg1_s.at[pl.ds(s * NP16 + off, ln)], sc_sem_a)
        for off, ln in pieces:
            pltpu.make_async_copy(
                e0_a.at[pl.ds(0, ln)],
                agg0_s.at[pl.ds(s * NP16 + off, ln)], sc_sem_a).wait()
            pltpu.make_async_copy(
                e0_a.at[pl.ds(0, ln)],
                agg1_s.at[pl.ds(s * NP16 + off, ln)], sc_sem_a).wait()
        plsc.subcore_barrier()

        pltpu.make_async_copy(x_hbm, x_v, in_sem_a).wait()
        wait_inputs(0, seta)
        compute(0, seta)
        fire_scatter(seta)

        def pair_body(g, carry):
            ci1 = 1 + 2 * g
            wait_inputs(ci1, setb)
            compute(ci1, setb)
            drain_scatter(seta)
            fire_inputs(ci1 + 1, seta)
            fire_scatter(setb)
            ci2 = ci1 + 1
            wait_inputs(ci2, seta)
            compute(ci2, seta)
            drain_scatter(setb)
            fire_inputs(ci2 + 1, setb)
            fire_scatter(seta)
            return carry
        lax.fori_loop(0, (NCH - 2) // 2, pair_body, 0)

        ci = NCH - 1
        wait_inputs(ci, setb)
        compute(ci, setb)
        drain_scatter(seta)
        fire_scatter(setb)
        drain_scatter(setb)

        plsc.subcore_barrier()
        obase = c * 2 * N_pad + s * NP16
        stage = [e0_a, e1_a, db_a, e0_b, e1_b, db_b]
        tasks = [(p_, off, ln) for p_ in (0, 1) for off, ln in pieces]
        for i0 in range(0, len(tasks), len(stage)):
            batch = list(zip(tasks[i0:i0 + len(stage)], stage))
            for (p_, off, ln), buf in batch:
                src = (agg0_s if p_ == 0 else agg1_s)
                pltpu.async_copy(src.at[pl.ds(s * NP16 + off, ln)],
                                 buf.at[pl.ds(0, ln)], in_sem_a)
            for (p_, off, ln), buf in batch:
                src = (agg0_s if p_ == 0 else agg1_s)
                pltpu.make_async_copy(src.at[pl.ds(s * NP16 + off, ln)],
                                      buf.at[pl.ds(0, ln)], in_sem_a).wait()
            for (p_, off, ln), buf in batch:
                dst = out_hbm.at[pl.ds(obase + p_ * N_pad + off, ln)]
                pltpu.async_copy(buf.at[pl.ds(0, ln)], dst, in_sem_b)
            for (p_, off, ln), buf in batch:
                dst = out_hbm.at[pl.ds(obase + p_ * N_pad + off, ln)]
                pltpu.make_async_copy(buf.at[pl.ds(0, ln)], dst,
                                      in_sem_b).wait()

    return pl.kernel(
        body,
        out_type=jax.ShapeDtypeStruct((_NC * 2 * N_pad,), jnp.float32),
        mesh=mesh,
        scratch_types=(
            [pltpu.VMEM((N,), jnp.float32)]
            + 2 * [pltpu.VMEM((_NBLK, 2, _BLK), jnp.int32),
                   pltpu.VMEM((_CH,), jnp.float32),
                   pltpu.VMEM((_CH,), jnp.int32),
                   pltpu.VMEM((_CH,), jnp.float32),
                   pltpu.VMEM((_CH,), jnp.float32)]
            + [pltpu.VMEM_SHARED((N_pad,), jnp.float32),
               pltpu.VMEM_SHARED((N_pad,), jnp.float32),
               pltpu.SemaphoreType.DMA,
               pltpu.SemaphoreType.DMA,
               pltpu.SemaphoreType.DMA,
               pltpu.SemaphoreType.DMA]
        ),
        compiler_params=pltpu.CompilerParams(needs_layout_passes=False),
        name="edge_scatter_sc",
    )


def _node_tc_body(N, R,
                  x_ref, agg_ref, w1, b1, w2, b2, w3, b3, w4, b4, out_ref):
    xv = x_ref[...]
    s1 = agg_ref[0] + agg_ref[2]
    s2 = agg_ref[1] + agg_ref[3]
    gidx = (lax.broadcasted_iota(jnp.int32, (R, 128), 0) * 128
            + lax.broadcasted_iota(jnp.int32, (R, 128), 1))
    mask = gidx < N

    n1 = ((jnp.exp((s2 / 0.3038425 + s1) * _LOG_A)
           + jnp.exp(s1 * _LOG_B) / -0.7256157)
          * jnp.exp(xv * _LOG_C) + 0.12262904)
    t = s2 + (s1 + -3.283101 - xv / 0.79082423) * 0.31992579
    n1_n2 = 0.7872602 - jnp.sqrt(jnp.log(jnp.exp(t * _LOG_D) + 1.4462701))
    h0 = jnp.where(mask, n1, 0.0)
    h1 = jnp.where(mask, n1_n2 - n1, 0.0)
    ps1 = jnp.sum(h0)
    ps2 = jnp.sum(h1)

    a = jnp.maximum(ps1 * w1[0, 0] + ps2 * w1[1, 0] + b1[0], 0.0)
    b_ = jnp.maximum(ps1 * w1[0, 1] + ps2 * w1[1, 1] + b1[1], 0.0)
    a2 = jnp.maximum(a * w2[0, 0] + b_ * w2[1, 0] + b2[0], 0.0)
    b2_ = jnp.maximum(a * w2[0, 1] + b_ * w2[1, 1] + b2[1], 0.0)
    a3 = jnp.maximum(a2 * w3[0, 0] + b2_ * w3[1, 0] + b3[0], 0.0)
    b3_ = jnp.maximum(a2 * w3[0, 1] + b2_ * w3[1, 1] + b3[1], 0.0)
    o1 = a3 * w4[0, 1] + b3_ * w4[1, 1] + b4[1]
    o0 = ((ps2 / -0.18032177 + ps1 * 2.2054937
           + jnp.abs(ps2 * 0.9565731 + ps1 * 0.8225316))
          * 0.00046277698 + -0.24634261)

    r8 = lax.broadcasted_iota(jnp.int32, (8, 128), 0)
    c8 = lax.broadcasted_iota(jnp.int32, (8, 128), 1)
    out_ref[...] = jnp.where(
        (r8 == 0) & (c8 == 0), o0,
        jnp.where((r8 == 0) & (c8 == 1), o1, 0.0))


@functools.lru_cache(maxsize=None)
def _node_tc_kernel(N, R):
    smem = pl.BlockSpec(memory_space=pltpu.SMEM)
    return pl.pallas_call(
        functools.partial(_node_tc_body, N, R),
        out_shape=jax.ShapeDtypeStruct((8, 128), jnp.float32),
        in_specs=[pl.BlockSpec(memory_space=pltpu.VMEM),
                  pl.BlockSpec(memory_space=pltpu.VMEM),
                  smem, smem, smem, smem, smem, smem, smem, smem],
        out_specs=pl.BlockSpec(memory_space=pltpu.VMEM),
        name="node_pool_tc",
    )


def kernel(x, edge_attr, e_W1, e_b1, e_W2, e_b2, n_W1, n_b1, n_W2, n_b2,
           o_W1, o_b1, o_W2, o_b2, o_W3, o_b3, o_W4, o_b4, edge_index, batch):
    N = x.shape[0]
    E = edge_index.shape[1]
    N_pad = ((N + 127) // 128) * 128
    x_flat = x[:, 0]

    ei3 = edge_index.reshape(2, E // _BLK, _BLK).transpose(1, 0, 2)
    db = edge_attr[:, 0] + edge_attr[:, 2]

    aggs = _edge_sc_kernel(N, E, N_pad)(x_flat, ei3, db)

    R = N_pad // 128
    x_pad = jnp.pad(x_flat, (0, N_pad - N)).reshape(R, 128)
    agg4 = aggs.reshape(4, R, 128)
    out8 = _node_tc_kernel(N, R)(
        x_pad, agg4, o_W1, o_b1, o_W2, o_b2, o_W3, o_b3, o_W4, o_b4)
    return out8[0:1, 0:2]

# --- scband reference (transcript-rebuilt; emitter-appended) ---
"""Pipeline reference for scband-gnn-81930796138624 (READ-ONLY COPY).

The authoritative reference and input builder live on the scoring server;
editing this copy changes nothing except your own understanding.
"""

import jax, jax.numpy as jnp
import numpy as np


def _lin(k, fin, fout):
    k1, k2 = jax.random.split(k)
    s = 1.0 / np.sqrt(fin)
    W = jax.random.uniform(k1, (fin, fout), minval=-s, maxval=s, dtype=jnp.float32)
    b = jax.random.uniform(k2, (fout,), minval=-s, maxval=s, dtype=jnp.float32)
    return W, b


def _pow(base, z):
    return jnp.exp(z * np.float32(np.log(base)))


def setup_inputs(seed: int = 0) -> dict:
    key = jax.random.key(seed)
    ks = jax.random.split(key, 12)
    N, E = 100000, 3200000
    x = jax.random.uniform(ks[0], (N, 1), dtype=jnp.float32)
    edge_index = jax.random.randint(ks[1], (2, E), 0, N, dtype=jnp.int32)
    edge_attr = jax.random.uniform(ks[2], (E, 3), dtype=jnp.float32)
    batch = jnp.zeros((N,), dtype=jnp.int32)
    e_W1, e_b1 = _lin(ks[3], 5, 2)
    e_W2, e_b2 = _lin(ks[4], 2, 2)
    n_W1, n_b1 = _lin(ks[5], 3, 2)
    n_W2, n_b2 = _lin(ks[6], 2, 2)
    o_W1, o_b1 = _lin(ks[7], 2, 2)
    o_W2, o_b2 = _lin(ks[8], 2, 2)
    o_W3, o_b3 = _lin(ks[9], 2, 2)
    o_W4, o_b4 = _lin(ks[10], 2, 2)
    return {"x": x, "edge_attr": edge_attr, "e_W1": e_W1, "e_b1": e_b1, "e_W2": e_W2, "e_b2": e_b2, "n_W1": n_W1, "n_b1": n_b1, "n_W2": n_W2, "n_b2": n_b2, "o_W1": o_W1, "o_b1": o_b1, "o_W2": o_W2, "o_b2": o_b2, "o_W3": o_W3, "o_b3": o_b3, "o_W4": o_W4, "o_b4": o_b4, "edge_index": edge_index, "batch": batch}


def _forward(x, edge_attr, e_W1, e_b1, e_W2, e_b2, n_W1, n_b1, n_W2, n_b2, o_W1, o_b1, o_W2, o_b2, o_W3, o_b3, o_W4, o_b4, edge_index, batch, n_graphs):
    row = edge_index[0]
    col = edge_index[1]
    # EdgeModel: gather src/dst node features per edge
    src = jnp.take(x, row, axis=0)
    dest = jnp.take(x, col, axis=0)
    ecat = jnp.concatenate([src, dest, edge_attr], axis=1)
    vi = src[:, 0]
    vj = dest[:, 0]
    d = edge_attr[:, 0]
    b_ = edge_attr[:, 2]
    e = jnp.maximum(ecat @ e_W1 + e_b1, 0.0) @ e_W2 + e_b2
    e0 = jnp.abs((vi / 0.9484139 - (vj - 0.2123214)) * -1.3248432) + (d - 1.7348461 + b_ + vj) * -0.12084719
    e1 = jnp.abs((vi - vj * 1.0584362) * 1.5344211 - -0.45368108) + (vi - vj * 1.0239582) * 1.931712 + 0.546892
    e = e.at[:, 0].set(e0).at[:, 1].set(e1)
    # NodeModel: scatter-add edge messages to dst nodes
    agg = jax.ops.segment_sum(e, col, num_segments=x.shape[0])
    ncat = jnp.concatenate([x, agg], axis=1)
    nvi = ncat[:, 0]
    s1 = ncat[:, 1]
    s2 = ncat[:, 2]
    h = jnp.maximum(ncat @ n_W1 + n_b1, 0.0) @ n_W2 + n_b2
    n1 = (_pow(0.7660379, s2 / 0.3038425 + s1) + _pow(0.12117091, s1) / -0.7256157) * _pow(1.2125463, nvi) + 0.12262904
    n1_n2 = 0.7872602 - jnp.sqrt(jnp.log(_pow(0.1562228, s2 + (s1 + -3.283101 - nvi / 0.79082423) * 0.31992579) - -1.4462701))
    h = h.at[:, 0].set(n1).at[:, 1].set(n1_n2 - n1)
    # global_add_pool
    pool = jax.ops.segment_sum(h, batch, num_segments=n_graphs)
    ps1 = pool[:, 0]
    ps2 = pool[:, 1]
    o = jnp.maximum(pool @ o_W1 + o_b1, 0.0)
    o = jnp.maximum(o @ o_W2 + o_b2, 0.0)
    o = jnp.maximum(o @ o_W3 + o_b3, 0.0)
    o = o @ o_W4 + o_b4
    o = o.at[:, 0].set((ps2 / -0.18032177 + ps1 * 2.2054937 + jnp.abs(ps2 * 0.9565731 + ps1 * 0.8225316)) * 0.00046277698 + -0.24634261)
    return o


def reference(x, edge_attr, e_W1, e_b1, e_W2, e_b2, n_W1, n_b1, n_W2, n_b2, o_W1, o_b1, o_W2, o_b2, o_W3, o_b3, o_W4, o_b4, edge_index, batch):
    n_graphs = 1
    return _forward(x, edge_attr, e_W1, e_b1, e_W2, e_b2, n_W1, n_b1, n_W2, n_b2, o_W1, o_b1, o_W2, o_b2, o_W3, o_b3, o_W4, o_b4, edge_index, batch, n_graphs)

if __name__ == "__main__":
    import jax
    _d = setup_inputs()
    print(jax.jit(kernel)(*tuple(_d.values())))

</pallas_src>

<mosaic_0001>
#map = affine_map<(d0, d1) -> (0)>
#map1 = affine_map<(d0, d1) -> (0, 0, 0)>
module attributes {stable_mosaic.version = 14 : i64} {
  func.func @edge_scatter_sc(%arg0: i32, %arg1: i32, %arg2: memref<100000xf32, #tpu.memory_space<hbm>>, %arg3: memref<25000x2x128xi32, #tpu.memory_space<hbm>>, %arg4: memref<3200000xf32, #tpu.memory_space<hbm>>, %arg5: memref<400384xf32, #tpu.memory_space<hbm>>, %arg6: memref<100000xf32, #tpu.memory_space<vmem>>, %arg7: memref<12x2x128xi32, #tpu.memory_space<vmem>>, %arg8: memref<1536xf32, #tpu.memory_space<vmem>>, %arg9: memref<1536xi32, #tpu.memory_space<vmem>>, %arg10: memref<1536xf32, #tpu.memory_space<vmem>>, %arg11: memref<1536xf32, #tpu.memory_space<vmem>>, %arg12: memref<12x2x128xi32, #tpu.memory_space<vmem>>, %arg13: memref<1536xf32, #tpu.memory_space<vmem>>, %arg14: memref<1536xi32, #tpu.memory_space<vmem>>, %arg15: memref<1536xf32, #tpu.memory_space<vmem>>, %arg16: memref<1536xf32, #tpu.memory_space<vmem>>, %arg17: memref<100096xf32, #tpu.memory_space<vmem_shared>>, %arg18: memref<100096xf32, #tpu.memory_space<vmem_shared>>, %arg19: memref<!tpu.dma_semaphore, #tpu.memory_space<semaphore_mem>>, %arg20: memref<!tpu.dma_semaphore, #tpu.memory_space<semaphore_mem>>, %arg21: memref<!tpu.dma_semaphore, #tpu.memory_space<semaphore_mem>>, %arg22: memref<!tpu.dma_semaphore, #tpu.memory_space<semaphore_mem>>) attributes {dimension_semantics = [#tpu.dimension_semantics<core_parallel>, #tpu.dimension_semantics<subcore_parallel>], iteration_bounds = array<i64: 2, 16>, scalar_prefetch = 0 : i64, scratch_operands = 17 : i64, tpu.core_type = #tpu.core_type<sc_vector_subcore>, window_params = [{transform_indices = #map}, {transform_indices = #map1}, {transform_indices = #map}, {transform_indices = #map}]} {
    %mul3A = arith.constant 16 : i32
    %mul3A_0 = arith.muli %arg0, %mul3A : i32
    %add3A = arith.addi %mul3A_0, %arg1 : i32
    %mul3A_1 = arith.constant 781 : i32
    %mul3A_2 = arith.muli %mul3A_1, %add3A : i32
    %min3A = arith.constant 8 : i32
    %min3A_3 = arith.minsi %add3A, %min3A : i32
    %add3A_4 = arith.addi %mul3A_2, %min3A_3 : i32
    %lt3A = arith.constant 8 : i32
    %lt3A_5 = arith.cmpi slt, %add3A, %lt3A : i32
    %jit3A = arith.constant 1 : i32
    %jit3A_6 = arith.constant 0 : i32
    %select_n3A = arith.select %lt3A_5, %jit3A, %jit3A_6 : i32
    %add3A_7 = arith.constant 781 : i32
    %add3A_8 = arith.addi %add3A_7, %select_n3A : i32
    %add3A_9 = arith.addi %add3A_4, %add3A_8 : i32
    %sub3A = arith.constant 12 : i32
    %sub3A_10 = arith.subi %add3A_9, %sub3A : i32
    %scan3A = arith.constant 0 : i32
    %scan3A_11 = arith.constant 0 : i32
    %scan3A_12 = arith.constant 96 : i32
    %scan3A_13 = arith.addi %scan3A_11, %scan3A_12 : i32
    %scan3A_14 = arith.constant 1 : i32
    scf.for %scan3A_711 = %scan3A_11 to %scan3A_13 step %scan3A_14  : i32 {
      %broadcast_in_dim3A = arith.constant 0.000000e+00 : f32
      %broadcast_in_dim3A_712 = vector.broadcast %broadcast_in_dim3A : f32 to vector<16xf32>
      %mul3A_713 = arith.constant 16 : i32
      %mul3A_714 = arith.muli %scan3A_711, %mul3A_713 : i32
      %swap3A = arith.index_cast %mul3A_714 : i32 to index
      %swap3A_715 = tpu.vector_load %arg10[%swap3A] {strides = array<i32>} : memref<1536xf32, #tpu.memory_space<vmem>>, vector<16xf32>,
      tpu.vector_store %arg10[%swap3A], %broadcast_in_dim3A_712 {strides = array<i32>} : memref<1536xf32, #tpu.memory_space<vmem>>, vector<16xf32>,
    }
    %scan3A_15 = arith.constant 96 : i32
    tpu.enqueue_dma source(%arg2 : memref<100000xf32, #tpu.memory_space<hbm>>) target(%arg6 : memref<100000xf32, #tpu.memory_space<vmem>>) target_semaphore(%arg19 : memref<!tpu.dma_semaphore, #tpu.memory_space<semaphore_mem>>)
    %add3A_16 = arith.constant 0 : i32
    %add3A_17 = arith.addi %add3A_4, %add3A_16 : i32
    %min3A_18 = arith.minsi %add3A_17, %sub3A_10 : i32
    %dma_start3A = arith.constant 0 : i32
    %dma_start3A_19 = arith.constant 0 : i32
    %dma_start3A_20 = tpu.memref_slice %arg3[%min3A_18, %dma_start3A, %dma_start3A_19] : memref<25000x2x128xi32, #tpu.memory_space<hbm>> -> memref<12x2x128xi32, #tpu.memory_space<hbm>>
    %dma_start3A_21 = arith.constant 0 : i32
    %dma_start3A_22 = arith.constant 0 : i32
    %dma_start3A_23 = tpu.memref_slice %arg3[%min3A_18, %dma_start3A_21, %dma_start3A_22] : memref<25000x2x128xi32, #tpu.memory_space<hbm>> -> memref<12x2x128xi32, #tpu.memory_space<hbm>>
    tpu.enqueue_dma source(%dma_start3A_23 : memref<12x2x128xi32, #tpu.memory_space<hbm>>) target(%arg7 : memref<12x2x128xi32, #tpu.memory_space<vmem>>) target_semaphore(%arg19 : memref<!tpu.dma_semaphore, #tpu.memory_space<semaphore_mem>>)
    %mul3A_24 = arith.constant 128 : i32
    %mul3A_25 = arith.muli %min3A_18, %mul3A_24 : i32
    %dma_start3A_26 = tpu.memref_slice %arg4[%mul3A_25] : memref<3200000xf32, #tpu.memory_space<hbm>> -> memref<1536xf32, #tpu.memory_space<hbm>>
    %dma_start3A_27 = tpu.memref_slice %arg4[%mul3A_25] : memref<3200000xf32, #tpu.memory_space<hbm>> -> memref<1536xf32, #tpu.memory_space<hbm>>
    tpu.enqueue_dma source(%dma_start3A_27 : memref<1536xf32, #tpu.memory_space<hbm>>) target(%arg8 : memref<1536xf32, #tpu.memory_space<vmem>>) target_semaphore(%arg19 : memref<!tpu.dma_semaphore, #tpu.memory_space<semaphore_mem>>)
    %add3A_28 = arith.constant 12 : i32
    %add3A_29 = arith.addi %add3A_4, %add3A_28 : i32
    %min3A_30 = arith.minsi %add3A_29, %sub3A_10 : i32
    %dma_start3A_31 = arith.constant 0 : i32
    %dma_start3A_32 = arith.constant 0 : i32
    %dma_start3A_33 = tpu.memref_slice %arg3[%min3A_30, %dma_start3A_31, %dma_start3A_32] : memref<25000x2x128xi32, #tpu.memory_space<hbm>> -> memref<12x2x128xi32, #tpu.memory_space<hbm>>
    %dma_start3A_34 = arith.constant 0 : i32
    %dma_start3A_35 = arith.constant 0 : i32
    %dma_start3A_36 = tpu.memref_slice %arg3[%min3A_30, %dma_start3A_34, %dma_start3A_35] : memref<25000x2x128xi32, #tpu.memory_space<hbm>> -> memref<12x2x128xi32, #tpu.memory_space<hbm>>
    tpu.enqueue_dma source(%dma_start3A_36 : memref<12x2x128xi32, #tpu.memory_space<hbm>>) target(%arg12 : memref<12x2x128xi32, #tpu.memory_space<vmem>>) target_semaphore(%arg20 : memref<!tpu.dma_semaphore, #tpu.memory_space<semaphore_mem>>)
    %mul3A_37 = arith.constant 128 : i32
    %mul3A_38 = arith.muli %min3A_30, %mul3A_37 : i32
    %dma_start3A_39 = tpu.memref_slice %arg4[%mul3A_38] : memref<3200000xf32, #tpu.memory_space<hbm>> -> memref<1536xf32, #tpu.memory_space<hbm>>
    %dma_start3A_40 = tpu.memref_slice %arg4[%mul3A_38] : memref<3200000xf32, #tpu.memory_space<hbm>> -> memref<1536xf32, #tpu.memory_space<hbm>>
    tpu.enqueue_dma source(%dma_start3A_40 : memref<1536xf32, #tpu.memory_space<hbm>>) target(%arg13 : memref<1536xf32, #tpu.memory_space<vmem>>) target_semaphore(%arg20 : memref<!tpu.dma_semaphore, #tpu.memory_space<semaphore_mem>>)
    %mul3A_41 = arith.constant 6256 : i32
    %mul3A_42 = arith.muli %arg1, %mul3A_41 : i32
    %add3A_43 = arith.constant 0 : i32
    %add3A_44 = arith.addi %mul3A_42, %add3A_43 : i32
    %dma_start3A_45 = arith.constant 0 : i32
    %dma_start3A_46 = tpu.memref_slice %arg10[%dma_start3A_45] : memref<1536xf32, #tpu.memory_space<vmem>> -> memref<1536xf32, #tpu.memory_space<vmem>>
    %dma_start3A_47 = tpu.memref_slice %arg17[%add3A_44] : memref<100096xf32, #tpu.memory_space<vmem_shared>> -> memref<1536xf32, #tpu.memory_space<vmem_shared>>
    %dma_start3A_48 = tpu.memref_slice %arg17[%add3A_44] : memref<100096xf32, #tpu.memory_space<vmem_shared>> -> memref<1536xf32, #tpu.memory_space<vmem_shared>>
    %dma_start3A_49 = arith.constant 0 : i32
    %dma_start3A_50 = tpu.memref_slice %arg10[%dma_start3A_49] : memref<1536xf32, #tpu.memory_space<vmem>> -> memref<1536xf32, #tpu.memory_space<vmem>>
    tpu.enqueue_dma source(%dma_start3A_50 : memref<1536xf32, #tpu.memory_space<vmem>>) target(%dma_start3A_48 : memref<1536xf32, #tpu.memory_space<vmem_shared>>) target_semaphore(%arg21 : memref<!tpu.dma_semaphore, #tpu.memory_space<semaphore_mem>>)
    %mul3A_51 = arith.constant 6256 : i32
    %mul3A_52 = arith.muli %arg1, %mul3A_51 : i32
    %add3A_53 = arith.constant 0 : i32
    %add3A_54 = arith.addi %mul3A_52, %add3A_53 : i32
    %dma_start3A_55 = arith.constant 0 : i32
    %dma_start3A_56 = tpu.memref_slice %arg10[%dma_start3A_55] : memref<1536xf32, #tpu.memory_space<vmem>> -> memref<1536xf32, #tpu.memory_space<vmem>>
    %dma_start3A_57 = tpu.memref_slice %arg18[%add3A_54] : memref<100096xf32, #tpu.memory_space<vmem_shared>> -> memref<1536xf32, #tpu.memory_space<vmem_shared>>
    %dma_start3A_58 = tpu.memref_slice %arg18[%add3A_54] : memref<100096xf32, #tpu.memory_space<vmem_shared>> -> memref<1536xf32, #tpu.memory_space<vmem_shared>>
    %dma_start3A_59 = arith.constant 0 : i32
    %dma_start3A_60 = tpu.memref_slice %arg10[%dma_start3A_59] : memref<1536xf32, #tpu.memory_space<vmem>> -> memref<1536xf32, #tpu.memory_space<vmem>>
    tpu.enqueue_dma source(%dma_start3A_60 : memref<1536xf32, #tpu.memory_space<vmem>>) target(%dma_start3A_58 : memref<1536xf32, #tpu.memory_space<vmem_shared>>) target_semaphore(%arg21 : memref<!tpu.dma_semaphore, #tpu.memory_space<semaphore_mem>>)
    %mul3A_61 = arith.constant 6256 : i32
    %mul3A_62 = arith.muli %arg1, %mul3A_61 : i32
    %add3A_63 = arith.constant 1536 : i32
    %add3A_64 = arith.addi %mul3A_62, %add3A_63 : i32
    %dma_start3A_65 = arith.constant 0 : i32
    %dma_start3A_66 = tpu.memref_slice %arg10[%dma_start3A_65] : memref<1536xf32, #tpu.memory_space<vmem>> -> memref<1536xf32, #tpu.memory_space<vmem>>
    %dma_start3A_67 = tpu.memref_slice %arg17[%add3A_64] : memref<100096xf32, #tpu.memory_space<vmem_shared>> -> memref<1536xf32, #tpu.memory_space<vmem_shared>>
    %dma_start3A_68 = tpu.memref_slice %arg17[%add3A_64] : memref<100096xf32, #tpu.memory_space<vmem_shared>> -> memref<1536xf32, #tpu.memory_space<vmem_shared>>
    %dma_start3A_69 = arith.constant 0 : i32
    %dma_start3A_70 = tpu.memref_slice %arg10[%dma_start3A_69] : memref<1536xf32, #tpu.memory_space<vmem>> -> memref<1536xf32, #tpu.memory_space<vmem>>
    tpu.enqueue_dma source(%dma_start3A_70 : memref<1536xf32, #tpu.memory_space<vmem>>) target(%dma_start3A_68 : memref<1536xf32, #tpu.memory_space<vmem_shared>>) target_semaphore(%arg21 : memref<!tpu.dma_semaphore, #tpu.memory_space<semaphore_mem>>)
    %mul3A_71 = arith.constant 6256 : i32
    %mul3A_72 = arith.muli %arg1, %mul3A_71 : i32
    %add3A_73 = arith.constant 1536 : i32
    %add3A_74 = arith.addi %mul3A_72, %add3A_73 : i32
    %dma_start3A_75 = arith.constant 0 : i32
    %dma_start3A_76 = tpu.memref_slice %arg10[%dma_start3A_75] : memref<1536xf32, #tpu.memory_space<vmem>> -> memref<1536xf32, #tpu.memory_space<vmem>>
    %dma_start3A_77 = tpu.memref_slice %arg18[%add3A_74] : memref<100096xf32, #tpu.memory_space<vmem_shared>> -> memref<1536xf32, #tpu.memory_space<vmem_shared>>
    %dma_start3A_78 = tpu.memref_slice %arg18[%add3A_74] : memref<100096xf32, #tpu.memory_space<vmem_shared>> -> memref<1536xf32, #tpu.memory_space<vmem_shared>>
    %dma_start3A_79 = arith.constant 0 : i32
    %dma_start3A_80 = tpu.memref_slice %arg10[%dma_start3A_79] : memref<1536xf32, #tpu.memory_space<vmem>> -> memref<1536xf32, #tpu.memory_space<vmem>>
    tpu.enqueue_dma source(%dma_start3A_80 : memref<1536xf32, #tpu.memory_space<vmem>>) target(%dma_start3A_78 : memref<1536xf32, #tpu.memory_space<vmem_shared>>) target_semaphore(%arg21 : memref<!tpu.dma_semaphore, #tpu.memory_space<semaphore_mem>>)
    %mul3A_81 = arith.constant 6256 : i32
    %mul3A_82 = arith.muli %arg1, %mul3A_81 : i32
    %add3A_83 = arith.constant 3072 : i32
    %add3A_84 = arith.addi %mul3A_82, %add3A_83 : i32
    %dma_start3A_85 = arith.constant 0 : i32
    %dma_start3A_86 = tpu.memref_slice %arg10[%dma_start3A_85] : memref<1536xf32, #tpu.memory_space<vmem>> -> memref<1536xf32, #tpu.memory_space<vmem>>
    %dma_start3A_87 = tpu.memref_slice %arg17[%add3A_84] : memref<100096xf32, #tpu.memory_space<vmem_shared>> -> memref<1536xf32, #tpu.memory_space<vmem_shared>>
    %dma_start3A_88 = tpu.memref_slice %arg17[%add3A_84] : memref<100096xf32, #tpu.memory_space<vmem_shared>> -> memref<1536xf32, #tpu.memory_space<vmem_shared>>
    %dma_start3A_89 = arith.constant 0 : i32
    %dma_start3A_90 = tpu.memref_slice %arg10[%dma_start3A_89] : memref<1536xf32, #tpu.memory_space<vmem>> -> memref<1536xf32, #tpu.memory_space<vmem>>
    tpu.enqueue_dma source(%dma_start3A_90 : memref<1536xf32, #tpu.memory_space<vmem>>) target(%dma_start3A_88 : memref<1536xf32, #tpu.memory_space<vmem_shared>>) target_semaphore(%arg21 : memref<!tpu.dma_semaphore, #tpu.memory_space<semaphore_mem>>)
    %mul3A_91 = arith.constant 6256 : i32
    %mul3A_92 = arith.muli %arg1, %mul3A_91 : i32
    %add3A_93 = arith.constant 3072 : i32
    %add3A_94 = arith.addi %mul3A_92, %add3A_93 : i32
    %dma_start3A_95 = arith.constant 0 : i32
    %dma_start3A_96 = tpu.memref_slice %arg10[%dma_start3A_95] : memref<1536xf32, #tpu.memory_space<vmem>> -> memref<1536xf32, #tpu.memory_space<vmem>>
    %dma_start3A_97 = tpu.memref_slice %arg18[%add3A_94] : memref<100096xf32, #tpu.memory_space<vmem_shared>> -> memref<1536xf32, #tpu.memory_space<vmem_shared>>
    %dma_start3A_98 = tpu.memref_slice %arg18[%add3A_94] : memref<100096xf32, #tpu.memory_space<vmem_shared>> -> memref<1536xf32, #tpu.memory_space<vmem_shared>>
    %dma_start3A_99 = arith.constant 0 : i32
    %dma_start3A_100 = tpu.memref_slice %arg10[%dma_start3A_99] : memref<1536xf32, #tpu.memory_space<vmem>> -> memref<1536xf32, #tpu.memory_space<vmem>>
    tpu.enqueue_dma source(%dma_start3A_100 : memref<1536xf32, #tpu.memory_space<vmem>>) target(%dma_start3A_98 : memref<1536xf32, #tpu.memory_space<vmem_shared>>) target_semaphore(%arg21 : memref<!tpu.dma_semaphore, #tpu.memory_space<semaphore_mem>>)
    %mul3A_101 = arith.constant 6256 : i32
    %mul3A_102 = arith.muli %arg1, %mul3A_101 : i32
    %add3A_103 = arith.constant 4608 : i32
    %add3A_104 = arith.addi %mul3A_102, %add3A_103 : i32
    %dma_start3A_105 = arith.constant 0 : i32
    %dma_start3A_106 = tpu.memref_slice %arg10[%dma_start3A_105] : memref<1536xf32, #tpu.memory_space<vmem>> -> memref<1536xf32, #tpu.memory_space<vmem>>
    %dma_start3A_107 = tpu.memref_slice %arg17[%add3A_104] : memref<100096xf32, #tpu.memory_space<vmem_shared>> -> memref<1536xf32, #tpu.memory_space<vmem_shared>>
    %dma_start3A_108 = tpu.memref_slice %arg17[%add3A_104] : memref<100096xf32, #tpu.memory_space<vmem_shared>> -> memref<1536xf32, #tpu.memory_space<vmem_shared>>
    %dma_start3A_109 = arith.constant 0 : i32
    %dma_start3A_110 = tpu.memref_slice %arg10[%dma_start3A_109] : memref<1536xf32, #tpu.memory_space<vmem>> -> memref<1536xf32, #tpu.memory_space<vmem>>
    tpu.enqueue_dma source(%dma_start3A_110 : memref<1536xf32, #tpu.memory_space<vmem>>) target(%dma_start3A_108 : memref<1536xf32, #tpu.memory_space<vmem_shared>>) target_semaphore(%arg21 : memref<!tpu.dma_semaphore, #tpu.memory_space<semaphore_mem>>)
    %mul3A_111 = arith.constant 6256 : i32
    %mul3A_112 = arith.muli %arg1, %mul3A_111 : i32
    %add3A_113 = arith.constant 4608 : i32
    %add3A_114 = arith.addi %mul3A_112, %add3A_113 : i32
    %dma_start3A_115 = arith.constant 0 : i32
    %dma_start3A_116 = tpu.memref_slice %arg10[%dma_start3A_115] : memref<1536xf32, #tpu.memory_space<vmem>> -> memref<1536xf32, #tpu.memory_space<vmem>>
    %dma_start3A_117 = tpu.memref_slice %arg18[%add3A_114] : memref<100096xf32, #tpu.memory_space<vmem_shared>> -> memref<1536xf32, #tpu.memory_space<vmem_shared>>
    %dma_start3A_118 = tpu.memref_slice %arg18[%add3A_114] : memref<100096xf32, #tpu.memory_space<vmem_shared>> -> memref<1536xf32, #tpu.memory_space<vmem_shared>>
    %dma_start3A_119 = arith.constant 0 : i32
    %dma_start3A_120 = tpu.memref_slice %arg10[%dma_start3A_119] : memref<1536xf32, #tpu.memory_space<vmem>> -> memref<1536xf32, #tpu.memory_space<vmem>>
    tpu.enqueue_dma source(%dma_start3A_120 : memref<1536xf32, #tpu.memory_space<vmem>>) target(%dma_start3A_118 : memref<1536xf32, #tpu.memory_space<vmem_shared>>) target_semaphore(%arg21 : memref<!tpu.dma_semaphore, #tpu.memory_space<semaphore_mem>>)
    %mul3A_121 = arith.constant 6256 : i32
    %mul3A_122 = arith.muli %arg1, %mul3A_121 : i32
    %add3A_123 = arith.constant 6144 : i32
    %add3A_124 = arith.addi %mul3A_122, %add3A_123 : i32
    %dma_start3A_125 = arith.constant 0 : i32
    %dma_start3A_126 = tpu.memref_slice %arg10[%dma_start3A_125] : memref<1536xf32, #tpu.memory_space<vmem>> -> memref<112xf32, #tpu.memory_space<vmem>>
    %dma_start3A_127 = tpu.memref_slice %arg17[%add3A_124] : memref<100096xf32, #tpu.memory_space<vmem_shared>> -> memref<112xf32, #tpu.memory_space<vmem_shared>>
    %dma_start3A_128 = tpu.memref_slice %arg17[%add3A_124] : memref<100096xf32, #tpu.memory_space<vmem_shared>> -> memref<112xf32, #tpu.memory_space<vmem_shared>>
    %dma_start3A_129 = arith.constant 0 : i32
    %dma_start3A_130 = tpu.memref_slice %arg10[%dma_start3A_129] : memref<1536xf32, #tpu.memory_space<vmem>> -> memref<112xf32, #tpu.memory_space<vmem>>
    tpu.enqueue_dma source(%dma_start3A_130 : memref<112xf32, #tpu.memory_space<vmem>>) target(%dma_start3A_128 : memref<112xf32, #tpu.memory_space<vmem_shared>>) target_semaphore(%arg21 : memref<!tpu.dma_semaphore, #tpu.memory_space<semaphore_mem>>)
    %mul3A_131 = arith.constant 6256 : i32
    %mul3A_132 = arith.muli %arg1, %mul3A_131 : i32
    %add3A_133 = arith.constant 6144 : i32
    %add3A_134 = arith.addi %mul3A_132, %add3A_133 : i32
    %dma_start3A_135 = arith.constant 0 : i32
    %dma_start3A_136 = tpu.memref_slice %arg10[%dma_start3A_135] : memref<1536xf32, #tpu.memory_space<vmem>> -> memref<112xf32, #tpu.memory_space<vmem>>
    %dma_start3A_137 = tpu.memref_slice %arg18[%add3A_134] : memref<100096xf32, #tpu.memory_space<vmem_shared>> -> memref<112xf32, #tpu.memory_space<vmem_shared>>
    %dma_start3A_138 = tpu.memref_slice %arg18[%add3A_134] : memref<100096xf32, #tpu.memory_space<vmem_shared>> -> memref<112xf32, #tpu.memory_space<vmem_shared>>
    %dma_start3A_139 = arith.constant 0 : i32
    %dma_start3A_140 = tpu.memref_slice %arg10[%dma_start3A_139] : memref<1536xf32, #tpu.memory_space<vmem>> -> memref<112xf32, #tpu.memory_space<vmem>>
    tpu.enqueue_dma source(%dma_start3A_140 : memref<112xf32, #tpu.memory_space<vmem>>) target(%dma_start3A_138 : memref<112xf32, #tpu.memory_space<vmem_shared>>) target_semaphore(%arg21 : memref<!tpu.dma_semaphore, #tpu.memory_space<semaphore_mem>>)
    %mul3A_141 = arith.constant 6256 : i32
    %mul3A_142 = arith.muli %arg1, %mul3A_141 : i32
    %add3A_143 = arith.constant 0 : i32
    %add3A_144 = arith.addi %mul3A_142, %add3A_143 : i32
    %dma_wait3A = arith.constant 0 : i32
    %dma_wait3A_145 = tpu.memref_slice %arg10[%dma_wait3A] : memref<1536xf32, #tpu.memory_space<vmem>> -> memref<1536xf32, #tpu.memory_space<vmem>>
    %dma_wait3A_146 = tpu.memref_slice %arg17[%add3A_144] : memref<100096xf32, #tpu.memory_space<vmem_shared>> -> memref<1536xf32, #tpu.memory_space<vmem_shared>>
    %dma_wait3A_147 = tpu.memref_slice %arg17[%add3A_144] : memref<100096xf32, #tpu.memory_space<vmem_shared>> -> memref<1536xf32, #tpu.memory_space<vmem_shared>>
    %dma_wait3A_148 = arith.constant 0 : i32
    %dma_wait3A_149 = tpu.memref_slice %arg10[%dma_wait3A_148] : memref<1536xf32, #tpu.memory_space<vmem>> -> memref<1536xf32, #tpu.memory_space<vmem>>
    tpu.wait_dma2 semaphore(%arg21 : memref<!tpu.dma_semaphore, #tpu.memory_space<semaphore_mem>>) src(%dma_wait3A_149 : memref<1536xf32, #tpu.memory_space<vmem>>) dst(%dma_wait3A_147 : memref<1536xf32, #tpu.memory_space<vmem_shared>>)
    %mul3A_150 = arith.constant 6256 : i32
    %mul3A_151 = arith.muli %arg1, %mul3A_150 : i32
    %add3A_152 = arith.constant 0 : i32
    %add3A_153 = arith.addi %mul3A_151, %add3A_152 : i32
    %dma_wait3A_154 = arith.constant 0 : i32
    %dma_wait3A_155 = tpu.memref_slice %arg10[%dma_wait3A_154] : memref<1536xf32, #tpu.memory_space<vmem>> -> memref<1536xf32, #tpu.memory_space<vmem>>
    %dma_wait3A_156 = tpu.memref_slice %arg18[%add3A_153] : memref<100096xf32, #tpu.memory_space<vmem_shared>> -> memref<1536xf32, #tpu.memory_space<vmem_shared>>
    %dma_wait3A_157 = tpu.memref_slice %arg18[%add3A_153] : memref<100096xf32, #tpu.memory_space<vmem_shared>> -> memref<1536xf32, #tpu.memory_space<vmem_shared>>
    %dma_wait3A_158 = arith.constant 0 : i32
    %dma_wait3A_159 = tpu.memref_slice %arg10[%dma_wait3A_158] : memref<1536xf32, #tpu.memory_space<vmem>> -> memref<1536xf32, #tpu.memory_space<vmem>>
    tpu.wait_dma2 semaphore(%arg21 : memref<!tpu.dma_semaphore, #tpu.memory_space<semaphore_mem>>) src(%dma_wait3A_159 : memref<1536xf32, #tpu.memory_space<vmem>>) dst(%dma_wait3A_157 : memref<1536xf32, #tpu.memory_space<vmem_shared>>)
    %mul3A_160 = arith.constant 6256 : i32
    %mul3A_161 = arith.muli %arg1, %mul3A_160 : i32
    %add3A_162 = arith.constant 1536 : i32
    %add3A_163 = arith.addi %mul3A_161, %add3A_162 : i32
    %dma_wait3A_164 = arith.constant 0 : i32
    %dma_wait3A_165 = tpu.memref_slice %arg10[%dma_wait3A_164] : memref<1536xf32, #tpu.memory_space<vmem>> -> memref<1536xf32, #tpu.memory_space<vmem>>
    %dma_wait3A_166 = tpu.memref_slice %arg17[%add3A_163] : memref<100096xf32, #tpu.memory_space<vmem_shared>> -> memref<1536xf32, #tpu.memory_space<vmem_shared>>
    %dma_wait3A_167 = tpu.memref_slice %arg17[%add3A_163] : memref<100096xf32, #tpu.memory_space<vmem_shared>> -> memref<1536xf32, #tpu.memory_space<vmem_shared>>
    %dma_wait3A_168 = arith.constant 0 : i32
    %dma_wait3A_169 = tpu.memref_slice %arg10[%dma_wait3A_168] : memref<1536xf32, #tpu.memory_space<vmem>> -> memref<1536xf32, #tpu.memory_space<vmem>>
    tpu.wait_dma2 semaphore(%arg21 : memref<!tpu.dma_semaphore, #tpu.memory_space<semaphore_mem>>) src(%dma_wait3A_169 : memref<1536xf32, #tpu.memory_space<vmem>>) dst(%dma_wait3A_167 : memref<1536xf32, #tpu.memory_space<vmem_shared>>)
    %mul3A_170 = arith.constant 6256 : i32
    %mul3A_171 = arith.muli %arg1, %mul3A_170 : i32
    %add3A_172 = arith.constant 1536 : i32
    %add3A_173 = arith.addi %mul3A_171, %add3A_172 : i32
    %dma_wait3A_174 = arith.constant 0 : i32
    %dma_wait3A_175 = tpu.memref_slice %arg10[%dma_wait3A_174] : memref<1536xf32, #tpu.memory_space<vmem>> -> memref<1536xf32, #tpu.memory_space<vmem>>
    %dma_wait3A_176 = tpu.memref_slice %arg18[%add3A_173] : memref<100096xf32, #tpu.memory_space<vmem_shared>> -> memref<1536xf32, #tpu.memory_space<vmem_shared>>
    %dma_wait3A_177 = tpu.memref_slice %arg18[%add3A_173] : memref<100096xf32, #tpu.memory_space<vmem_shared>> -> memref<1536xf32, #tpu.memory_space<vmem_shared>>
    %dma_wait3A_178 = arith.constant 0 : i32
    %dma_wait3A_179 = tpu.memref_slice %arg10[%dma_wait3A_178] : memref<1536xf32, #tpu.memory_space<vmem>> -> memref<1536xf32, #tpu.memory_space<vmem>>
    tpu.wait_dma2 semaphore(%arg21 : memref<!tpu.dma_semaphore, #tpu.memory_space<semaphore_mem>>) src(%dma_wait3A_179 : memref<1536xf32, #tpu.memory_space<vmem>>) dst(%dma_wait3A_177 : memref<1536xf32, #tpu.memory_space<vmem_shared>>)
    %mul3A_180 = arith.constant 6256 : i32
    %mul3A_181 = arith.muli %arg1, %mul3A_180 : i32
    %add3A_182 = arith.constant 3072 : i32
    %add3A_183 = arith.addi %mul3A_181, %add3A_182 : i32
    %dma_wait3A_184 = arith.constant 0 : i32
    %dma_wait3A_185 = tpu.memref_slice %arg10[%dma_wait3A_184] : memref<1536xf32, #tpu.memory_space<vmem>> -> memref<1536xf32, #tpu.memory_space<vmem>>
    %dma_wait3A_186 = tpu.memref_slice %arg17[%add3A_183] : memref<100096xf32, #tpu.memory_space<vmem_shared>> -> memref<1536xf32, #tpu.memory_space<vmem_shared>>
    %dma_wait3A_187 = tpu.memref_slice %arg17[%add3A_183] : memref<100096xf32, #tpu.memory_space<vmem_shared>> -> memref<1536xf32, #tpu.memory_space<vmem_shared>>
    %dma_wait3A_188 = arith.constant 0 : i32
    %dma_wait3A_189 = tpu.memref_slice %arg10[%dma_wait3A_188] : memref<1536xf32, #tpu.memory_space<vmem>> -> memref<1536xf32, #tpu.memory_space<vmem>>
    tpu.wait_dma2 semaphore(%arg21 : memref<!tpu.dma_semaphore, #tpu.memory_space<semaphore_mem>>) src(%dma_wait3A_189 : memref<1536xf32, #tpu.memory_space<vmem>>) dst(%dma_wait3A_187 : memref<1536xf32, #tpu.memory_space<vmem_shared>>)
    %mul3A_190 = arith.constant 6256 : i32
    %mul3A_191 = arith.muli %arg1, %mul3A_190 : i32
    %add3A_192 = arith.constant 3072 : i32
    %add3A_193 = arith.addi %mul3A_191, %add3A_192 : i32
    %dma_wait3A_194 = arith.constant 0 : i32
    %dma_wait3A_195 = tpu.memref_slice %arg10[%dma_wait3A_194] : memref<1536xf32, #tpu.memory_space<vmem>> -> memref<1536xf32, #tpu.memory_space<vmem>>
    %dma_wait3A_196 = tpu.memref_slice %arg18[%add3A_193] : memref<100096xf32, #tpu.memory_space<vmem_shared>> -> memref<1536xf32, #tpu.memory_space<vmem_shared>>
    %dma_wait3A_197 = tpu.memref_slice %arg18[%add3A_193] : memref<100096xf32, #tpu.memory_space<vmem_shared>> -> memref<1536xf32, #tpu.memory_space<vmem_shared>>
    %dma_wait3A_198 = arith.constant 0 : i32
    %dma_wait3A_199 = tpu.memref_slice %arg10[%dma_wait3A_198] : memref<1536xf32, #tpu.memory_space<vmem>> -> memref<1536xf32, #tpu.memory_space<vmem>>
    tpu.wait_dma2 semaphore(%arg21 : memref<!tpu.dma_semaphore, #tpu.memory_space<semaphore_mem>>) src(%dma_wait3A_199 : memref<1536xf32, #tpu.memory_space<vmem>>) dst(%dma_wait3A_197 : memref<1536xf32, #tpu.memory_space<vmem_shared>>)
    %mul3A_200 = arith.constant 6256 : i32
    %mul3A_201 = arith.muli %arg1, %mul3A_200 : i32
    %add3A_202 = arith.constant 4608 : i32
    %add3A_203 = arith.addi %mul3A_201, %add3A_202 : i32
    %dma_wait3A_204 = arith.constant 0 : i32
    %dma_wait3A_205 = tpu.memref_slice %arg10[%dma_wait3A_204] : memref<1536xf32, #tpu.memory_space<vmem>> -> memref<1536xf32, #tpu.memory_space<vmem>>
    %dma_wait3A_206 = tpu.memref_slice %arg17[%add3A_203] : memref<100096xf32, #tpu.memory_space<vmem_shared>> -> memref<1536xf32, #tpu.memory_space<vmem_shared>>
    %dma_wait3A_207 = tpu.memref_slice %arg17[%add3A_203] : memref<100096xf32, #tpu.memory_space<vmem_shared>> -> memref<1536xf32, #tpu.memory_space<vmem_shared>>
    %dma_wait3A_208 = arith.constant 0 : i32
    %dma_wait3A_209 = tpu.memref_slice %arg10[%dma_wait3A_208] : memref<1536xf32, #tpu.memory_space<vmem>> -> memref<1536xf32, #tpu.memory_space<vmem>>
    tpu.wait_dma2 semaphore(%arg21 : memref<!tpu.dma_semaphore, #tpu.memory_space<semaphore_mem>>) src(%dma_wait3A_209 : memref<1536xf32, #tpu.memory_space<vmem>>) dst(%dma_wait3A_207 : memref<1536xf32, #tpu.memory_space<vmem_shared>>)
    %mul3A_210 = arith.constant 6256 : i32
    %mul3A_211 = arith.muli %arg1, %mul3A_210 : i32
    %add3A_212 = arith.constant 4608 : i32
    %add3A_213 = arith.addi %mul3A_211, %add3A_212 : i32
    %dma_wait3A_214 = arith.constant 0 : i32
    %dma_wait3A_215 = tpu.memref_slice %arg10[%dma_wait3A_214] : memref<1536xf32, #tpu.memory_space<vmem>> -> memref<1536xf32, #tpu.memory_space<vmem>>
    %dma_wait3A_216 = tpu.memref_slice %arg18[%add3A_213] : memref<100096xf32, #tpu.memory_space<vmem_shared>> -> memref<1536xf32, #tpu.memory_space<vmem_shared>>
    %dma_wait3A_217 = tpu.memref_slice %arg18[%add3A_213] : memref<100096xf32, #tpu.memory_space<vmem_shared>> -> memref<1536xf32, #tpu.memory_space<vmem_shared>>
    %dma_wait3A_218 = arith.constant 0 : i32
    %dma_wait3A_219 = tpu.memref_slice %arg10[%dma_wait3A_218] : memref<1536xf32, #tpu.memory_space<vmem>> -> memref<1536xf32, #tpu.memory_space<vmem>>
    tpu.wait_dma2 semaphore(%arg21 : memref<!tpu.dma_semaphore, #tpu.memory_space<semaphore_mem>>) src(%dma_wait3A_219 : memref<1536xf32, #tpu.memory_space<vmem>>) dst(%dma_wait3A_217 : memref<1536xf32, #tpu.memory_space<vmem_shared>>)
    %mul3A_220 = arith.constant 6256 : i32
    %mul3A_221 = arith.muli %arg1, %mul3A_220 : i32
    %add3A_222 = arith.constant 6144 : i32
    %add3A_223 = arith.addi %mul3A_221, %add3A_222 : i32
    %dma_wait3A_224 = arith.constant 0 : i32
    %dma_wait3A_225 = tpu.memref_slice %arg10[%dma_wait3A_224] : memref<1536xf32, #tpu.memory_space<vmem>> -> memref<112xf32, #tpu.memory_space<vmem>>
    %dma_wait3A_226 = tpu.memref_slice %arg17[%add3A_223] : memref<100096xf32, #tpu.memory_space<vmem_shared>> -> memref<112xf32, #tpu.memory_space<vmem_shared>>
    %dma_wait3A_227 = tpu.memref_slice %arg17[%add3A_223] : memref<100096xf32, #tpu.memory_space<vmem_shared>> -> memref<112xf32, #tpu.memory_space<vmem_shared>>
    %dma_wait3A_228 = arith.constant 0 : i32
    %dma_wait3A_229 = tpu.memref_slice %arg10[%dma_wait3A_228] : memref<1536xf32, #tpu.memory_space<vmem>> -> memref<112xf32, #tpu.memory_space<vmem>>
    tpu.wait_dma2 semaphore(%arg21 : memref<!tpu.dma_semaphore, #tpu.memory_space<semaphore_mem>>) src(%dma_wait3A_229 : memref<112xf32, #tpu.memory_space<vmem>>) dst(%dma_wait3A_227 : memref<112xf32, #tpu.memory_space<vmem_shared>>)
    %mul3A_230 = arith.constant 6256 : i32
    %mul3A_231 = arith.muli %arg1, %mul3A_230 : i32
    %add3A_232 = arith.constant 6144 : i32
    %add3A_233 = arith.addi %mul3A_231, %add3A_232 : i32
    %dma_wait3A_234 = arith.constant 0 : i32
    %dma_wait3A_235 = tpu.memref_slice %arg10[%dma_wait3A_234] : memref<1536xf32, #tpu.memory_space<vmem>> -> memref<112xf32, #tpu.memory_space<vmem>>
    %dma_wait3A_236 = tpu.memref_slice %arg18[%add3A_233] : memref<100096xf32, #tpu.memory_space<vmem_shared>> -> memref<112xf32, #tpu.memory_space<vmem_shared>>
    %dma_wait3A_237 = tpu.memref_slice %arg18[%add3A_233] : memref<100096xf32, #tpu.memory_space<vmem_shared>> -> memref<112xf32, #tpu.memory_space<vmem_shared>>
    %dma_wait3A_238 = arith.constant 0 : i32
    %dma_wait3A_239 = tpu.memref_slice %arg10[%dma_wait3A_238] : memref<1536xf32, #tpu.memory_space<vmem>> -> memref<112xf32, #tpu.memory_space<vmem>>
    tpu.wait_dma2 semaphore(%arg21 : memref<!tpu.dma_semaphore, #tpu.memory_space<semaphore_mem>>) src(%dma_wait3A_239 : memref<112xf32, #tpu.memory_space<vmem>>) dst(%dma_wait3A_237 : memref<112xf32, #tpu.memory_space<vmem_shared>>)
    %barrier3A = arith.constant 0 : index
    tpu.barrier barrier_id(%barrier3A)
    tpu.wait_dma2 semaphore(%arg19 : memref<!tpu.dma_semaphore, #tpu.memory_space<semaphore_mem>>) src(%arg2 : memref<100000xf32, #tpu.memory_space<hbm>>) dst(%arg6 : memref<100000xf32, #tpu.memory_space<vmem>>)
    %add3A_240 = arith.constant 0 : i32
    %add3A_241 = arith.addi %add3A_4, %add3A_240 : i32
    %min3A_242 = arith.minsi %add3A_241, %sub3A_10 : i32
    %dma_wait3A_243 = arith.constant 0 : i32
    %dma_wait3A_244 = arith.constant 0 : i32
    %dma_wait3A_245 = tpu.memref_slice %arg3[%min3A_242, %dma_wait3A_243, %dma_wait3A_244] : memref<25000x2x128xi32, #tpu.memory_space<hbm>> -> memref<12x2x128xi32, #tpu.memory_space<hbm>>
    %dma_wait3A_246 = arith.constant 0 : i32
    %dma_wait3A_247 = arith.constant 0 : i32
    %dma_wait3A_248 = tpu.memref_slice %arg3[%min3A_242, %dma_wait3A_246, %dma_wait3A_247] : memref<25000x2x128xi32, #tpu.memory_space<hbm>> -> memref<12x2x128xi32, #tpu.memory_space<hbm>>
    tpu.wait_dma2 semaphore(%arg19 : memref<!tpu.dma_semaphore, #tpu.memory_space<semaphore_mem>>) src(%dma_wait3A_248 : memref<12x2x128xi32, #tpu.memory_space<hbm>>) dst(%arg7 : memref<12x2x128xi32, #tpu.memory_space<vmem>>)
    %mul3A_249 = arith.constant 128 : i32
    %mul3A_250 = arith.muli %min3A_242, %mul3A_249 : i32
    %dma_wait3A_251 = tpu.memref_slice %arg4[%mul3A_250] : memref<3200000xf32, #tpu.memory_space<hbm>> -> memref<1536xf32, #tpu.memory_space<hbm>>
    %dma_wait3A_252 = tpu.memref_slice %arg4[%mul3A_250] : memref<3200000xf32, #tpu.memory_space<hbm>> -> memref<1536xf32, #tpu.memory_space<hbm>>
    tpu.wait_dma2 semaphore(%arg19 : memref<!tpu.dma_semaphore, #tpu.memory_space<semaphore_mem>>) src(%dma_wait3A_252 : memref<1536xf32, #tpu.memory_space<hbm>>) dst(%arg8 : memref<1536xf32, #tpu.memory_space<vmem>>)
    %add3A_253 = arith.constant 0 : i32
    %add3A_254 = arith.addi %add3A_4, %add3A_253 : i32
    %min3A_255 = arith.minsi %add3A_254, %sub3A_10 : i32
    %add3A_256 = arith.constant 0 : i32
    %add3A_257 = arith.addi %add3A_4, %add3A_256 : i32
    %parallel_loop3A = arith.constant 0 : i32
    %parallel_loop3A_258 = arith.constant 1536 : i32
    %parallel_loop3A_259 = arith.constant 16 : i32
    scf.for %parallel_loop3A_711 = %parallel_loop3A to %parallel_loop3A_258 step %parallel_loop3A_259  : i32 {
      %parallel_loop3A_712 = arith.constant 128 : i32
      %parallel_loop3A_713 = arith.divsi %parallel_loop3A_711, %parallel_loop3A_712 : i32
      %parallel_loop3A_714 = arith.constant 0 : i32
      %parallel_loop3A_715 = arith.cmpi sgt, %parallel_loop3A_711, %parallel_loop3A_714 : i32
      %parallel_loop3A_716 = arith.extui %parallel_loop3A_715 : i1 to i32
      %parallel_loop3A_717 = arith.constant 0 : i32
      %parallel_loop3A_718 = arith.cmpi slt, %parallel_loop3A_711, %parallel_loop3A_717 : i32
      %parallel_loop3A_719 = arith.extui %parallel_loop3A_718 : i1 to i32
      %parallel_loop3A_720 = arith.subi %parallel_loop3A_716, %parallel_loop3A_719 : i32
      %parallel_loop3A_721 = arith.constant 0 : i32
      %parallel_loop3A_722 = arith.cmpi sgt, %parallel_loop3A_712, %parallel_loop3A_721 : i32
      %parallel_loop3A_723 = arith.extui %parallel_loop3A_722 : i1 to i32
      %parallel_loop3A_724 = arith.constant 0 : i32
      %parallel_loop3A_725 = arith.cmpi slt, %parallel_loop3A_712, %parallel_loop3A_724 : i32
      %parallel_loop3A_726 = arith.extui %parallel_loop3A_725 : i1 to i32
      %parallel_loop3A_727 = arith.subi %parallel_loop3A_723, %parallel_loop3A_726 : i32
      %parallel_loop3A_728 = arith.cmpi ne, %parallel_loop3A_720, %parallel_loop3A_727 : i32
      %parallel_loop3A_729 = arith.remsi %parallel_loop3A_711, %parallel_loop3A_712 : i32
      %parallel_loop3A_730 = arith.constant 0 : i32
      %parallel_loop3A_731 = arith.cmpi ne, %parallel_loop3A_729, %parallel_loop3A_730 : i32
      %parallel_loop3A_732 = arith.andi %parallel_loop3A_728, %parallel_loop3A_731 : i1
      %parallel_loop3A_733 = arith.constant 1 : i32
      %parallel_loop3A_734 = arith.subi %parallel_loop3A_713, %parallel_loop3A_733 : i32
      %parallel_loop3A_735 = arith.select %parallel_loop3A_732, %parallel_loop3A_734, %parallel_loop3A_713 : i32
      %parallel_loop3A_736 = arith.constant 128 : i32
      %parallel_loop3A_737 = arith.muli %parallel_loop3A_735, %parallel_loop3A_736 : i32
      %parallel_loop3A_738 = arith.subi %parallel_loop3A_711, %parallel_loop3A_737 : i32
      %parallel_loop3A_739 = arith.constant 0 : i32
      %parallel_loop3A_740 = arith.index_cast %parallel_loop3A_735 : i32 to index
      %parallel_loop3A_741 = arith.index_cast %parallel_loop3A_739 : i32 to index
      %parallel_loop3A_742 = arith.index_cast %parallel_loop3A_738 : i32 to index
      %parallel_loop3A_743 = tpu.vector_load %arg7[%parallel_loop3A_740, %parallel_loop3A_741, %parallel_loop3A_742] {strides = array<i32>} : memref<12x2x128xi32, #tpu.memory_space<vmem>>, vector<16xi32>,
      %parallel_loop3A_744 = arith.constant 1 : i32
      %parallel_loop3A_745 = arith.index_cast %parallel_loop3A_735 : i32 to index
      %parallel_loop3A_746 = arith.index_cast %parallel_loop3A_744 : i32 to index
      %parallel_loop3A_747 = arith.index_cast %parallel_loop3A_738 : i32 to index
      %parallel_loop3A_748 = tpu.vector_load %arg7[%parallel_loop3A_745, %parallel_loop3A_746, %parallel_loop3A_747] {strides = array<i32>} : memref<12x2x128xi32, #tpu.memory_space<vmem>>, vector<16xi32>,
      %parallel_loop3A_749 = tpu.vector_load_idx %arg6[%parallel_loop3A_743] : memref<100000xf32, #tpu.memory_space<vmem>>[vector<16xi32>], vector<16xf32>,
      %parallel_loop3A_750 = tpu.vector_load_idx %arg6[%parallel_loop3A_748] : memref<100000xf32, #tpu.memory_space<vmem>>[vector<16xi32>], vector<16xf32>,
      %parallel_loop3A_751 = arith.index_cast %parallel_loop3A_711 : i32 to index
      %parallel_loop3A_752 = tpu.vector_load %arg8[%parallel_loop3A_751] {strides = array<i32>} : memref<1536xf32, #tpu.memory_space<vmem>>, vector<16xf32>,
      %parallel_loop3A_753 = arith.addi %min3A_255, %parallel_loop3A_735 : i32
      %parallel_loop3A_754 = arith.cmpi sge, %parallel_loop3A_753, %add3A_257 : i32
      %parallel_loop3A_755 = arith.constant 0.948413908 : f32
      %parallel_loop3A_756 = vector.broadcast %parallel_loop3A_755 : f32 to vector<16xf32>
      %parallel_loop3A_757 = arith.divf %parallel_loop3A_749, %parallel_loop3A_756 : vector<16xf32>
      %parallel_loop3A_758 = arith.constant 0.212321401 : f32
      %parallel_loop3A_759 = vector.broadcast %parallel_loop3A_758 : f32 to vector<16xf32>
      %parallel_loop3A_760 = arith.subf %parallel_loop3A_750, %parallel_loop3A_759 : vector<16xf32>
      %parallel_loop3A_761 = arith.subf %parallel_loop3A_757, %parallel_loop3A_760 : vector<16xf32>
      %parallel_loop3A_762 = arith.constant -1.32484317 : f32
      %parallel_loop3A_763 = vector.broadcast %parallel_loop3A_762 : f32 to vector<16xf32>
      %parallel_loop3A_764 = arith.mulf %parallel_loop3A_761, %parallel_loop3A_763 : vector<16xf32>
      %parallel_loop3A_765 = math.absf %parallel_loop3A_764 : vector<16xf32>
      %parallel_loop3A_766 = arith.constant 1.73484612 : f32
      %parallel_loop3A_767 = vector.broadcast %parallel_loop3A_766 : f32 to vector<16xf32>
      %parallel_loop3A_768 = arith.subf %parallel_loop3A_752, %parallel_loop3A_767 : vector<16xf32>
      %parallel_loop3A_769 = arith.addf %parallel_loop3A_768, %parallel_loop3A_750 : vector<16xf32>
      %parallel_loop3A_770 = arith.constant -0.120847188 : f32
      %parallel_loop3A_771 = vector.broadcast %parallel_loop3A_770 : f32 to vector<16xf32>
      %parallel_loop3A_772 = arith.mulf %parallel_loop3A_769, %parallel_loop3A_771 : vector<16xf32>
      %parallel_loop3A_773 = arith.addf %parallel_loop3A_765, %parallel_loop3A_772 : vector<16xf32>
      %parallel_loop3A_774 = arith.constant 1.05843616 : f32
      %parallel_loop3A_775 = vector.broadcast %parallel_loop3A_774 : f32 to vector<16xf32>
      %parallel_loop3A_776 = arith.mulf %parallel_loop3A_750, %parallel_loop3A_775 : vector<16xf32>
      %parallel_loop3A_777 = arith.subf %parallel_loop3A_749, %parallel_loop3A_776 : vector<16xf32>
      %parallel_loop3A_778 = arith.constant 1.53442109 : f32
      %parallel_loop3A_779 = vector.broadcast %parallel_loop3A_778 : f32 to vector<16xf32>
      %parallel_loop3A_780 = arith.mulf %parallel_loop3A_777, %parallel_loop3A_779 : vector<16xf32>
      %parallel_loop3A_781 = arith.constant 0.453681082 : f32
      %parallel_loop3A_782 = vector.broadcast %parallel_loop3A_781 : f32 to vector<16xf32>
      %parallel_loop3A_783 = arith.addf %parallel_loop3A_780, %parallel_loop3A_782 : vector<16xf32>
      %parallel_loop3A_784 = math.absf %parallel_loop3A_783 : vector<16xf32>
      %parallel_loop3A_785 = arith.constant 1.02395821 : f32
      %parallel_loop3A_786 = vector.broadcast %parallel_loop3A_785 : f32 to vector<16xf32>
      %parallel_loop3A_787 = arith.mulf %parallel_loop3A_750, %parallel_loop3A_786 : vector<16xf32>
      %parallel_loop3A_788 = arith.subf %parallel_loop3A_749, %parallel_loop3A_787 : vector<16xf32>
      %parallel_loop3A_789 = arith.constant 1.93171203 : f32
      %parallel_loop3A_790 = vector.broadcast %parallel_loop3A_789 : f32 to vector<16xf32>
      %parallel_loop3A_791 = arith.mulf %parallel_loop3A_788, %parallel_loop3A_790 : vector<16xf32>
      %parallel_loop3A_792 = arith.addf %parallel_loop3A_784, %parallel_loop3A_791 : vector<16xf32>
      %parallel_loop3A_793 = arith.constant 5.468920e-01 : f32
      %parallel_loop3A_794 = vector.broadcast %parallel_loop3A_793 : f32 to vector<16xf32>
      %parallel_loop3A_795 = arith.addf %parallel_loop3A_792, %parallel_loop3A_794 : vector<16xf32>
      %parallel_loop3A_796 = arith.index_cast %parallel_loop3A_711 : i32 to index
      %parallel_loop3A_797 = tpu.vector_load %arg9[%parallel_loop3A_796] {strides = array<i32>} : memref<1536xi32, #tpu.memory_space<vmem>>, vector<16xi32>,
      tpu.vector_store %arg9[%parallel_loop3A_796], %parallel_loop3A_748 {strides = array<i32>} : memref<1536xi32, #tpu.memory_space<vmem>>, vector<16xi32>,
      %parallel_loop3A_798 = arith.constant 0.000000e+00 : f32
      %parallel_loop3A_799 = vector.broadcast %parallel_loop3A_798 : f32 to vector<16xf32>
      %parallel_loop3A_800 = arith.select %parallel_loop3A_754, %parallel_loop3A_773, %parallel_loop3A_799 : vector<16xf32>
      %parallel_loop3A_801 = arith.index_cast %parallel_loop3A_711 : i32 to index
      %parallel_loop3A_802 = tpu.vector_load %arg10[%parallel_loop3A_801] {strides = array<i32>} : memref<1536xf32, #tpu.memory_space<vmem>>, vector<16xf32>,
      tpu.vector_store %arg10[%parallel_loop3A_801], %parallel_loop3A_800 {strides = array<i32>} : memref<1536xf32, #tpu.memory_space<vmem>>, vector<16xf32>,
      %parallel_loop3A_803 = arith.constant 0.000000e+00 : f32
      %parallel_loop3A_804 = vector.broadcast %parallel_loop3A_803 : f32 to vector<16xf32>
      %parallel_loop3A_805 = arith.select %parallel_loop3A_754, %parallel_loop3A_795, %parallel_loop3A_804 : vector<16xf32>
      %parallel_loop3A_806 = arith.index_cast %parallel_loop3A_711 : i32 to index
      %parallel_loop3A_807 = tpu.vector_load %arg11[%parallel_loop3A_806] {strides = array<i32>} : memref<1536xf32, #tpu.memory_space<vmem>>, vector<16xf32>,
      tpu.vector_store %arg11[%parallel_loop3A_806], %parallel_loop3A_805 {strides = array<i32>} : memref<1536xf32, #tpu.memory_space<vmem>>, vector<16xf32>,
    } {sc.loop_unroll_factor = 1 : i64, sc.parallel_access}
    %dma_start3A_260 = arith.constant 0 : i32
    %dma_start3A_261 = tpu.memref_slice %arg17[%dma_start3A_260] : memref<100096xf32, #tpu.memory_space<vmem_shared>> -> memref<100096xf32, #tpu.memory_space<vmem_shared>>
    tpu.enqueue_indirect_dma source(%arg10 : memref<1536xf32, #tpu.memory_space<vmem>>) target(%dma_start3A_261 : memref<100096xf32, #tpu.memory_space<vmem_shared>>) offsets(%arg9 : memref<1536xi32, #tpu.memory_space<vmem>>) semaphore(%arg21 : memref<!tpu.dma_semaphore, #tpu.memory_space<semaphore_mem>>) {add = true}
    %dma_start3A_262 = arith.constant 0 : i32
    %dma_start3A_263 = tpu.memref_slice %arg18[%dma_start3A_262] : memref<100096xf32, #tpu.memory_space<vmem_shared>> -> memref<100096xf32, #tpu.memory_space<vmem_shared>>
    tpu.enqueue_indirect_dma source(%arg11 : memref<1536xf32, #tpu.memory_space<vmem>>) target(%dma_start3A_263 : memref<100096xf32, #tpu.memory_space<vmem_shared>>) offsets(%arg9 : memref<1536xi32, #tpu.memory_space<vmem>>) semaphore(%arg21 : memref<!tpu.dma_semaphore, #tpu.memory_space<semaphore_mem>>) {add = true}
    %scan3A_264 = arith.constant 0 : i32
    %scan3A_265 = arith.constant 0 : i32
    %scan3A_266 = arith.constant 32 : i32
    %scan3A_267 = arith.addi %scan3A_265, %scan3A_266 : i32
    %scan3A_268 = arith.constant 1 : i32
    scf.for %scan3A_711 = %scan3A_265 to %scan3A_267 step %scan3A_268  : i32 {
      %mul3A_712 = arith.constant 2 : i32
      %mul3A_713 = arith.muli %mul3A_712, %scan3A_711 : i32
      %add3A_714 = arith.constant 1 : i32
      %add3A_715 = arith.addi %add3A_714, %mul3A_713 : i32
      %mul3A_716 = arith.constant 12 : i32
      %mul3A_717 = arith.muli %add3A_715, %mul3A_716 : i32
      %add3A_718 = arith.addi %add3A_4, %mul3A_717 : i32
      %min3A_719 = arith.minsi %add3A_718, %sub3A_10 : i32
      %dma_wait3A_720 = arith.constant 0 : i32
      %dma_wait3A_721 = arith.constant 0 : i32
      %dma_wait3A_722 = tpu.memref_slice %arg3[%min3A_719, %dma_wait3A_720, %dma_wait3A_721] : memref<25000x2x128xi32, #tpu.memory_space<hbm>> -> memref<12x2x128xi32, #tpu.memory_space<hbm>>
      %dma_wait3A_723 = arith.constant 0 : i32
      %dma_wait3A_724 = arith.constant 0 : i32
      %dma_wait3A_725 = tpu.memref_slice %arg3[%min3A_719, %dma_wait3A_723, %dma_wait3A_724] : memref<25000x2x128xi32, #tpu.memory_space<hbm>> -> memref<12x2x128xi32, #tpu.memory_space<hbm>>
      tpu.wait_dma2 semaphore(%arg20 : memref<!tpu.dma_semaphore, #tpu.memory_space<semaphore_mem>>) src(%dma_wait3A_725 : memref<12x2x128xi32, #tpu.memory_space<hbm>>) dst(%arg12 : memref<12x2x128xi32, #tpu.memory_space<vmem>>)
      %mul3A_726 = arith.constant 128 : i32
      %mul3A_727 = arith.muli %min3A_719, %mul3A_726 : i32
      %dma_wait3A_728 = tpu.memref_slice %arg4[%mul3A_727] : memref<3200000xf32, #tpu.memory_space<hbm>> -> memref<1536xf32, #tpu.memory_space<hbm>>
      %dma_wait3A_729 = tpu.memref_slice %arg4[%mul3A_727] : memref<3200000xf32, #tpu.memory_space<hbm>> -> memref<1536xf32, #tpu.memory_space<hbm>>
      tpu.wait_dma2 semaphore(%arg20 : memref<!tpu.dma_semaphore, #tpu.memory_space<semaphore_mem>>) src(%dma_wait3A_729 : memref<1536xf32, #tpu.memory_space<hbm>>) dst(%arg13 : memref<1536xf32, #tpu.memory_space<vmem>>)
      %mul3A_730 = arith.constant 12 : i32
      %mul3A_731 = arith.muli %add3A_715, %mul3A_730 : i32
      %add3A_732 = arith.addi %add3A_4, %mul3A_731 : i32
      %min3A_733 = arith.minsi %add3A_732, %sub3A_10 : i32
      %mul3A_734 = arith.constant 12 : i32
      %mul3A_735 = arith.muli %add3A_715, %mul3A_734 : i32
      %add3A_736 = arith.addi %add3A_4, %mul3A_735 : i32
      %parallel_loop3A_737 = arith.constant 0 : i32
      %parallel_loop3A_738 = arith.constant 1536 : i32
      %parallel_loop3A_739 = arith.constant 16 : i32
      scf.for %parallel_loop3A_814 = %parallel_loop3A_737 to %parallel_loop3A_738 step %parallel_loop3A_739  : i32 {
        %parallel_loop3A_815 = arith.constant 128 : i32
        %parallel_loop3A_816 = arith.divsi %parallel_loop3A_814, %parallel_loop3A_815 : i32
        %parallel_loop3A_817 = arith.constant 0 : i32
        %parallel_loop3A_818 = arith.cmpi sgt, %parallel_loop3A_814, %parallel_loop3A_817 : i32
        %parallel_loop3A_819 = arith.extui %parallel_loop3A_818 : i1 to i32
        %parallel_loop3A_820 = arith.constant 0 : i32
        %parallel_loop3A_821 = arith.cmpi slt, %parallel_loop3A_814, %parallel_loop3A_820 : i32
        %parallel_loop3A_822 = arith.extui %parallel_loop3A_821 : i1 to i32
        %parallel_loop3A_823 = arith.subi %parallel_loop3A_819, %parallel_loop3A_822 : i32
        %parallel_loop3A_824 = arith.constant 0 : i32
        %parallel_loop3A_825 = arith.cmpi sgt, %parallel_loop3A_815, %parallel_loop3A_824 : i32
        %parallel_loop3A_826 = arith.extui %parallel_loop3A_825 : i1 to i32
        %parallel_loop3A_827 = arith.constant 0 : i32
        %parallel_loop3A_828 = arith.cmpi slt, %parallel_loop3A_815, %parallel_loop3A_827 : i32
        %parallel_loop3A_829 = arith.extui %parallel_loop3A_828 : i1 to i32
        %parallel_loop3A_830 = arith.subi %parallel_loop3A_826, %parallel_loop3A_829 : i32
        %parallel_loop3A_831 = arith.cmpi ne, %parallel_loop3A_823, %parallel_loop3A_830 : i32
        %parallel_loop3A_832 = arith.remsi %parallel_loop3A_814, %parallel_loop3A_815 : i32
        %parallel_loop3A_833 = arith.constant 0 : i32
        %parallel_loop3A_834 = arith.cmpi ne, %parallel_loop3A_832, %parallel_loop3A_833 : i32
        %parallel_loop3A_835 = arith.andi %parallel_loop3A_831, %parallel_loop3A_834 : i1
        %parallel_loop3A_836 = arith.constant 1 : i32
        %parallel_loop3A_837 = arith.subi %parallel_loop3A_816, %parallel_loop3A_836 : i32
        %parallel_loop3A_838 = arith.select %parallel_loop3A_835, %parallel_loop3A_837, %parallel_loop3A_816 : i32
        %parallel_loop3A_839 = arith.constant 128 : i32
        %parallel_loop3A_840 = arith.muli %parallel_loop3A_838, %parallel_loop3A_839 : i32
        %parallel_loop3A_841 = arith.subi %parallel_loop3A_814, %parallel_loop3A_840 : i32
        %parallel_loop3A_842 = arith.constant 0 : i32
        %parallel_loop3A_843 = arith.index_cast %parallel_loop3A_838 : i32 to index
        %parallel_loop3A_844 = arith.index_cast %parallel_loop3A_842 : i32 to index
        %parallel_loop3A_845 = arith.index_cast %parallel_loop3A_841 : i32 to index
        %parallel_loop3A_846 = tpu.vector_load %arg12[%parallel_loop3A_843, %parallel_loop3A_844, %parallel_loop3A_845] {strides = array<i32>} : memref<12x2x128xi32, #tpu.memory_space<vmem>>, vector<16xi32>,
        %parallel_loop3A_847 = arith.constant 1 : i32
        %parallel_loop3A_848 = arith.index_cast %parallel_loop3A_838 : i32 to index
        %parallel_loop3A_849 = arith.index_cast %parallel_loop3A_847 : i32 to index
        %parallel_loop3A_850 = arith.index_cast %parallel_loop3A_841 : i32 to index
        %parallel_loop3A_851 = tpu.vector_load %arg12[%parallel_loop3A_848, %parallel_loop3A_849, %parallel_loop3A_850] {strides = array<i32>} : memref<12x2x128xi32, #tpu.memory_space<vmem>>, vector<16xi32>,
        %parallel_loop3A_852 = tpu.vector_load_idx %arg6[%parallel_loop3A_846] : memref<100000xf32, #tpu.memory_space<vmem>>[vector<16xi32>], vector<16xf32>,
        %parallel_loop3A_853 = tpu.vector_load_idx %arg6[%parallel_loop3A_851] : memref<100000xf32, #tpu.memory_space<vmem>>[vector<16xi32>], vector<16xf32>,
        %parallel_loop3A_854 = arith.index_cast %parallel_loop3A_814 : i32 to index
        %parallel_loop3A_855 = tpu.vector_load %arg13[%parallel_loop3A_854] {strides = array<i32>} : memref<1536xf32, #tpu.memory_space<vmem>>, vector<16xf32>,
        %parallel_loop3A_856 = arith.addi %min3A_733, %parallel_loop3A_838 : i32
        %parallel_loop3A_857 = arith.cmpi sge, %parallel_loop3A_856, %add3A_736 : i32
        %parallel_loop3A_858 = arith.constant 0.948413908 : f32
        %parallel_loop3A_859 = vector.broadcast %parallel_loop3A_858 : f32 to vector<16xf32>
        %parallel_loop3A_860 = arith.divf %parallel_loop3A_852, %parallel_loop3A_859 : vector<16xf32>
        %parallel_loop3A_861 = arith.constant 0.212321401 : f32
        %parallel_loop3A_862 = vector.broadcast %parallel_loop3A_861 : f32 to vector<16xf32>
        %parallel_loop3A_863 = arith.subf %parallel_loop3A_853, %parallel_loop3A_862 : vector<16xf32>
        %parallel_loop3A_864 = arith.subf %parallel_loop3A_860, %parallel_loop3A_863 : vector<16xf32>
        %parallel_loop3A_865 = arith.constant -1.32484317 : f32
        %parallel_loop3A_866 = vector.broadcast %parallel_loop3A_865 : f32 to vector<16xf32>
        %parallel_loop3A_867 = arith.mulf %parallel_loop3A_864, %parallel_loop3A_866 : vector<16xf32>
        %parallel_loop3A_868 = math.absf %parallel_loop3A_867 : vector<16xf32>
        %parallel_loop3A_869 = arith.constant 1.73484612 : f32
        %parallel_loop3A_870 = vector.broadcast %parallel_loop3A_869 : f32 to vector<16xf32>
        %parallel_loop3A_871 = arith.subf %parallel_loop3A_855, %parallel_loop3A_870 : vector<16xf32>
        %parallel_loop3A_872 = arith.addf %parallel_loop3A_871, %parallel_loop3A_853 : vector<16xf32>
        %parallel_loop3A_873 = arith.constant -0.120847188 : f32
        %parallel_loop3A_874 = vector.broadcast %parallel_loop3A_873 : f32 to vector<16xf32>
        %parallel_loop3A_875 = arith.mulf %parallel_loop3A_872, %parallel_loop3A_874 : vector<16xf32>
        %parallel_loop3A_876 = arith.addf %parallel_loop3A_868, %parallel_loop3A_875 : vector<16xf32>
        %parallel_loop3A_877 = arith.constant 1.05843616 : f32
        %parallel_loop3A_878 = vector.broadcast %parallel_loop3A_877 : f32 to vector<16xf32>
        %parallel_loop3A_879 = arith.mulf %parallel_loop3A_853, %parallel_loop3A_878 : vector<16xf32>
        %parallel_loop3A_880 = arith.subf %parallel_loop3A_852, %parallel_loop3A_879 : vector<16xf32>
        %parallel_loop3A_881 = arith.constant 1.53442109 : f32
        %parallel_loop3A_882 = vector.broadcast %parallel_loop3A_881 : f32 to vector<16xf32>
        %parallel_loop3A_883 = arith.mulf %parallel_loop3A_880, %parallel_loop3A_882 : vector<16xf32>
        %parallel_loop3A_884 = arith.constant 0.453681082 : f32
        %parallel_loop3A_885 = vector.broadcast %parallel_loop3A_884 : f32 to vector<16xf32>
        %parallel_loop3A_886 = arith.addf %parallel_loop3A_883, %parallel_loop3A_885 : vector<16xf32>
        %parallel_loop3A_887 = math.absf %parallel_loop3A_886 : vector<16xf32>
        %parallel_loop3A_888 = arith.constant 1.02395821 : f32
        %parallel_loop3A_889 = vector.broadcast %parallel_loop3A_888 : f32 to vector<16xf32>
        %parallel_loop3A_890 = arith.mulf %parallel_loop3A_853, %parallel_loop3A_889 : vector<16xf32>
        %parallel_loop3A_891 = arith.subf %parallel_loop3A_852, %parallel_loop3A_890 : vector<16xf32>
        %parallel_loop3A_892 = arith.constant 1.93171203 : f32
        %parallel_loop3A_893 = vector.broadcast %parallel_loop3A_892 : f32 to vector<16xf32>
        %parallel_loop3A_894 = arith.mulf %parallel_loop3A_891, %parallel_loop3A_893 : vector<16xf32>
        %parallel_loop3A_895 = arith.addf %parallel_loop3A_887, %parallel_loop3A_894 : vector<16xf32>
        %parallel_loop3A_896 = arith.constant 5.468920e-01 : f32
        %parallel_loop3A_897 = vector.broadcast %parallel_loop3A_896 : f32 to vector<16xf32>
        %parallel_loop3A_898 = arith.addf %parallel_loop3A_895, %parallel_loop3A_897 : vector<16xf32>
        %parallel_loop3A_899 = arith.index_cast %parallel_loop3A_814 : i32 to index
        %parallel_loop3A_900 = tpu.vector_load %arg14[%parallel_loop3A_899] {strides = array<i32>} : memref<1536xi32, #tpu.memory_space<vmem>>, vector<16xi32>,
        tpu.vector_store %arg14[%parallel_loop3A_899], %parallel_loop3A_851 {strides = array<i32>} : memref<1536xi32, #tpu.memory_space<vmem>>, vector<16xi32>,
        %parallel_loop3A_901 = arith.constant 0.000000e+00 : f32
        %parallel_loop3A_902 = vector.broadcast %parallel_loop3A_901 : f32 to vector<16xf32>
        %parallel_loop3A_903 = arith.select %parallel_loop3A_857, %parallel_loop3A_876, %parallel_loop3A_902 : vector<16xf32>
        %parallel_loop3A_904 = arith.index_cast %parallel_loop3A_814 : i32 to index
        %parallel_loop3A_905 = tpu.vector_load %arg15[%parallel_loop3A_904] {strides = array<i32>} : memref<1536xf32, #tpu.memory_space<vmem>>, vector<16xf32>,
        tpu.vector_store %arg15[%parallel_loop3A_904], %parallel_loop3A_903 {strides = array<i32>} : memref<1536xf32, #tpu.memory_space<vmem>>, vector<16xf32>,
        %parallel_loop3A_906 = arith.constant 0.000000e+00 : f32
        %parallel_loop3A_907 = vector.broadcast %parallel_loop3A_906 : f32 to vector<16xf32>
        %parallel_loop3A_908 = arith.select %parallel_loop3A_857, %parallel_loop3A_898, %parallel_loop3A_907 : vector<16xf32>
        %parallel_loop3A_909 = arith.index_cast %parallel_loop3A_814 : i32 to index
        %parallel_loop3A_910 = tpu.vector_load %arg16[%parallel_loop3A_909] {strides = array<i32>} : memref<1536xf32, #tpu.memory_space<vmem>>, vector<16xf32>,
        tpu.vector_store %arg16[%parallel_loop3A_909], %parallel_loop3A_908 {strides = array<i32>} : memref<1536xf32, #tpu.memory_space<vmem>>, vector<16xf32>,
      } {sc.loop_unroll_factor = 1 : i64, sc.parallel_access}
      %dma_wait3A_740 = arith.constant 0 : i32
      %dma_wait3A_741 = tpu.memref_slice %arg17[%dma_wait3A_740] : memref<100096xf32, #tpu.memory_space<vmem_shared>> -> memref<100096xf32, #tpu.memory_space<vmem_shared>>
      tpu.wait_indirect_dma semaphore(%arg21 : memref<!tpu.dma_semaphore, #tpu.memory_space<semaphore_mem>>) src(%arg10 : memref<1536xf32, #tpu.memory_space<vmem>>) dst(%dma_wait3A_741 : memref<100096xf32, #tpu.memory_space<vmem_shared>>)
      %dma_wait3A_742 = arith.constant 0 : i32
      %dma_wait3A_743 = tpu.memref_slice %arg18[%dma_wait3A_742] : memref<100096xf32, #tpu.memory_space<vmem_shared>> -> memref<100096xf32, #tpu.memory_space<vmem_shared>>
      tpu.wait_indirect_dma semaphore(%arg21 : memref<!tpu.dma_semaphore, #tpu.memory_space<semaphore_mem>>) src(%arg11 : memref<1536xf32, #tpu.memory_space<vmem>>) dst(%dma_wait3A_743 : memref<100096xf32, #tpu.memory_space<vmem_shared>>)
      %add3A_744 = arith.constant 1 : i32
      %add3A_745 = arith.addi %add3A_715, %add3A_744 : i32
      %mul3A_746 = arith.constant 12 : i32
      %mul3A_747 = arith.muli %add3A_745, %mul3A_746 : i32
      %add3A_748 = arith.addi %add3A_4, %mul3A_747 : i32
      %min3A_749 = arith.minsi %add3A_748, %sub3A_10 : i32
      %dma_start3A_750 = arith.constant 0 : i32
      %dma_start3A_751 = arith.constant 0 : i32
      %dma_start3A_752 = tpu.memref_slice %arg3[%min3A_749, %dma_start3A_750, %dma_start3A_751] : memref<25000x2x128xi32, #tpu.memory_space<hbm>> -> memref<12x2x128xi32, #tpu.memory_space<hbm>>
      %dma_start3A_753 = arith.constant 0 : i32
      %dma_start3A_754 = arith.constant 0 : i32
      %dma_start3A_755 = tpu.memref_slice %arg3[%min3A_749, %dma_start3A_753, %dma_start3A_754] : memref<25000x2x128xi32, #tpu.memory_space<hbm>> -> memref<12x2x128xi32, #tpu.memory_space<hbm>>
      tpu.enqueue_dma source(%dma_start3A_755 : memref<12x2x128xi32, #tpu.memory_space<hbm>>) target(%arg7 : memref<12x2x128xi32, #tpu.memory_space<vmem>>) target_semaphore(%arg19 : memref<!tpu.dma_semaphore, #tpu.memory_space<semaphore_mem>>)
      %mul3A_756 = arith.constant 128 : i32
      %mul3A_757 = arith.muli %min3A_749, %mul3A_756 : i32
      %dma_start3A_758 = tpu.memref_slice %arg4[%mul3A_757] : memref<3200000xf32, #tpu.memory_space<hbm>> -> memref<1536xf32, #tpu.memory_space<hbm>>
      %dma_start3A_759 = tpu.memref_slice %arg4[%mul3A_757] : memref<3200000xf32, #tpu.memory_space<hbm>> -> memref<1536xf32, #tpu.memory_space<hbm>>
      tpu.enqueue_dma source(%dma_start3A_759 : memref<1536xf32, #tpu.memory_space<hbm>>) target(%arg8 : memref<1536xf32, #tpu.memory_space<vmem>>) target_semaphore(%arg19 : memref<!tpu.dma_semaphore, #tpu.memory_space<semaphore_mem>>)
      %dma_start3A_760 = arith.constant 0 : i32
      %dma_start3A_761 = tpu.memref_slice %arg17[%dma_start3A_760] : memref<100096xf32, #tpu.memory_space<vmem_shared>> -> memref<100096xf32, #tpu.memory_space<vmem_shared>>
      tpu.enqueue_indirect_dma source(%arg15 : memref<1536xf32, #tpu.memory_space<vmem>>) target(%dma_start3A_761 : memref<100096xf32, #tpu.memory_space<vmem_shared>>) offsets(%arg14 : memref<1536xi32, #tpu.memory_space<vmem>>) semaphore(%arg22 : memref<!tpu.dma_semaphore, #tpu.memory_space<semaphore_mem>>) {add = true}
      %dma_start3A_762 = arith.constant 0 : i32
      %dma_start3A_763 = tpu.memref_slice %arg18[%dma_start3A_762] : memref<100096xf32, #tpu.memory_space<vmem_shared>> -> memref<100096xf32, #tpu.memory_space<vmem_shared>>
      tpu.enqueue_indirect_dma source(%arg16 : memref<1536xf32, #tpu.memory_space<vmem>>) target(%dma_start3A_763 : memref<100096xf32, #tpu.memory_space<vmem_shared>>) offsets(%arg14 : memref<1536xi32, #tpu.memory_space<vmem>>) semaphore(%arg22 : memref<!tpu.dma_semaphore, #tpu.memory_space<semaphore_mem>>) {add = true}
      %add3A_764 = arith.constant 1 : i32
      %add3A_765 = arith.addi %add3A_715, %add3A_764 : i32
      %mul3A_766 = arith.constant 12 : i32
      %mul3A_767 = arith.muli %add3A_765, %mul3A_766 : i32
      %add3A_768 = arith.addi %add3A_4, %mul3A_767 : i32
      %min3A_769 = arith.minsi %add3A_768, %sub3A_10 : i32
      %dma_wait3A_770 = arith.constant 0 : i32
      %dma_wait3A_771 = arith.constant 0 : i32
      %dma_wait3A_772 = tpu.memref_slice %arg3[%min3A_769, %dma_wait3A_770, %dma_wait3A_771] : memref<25000x2x128xi32, #tpu.memory_space<hbm>> -> memref<12x2x128xi32, #tpu.memory_space<hbm>>
      %dma_wait3A_773 = arith.constant 0 : i32
      %dma_wait3A_774 = arith.constant 0 : i32
      %dma_wait3A_775 = tpu.memref_slice %arg3[%min3A_769, %dma_wait3A_773, %dma_wait3A_774] : memref<25000x2x128xi32, #tpu.memory_space<hbm>> -> memref<12x2x128xi32, #tpu.memory_space<hbm>>
      tpu.wait_dma2 semaphore(%arg19 : memref<!tpu.dma_semaphore, #tpu.memory_space<semaphore_mem>>) src(%dma_wait3A_775 : memref<12x2x128xi32, #tpu.memory_space<hbm>>) dst(%arg7 : memref<12x2x128xi32, #tpu.memory_space<vmem>>)
      %mul3A_776 = arith.constant 128 : i32
      %mul3A_777 = arith.muli %min3A_769, %mul3A_776 : i32
      %dma_wait3A_778 = tpu.memref_slice %arg4[%mul3A_777] : memref<3200000xf32, #tpu.memory_space<hbm>> -> memref<1536xf32, #tpu.memory_space<hbm>>
      %dma_wait3A_779 = tpu.memref_slice %arg4[%mul3A_777] : memref<3200000xf32, #tpu.memory_space<hbm>> -> memref<1536xf32, #tpu.memory_space<hbm>>
      tpu.wait_dma2 semaphore(%arg19 : memref<!tpu.dma_semaphore, #tpu.memory_space<semaphore_mem>>) src(%dma_wait3A_779 : memref<1536xf32, #tpu.memory_space<hbm>>) dst(%arg8 : memref<1536xf32, #tpu.memory_space<vmem>>)
      %mul3A_780 = arith.constant 12 : i32
      %mul3A_781 = arith.muli %add3A_765, %mul3A_780 : i32
      %add3A_782 = arith.addi %add3A_4, %mul3A_781 : i32
      %min3A_783 = arith.minsi %add3A_782, %sub3A_10 : i32
      %mul3A_784 = arith.constant 12 : i32
      %mul3A_785 = arith.muli %add3A_765, %mul3A_784 : i32
      %add3A_786 = arith.addi %add3A_4, %mul3A_785 : i32
      %parallel_loop3A_787 = arith.constant 0 : i32
      %parallel_loop3A_788 = arith.constant 1536 : i32
      %parallel_loop3A_789 = arith.constant 16 : i32
      scf.for %parallel_loop3A_814 = %parallel_loop3A_787 to %parallel_loop3A_788 step %parallel_loop3A_789  : i32 {
        %parallel_loop3A_815 = arith.constant 128 : i32
        %parallel_loop3A_816 = arith.divsi %parallel_loop3A_814, %parallel_loop3A_815 : i32
        %parallel_loop3A_817 = arith.constant 0 : i32
        %parallel_loop3A_818 = arith.cmpi sgt, %parallel_loop3A_814, %parallel_loop3A_817 : i32
        %parallel_loop3A_819 = arith.extui %parallel_loop3A_818 : i1 to i32
        %parallel_loop3A_820 = arith.constant 0 : i32
        %parallel_loop3A_821 = arith.cmpi slt, %parallel_loop3A_814, %parallel_loop3A_820 : i32
        %parallel_loop3A_822 = arith.extui %parallel_loop3A_821 : i1 to i32
        %parallel_loop3A_823 = arith.subi %parallel_loop3A_819, %parallel_loop3A_822 : i32
        %parallel_loop3A_824 = arith.constant 0 : i32
        %parallel_loop3A_825 = arith.cmpi sgt, %parallel_loop3A_815, %parallel_loop3A_824 : i32
        %parallel_loop3A_826 = arith.extui %parallel_loop3A_825 : i1 to i32
        %parallel_loop3A_827 = arith.constant 0 : i32
        %parallel_loop3A_828 = arith.cmpi slt, %parallel_loop3A_815, %parallel_loop3A_827 : i32
        %parallel_loop3A_829 = arith.extui %parallel_loop3A_828 : i1 to i32
        %parallel_loop3A_830 = arith.subi %parallel_loop3A_826, %parallel_loop3A_829 : i32
        %parallel_loop3A_831 = arith.cmpi ne, %parallel_loop3A_823, %parallel_loop3A_830 : i32
        %parallel_loop3A_832 = arith.remsi %parallel_loop3A_814, %parallel_loop3A_815 : i32
        %parallel_loop3A_833 = arith.constant 0 : i32
        %parallel_loop3A_834 = arith.cmpi ne, %parallel_loop3A_832, %parallel_loop3A_833 : i32
        %parallel_loop3A_835 = arith.andi %parallel_loop3A_831, %parallel_loop3A_834 : i1
        %parallel_loop3A_836 = arith.constant 1 : i32
        %parallel_loop3A_837 = arith.subi %parallel_loop3A_816, %parallel_loop3A_836 : i32
        %parallel_loop3A_838 = arith.select %parallel_loop3A_835, %parallel_loop3A_837, %parallel_loop3A_816 : i32
        %parallel_loop3A_839 = arith.constant 128 : i32
        %parallel_loop3A_840 = arith.muli %parallel_loop3A_838, %parallel_loop3A_839 : i32
        %parallel_loop3A_841 = arith.subi %parallel_loop3A_814, %parallel_loop3A_840 : i32
        %parallel_loop3A_842 = arith.constant 0 : i32
        %parallel_loop3A_843 = arith.index_cast %parallel_loop3A_838 : i32 to index
        %parallel_loop3A_844 = arith.index_cast %parallel_loop3A_842 : i32 to index
        %parallel_loop3A_845 = arith.index_cast %parallel_loop3A_841 : i32 to index
        %parallel_loop3A_846 = tpu.vector_load %arg7[%parallel_loop3A_843, %parallel_loop3A_844, %parallel_loop3A_845] {strides = array<i32>} : memref<12x2x128xi32, #tpu.memory_space<vmem>>, vector<16xi32>,
        %parallel_loop3A_847 = arith.constant 1 : i32
        %parallel_loop3A_848 = arith.index_cast %parallel_loop3A_838 : i32 to index
        %parallel_loop3A_849 = arith.index_cast %parallel_loop3A_847 : i32 to index
        %parallel_loop3A_850 = arith.index_cast %parallel_loop3A_841 : i32 to index
        %parallel_loop3A_851 = tpu.vector_load %arg7[%parallel_loop3A_848, %parallel_loop3A_849, %parallel_loop3A_850] {strides = array<i32>} : memref<12x2x128xi32, #tpu.memory_space<vmem>>, vector<16xi32>,
        %parallel_loop3A_852 = tpu.vector_load_idx %arg6[%parallel_loop3A_846] : memref<100000xf32, #tpu.memory_space<vmem>>[vector<16xi32>], vector<16xf32>,
        %parallel_loop3A_853 = tpu.vector_load_idx %arg6[%parallel_loop3A_851] : memref<100000xf32, #tpu.memory_space<vmem>>[vector<16xi32>], vector<16xf32>,
        %parallel_loop3A_854 = arith.index_cast %parallel_loop3A_814 : i32 to index
        %parallel_loop3A_855 = tpu.vector_load %arg8[%parallel_loop3A_854] {strides = array<i32>} : memref<1536xf32, #tpu.memory_space<vmem>>, vector<16xf32>,
        %parallel_loop3A_856 = arith.addi %min3A_783, %parallel_loop3A_838 : i32
        %parallel_loop3A_857 = arith.cmpi sge, %parallel_loop3A_856, %add3A_786 : i32
        %parallel_loop3A_858 = arith.constant 0.948413908 : f32
        %parallel_loop3A_859 = vector.broadcast %parallel_loop3A_858 : f32 to vector<16xf32>
        %parallel_loop3A_860 = arith.divf %parallel_loop3A_852, %parallel_loop3A_859 : vector<16xf32>
        %parallel_loop3A_861 = arith.constant 0.212321401 : f32
        %parallel_loop3A_862 = vector.broadcast %parallel_loop3A_861 : f32 to vector<16xf32>
        %parallel_loop3A_863 = arith.subf %parallel_loop3A_853, %parallel_loop3A_862 : vector<16xf32>
        %parallel_loop3A_864 = arith.subf %parallel_loop3A_860, %parallel_loop3A_863 : vector<16xf32>
        %parallel_loop3A_865 = arith.constant -1.32484317 : f32
        %parallel_loop3A_866 = vector.broadcast %parallel_loop3A_865 : f32 to vector<16xf32>
        %parallel_loop3A_867 = arith.mulf %parallel_loop3A_864, %parallel_loop3A_866 : vector<16xf32>
        %parallel_loop3A_868 = math.absf %parallel_loop3A_867 : vector<16xf32>
        %parallel_loop3A_869 = arith.constant 1.73484612 : f32
        %parallel_loop3A_870 = vector.broadcast %parallel_loop3A_869 : f32 to vector<16xf32>
        %parallel_loop3A_871 = arith.subf %parallel_loop3A_855, %parallel_loop3A_870 : vector<16xf32>
        %parallel_loop3A_872 = arith.addf %parallel_loop3A_871, %parallel_loop3A_853 : vector<16xf32>
        %parallel_loop3A_873 = arith.constant -0.120847188 : f32
        %parallel_loop3A_874 = vector.broadcast %parallel_loop3A_873 : f32 to vector<16xf32>
        %parallel_loop3A_875 = arith.mulf %parallel_loop3A_872, %parallel_loop3A_874 : vector<16xf32>
        %parallel_loop3A_876 = arith.addf %parallel_loop3A_868, %parallel_loop3A_875 : vector<16xf32>
        %parallel_loop3A_877 = arith.constant 1.05843616 : f32
        %parallel_loop3A_878 = vector.broadcast %parallel_loop3A_877 : f32 to vector<16xf32>
        %parallel_loop3A_879 = arith.mulf %parallel_loop3A_853, %parallel_loop3A_878 : vector<16xf32>
        %parallel_loop3A_880 = arith.subf %parallel_loop3A_852, %parallel_loop3A_879 : vector<16xf32>
        %parallel_loop3A_881 = arith.constant 1.53442109 : f32
        %parallel_loop3A_882 = vector.broadcast %parallel_loop3A_881 : f32 to vector<16xf32>
        %parallel_loop3A_883 = arith.mulf %parallel_loop3A_880, %parallel_loop3A_882 : vector<16xf32>
        %parallel_loop3A_884 = arith.constant 0.453681082 : f32
        %parallel_loop3A_885 = vector.broadcast %parallel_loop3A_884 : f32 to vector<16xf32>
        %parallel_loop3A_886 = arith.addf %parallel_loop3A_883, %parallel_loop3A_885 : vector<16xf32>
        %parallel_loop3A_887 = math.absf %parallel_loop3A_886 : vector<16xf32>
        %parallel_loop3A_888 = arith.constant 1.02395821 : f32
        %parallel_loop3A_889 = vector.broadcast %parallel_loop3A_888 : f32 to vector<16xf32>
        %parallel_loop3A_890 = arith.mulf %parallel_loop3A_853, %parallel_loop3A_889 : vector<16xf32>
        %parallel_loop3A_891 = arith.subf %parallel_loop3A_852, %parallel_loop3A_890 : vector<16xf32>
        %parallel_loop3A_892 = arith.constant 1.93171203 : f32
        %parallel_loop3A_893 = vector.broadcast %parallel_loop3A_892 : f32 to vector<16xf32>
        %parallel_loop3A_894 = arith.mulf %parallel_loop3A_891, %parallel_loop3A_893 : vector<16xf32>
        %parallel_loop3A_895 = arith.addf %parallel_loop3A_887, %parallel_loop3A_894 : vector<16xf32>
        %parallel_loop3A_896 = arith.constant 5.468920e-01 : f32
        %parallel_loop3A_897 = vector.broadcast %parallel_loop3A_896 : f32 to vector<16xf32>
        %parallel_loop3A_898 = arith.addf %parallel_loop3A_895, %parallel_loop3A_897 : vector<16xf32>
        %parallel_loop3A_899 = arith.index_cast %parallel_loop3A_814 : i32 to index
        %parallel_loop3A_900 = tpu.vector_load %arg9[%parallel_loop3A_899] {strides = array<i32>} : memref<1536xi32, #tpu.memory_space<vmem>>, vector<16xi32>,
        tpu.vector_store %arg9[%parallel_loop3A_899], %parallel_loop3A_851 {strides = array<i32>} : memref<1536xi32, #tpu.memory_space<vmem>>, vector<16xi32>,
        %parallel_loop3A_901 = arith.constant 0.000000e+00 : f32
        %parallel_loop3A_902 = vector.broadcast %parallel_loop3A_901 : f32 to vector<16xf32>
        %parallel_loop3A_903 = arith.select %parallel_loop3A_857, %parallel_loop3A_876, %parallel_loop3A_902 : vector<16xf32>
        %parallel_loop3A_904 = arith.index_cast %parallel_loop3A_814 : i32 to index
        %parallel_loop3A_905 = tpu.vector_load %arg10[%parallel_loop3A_904] {strides = array<i32>} : memref<1536xf32, #tpu.memory_space<vmem>>, vector<16xf32>,
        tpu.vector_store %arg10[%parallel_loop3A_904], %parallel_loop3A_903 {strides = array<i32>} : memref<1536xf32, #tpu.memory_space<vmem>>, vector<16xf32>,
        %parallel_loop3A_906 = arith.constant 0.000000e+00 : f32
        %parallel_loop3A_907 = vector.broadcast %parallel_loop3A_906 : f32 to vector<16xf32>
        %parallel_loop3A_908 = arith.select %parallel_loop3A_857, %parallel_loop3A_898, %parallel_loop3A_907 : vector<16xf32>
        %parallel_loop3A_909 = arith.index_cast %parallel_loop3A_814 : i32 to index
        %parallel_loop3A_910 = tpu.vector_load %arg11[%parallel_loop3A_909] {strides = array<i32>} : memref<1536xf32, #tpu.memory_space<vmem>>, vector<16xf32>,
        tpu.vector_store %arg11[%parallel_loop3A_909], %parallel_loop3A_908 {strides = array<i32>} : memref<1536xf32, #tpu.memory_space<vmem>>, vector<16xf32>,
      } {sc.loop_unroll_factor = 1 : i64, sc.parallel_access}
      %dma_wait3A_790 = arith.constant 0 : i32
      %dma_wait3A_791 = tpu.memref_slice %arg17[%dma_wait3A_790] : memref<100096xf32, #tpu.memory_space<vmem_shared>> -> memref<100096xf32, #tpu.memory_space<vmem_shared>>
      tpu.wait_indirect_dma semaphore(%arg22 : memref<!tpu.dma_semaphore, #tpu.memory_space<semaphore_mem>>) src(%arg15 : memref<1536xf32, #tpu.memory_space<vmem>>) dst(%dma_wait3A_791 : memref<100096xf32, #tpu.memory_space<vmem_shared>>)
      %dma_wait3A_792 = arith.constant 0 : i32
      %dma_wait3A_793 = tpu.memref_slice %arg18[%dma_wait3A_792] : memref<100096xf32, #tpu.memory_space<vmem_shared>> -> memref<100096xf32, #tpu.memory_space<vmem_shared>>
      tpu.wait_indirect_dma semaphore(%arg22 : memref<!tpu.dma_semaphore, #tpu.memory_space<semaphore_mem>>) src(%arg16 : memref<1536xf32, #tpu.memory_space<vmem>>) dst(%dma_wait3A_793 : memref<100096xf32, #tpu.memory_space<vmem_shared>>)
      %add3A_794 = arith.constant 1 : i32
      %add3A_795 = arith.addi %add3A_765, %add3A_794 : i32
      %mul3A_796 = arith.constant 12 : i32
      %mul3A_797 = arith.muli %add3A_795, %mul3A_796 : i32
      %add3A_798 = arith.addi %add3A_4, %mul3A_797 : i32
      %min3A_799 = arith.minsi %add3A_798, %sub3A_10 : i32
      %dma_start3A_800 = arith.constant 0 : i32
      %dma_start3A_801 = arith.constant 0 : i32
      %dma_start3A_802 = tpu.memref_slice %arg3[%min3A_799, %dma_start3A_800, %dma_start3A_801] : memref<25000x2x128xi32, #tpu.memory_space<hbm>> -> memref<12x2x128xi32, #tpu.memory_space<hbm>>
      %dma_start3A_803 = arith.constant 0 : i32
      %dma_start3A_804 = arith.constant 0 : i32
      %dma_start3A_805 = tpu.memref_slice %arg3[%min3A_799, %dma_start3A_803, %dma_start3A_804] : memref<25000x2x128xi32, #tpu.memory_space<hbm>> -> memref<12x2x128xi32, #tpu.memory_space<hbm>>
      tpu.enqueue_dma source(%dma_start3A_805 : memref<12x2x128xi32, #tpu.memory_space<hbm>>) target(%arg12 : memref<12x2x128xi32, #tpu.memory_space<vmem>>) target_semaphore(%arg20 : memref<!tpu.dma_semaphore, #tpu.memory_space<semaphore_mem>>)
      %mul3A_806 = arith.constant 128 : i32
      %mul3A_807 = arith.muli %min3A_799, %mul3A_806 : i32
      %dma_start3A_808 = tpu.memref_slice %arg4[%mul3A_807] : memref<3200000xf32, #tpu.memory_space<hbm>> -> memref<1536xf32, #tpu.memory_space<hbm>>
      %dma_start3A_809 = tpu.memref_slice %arg4[%mul3A_807] : memref<3200000xf32, #tpu.memory_space<hbm>> -> memref<1536xf32, #tpu.memory_space<hbm>>
      tpu.enqueue_dma source(%dma_start3A_809 : memref<1536xf32, #tpu.memory_space<hbm>>) target(%arg13 : memref<1536xf32, #tpu.memory_space<vmem>>) target_semaphore(%arg20 : memref<!tpu.dma_semaphore, #tpu.memory_space<semaphore_mem>>)
      %dma_start3A_810 = arith.constant 0 : i32
      %dma_start3A_811 = tpu.memref_slice %arg17[%dma_start3A_810] : memref<100096xf32, #tpu.memory_space<vmem_shared>> -> memref<100096xf32, #tpu.memory_space<vmem_shared>>
      tpu.enqueue_indirect_dma source(%arg10 : memref<1536xf32, #tpu.memory_space<vmem>>) target(%dma_start3A_811 : memref<100096xf32, #tpu.memory_space<vmem_shared>>) offsets(%arg9 : memref<1536xi32, #tpu.memory_space<vmem>>) semaphore(%arg21 : memref<!tpu.dma_semaphore, #tpu.memory_space<semaphore_mem>>) {add = true}
      %dma_start3A_812 = arith.constant 0 : i32
      %dma_start3A_813 = tpu.memref_slice %arg18[%dma_start3A_812] : memref<100096xf32, #tpu.memory_space<vmem_shared>> -> memref<100096xf32, #tpu.memory_space<vmem_shared>>
      tpu.enqueue_indirect_dma source(%arg11 : memref<1536xf32, #tpu.memory_space<vmem>>) target(%dma_start3A_813 : memref<100096xf32, #tpu.memory_space<vmem_shared>>) offsets(%arg9 : memref<1536xi32, #tpu.memory_space<vmem>>) semaphore(%arg21 : memref<!tpu.dma_semaphore, #tpu.memory_space<semaphore_mem>>) {add = true}
    }
    %scan3A_269 = arith.constant 32 : i32
    %add3A_270 = arith.constant 780 : i32
    %add3A_271 = arith.addi %add3A_4, %add3A_270 : i32
    %min3A_272 = arith.minsi %add3A_271, %sub3A_10 : i32
    %dma_wait3A_273 = arith.constant 0 : i32
    %dma_wait3A_274 = arith.constant 0 : i32
    %dma_wait3A_275 = tpu.memref_slice %arg3[%min3A_272, %dma_wait3A_273, %dma_wait3A_274] : memref<25000x2x128xi32, #tpu.memory_space<hbm>> -> memref<12x2x128xi32, #tpu.memory_space<hbm>>
    %dma_wait3A_276 = arith.constant 0 : i32
    %dma_wait3A_277 = arith.constant 0 : i32
    %dma_wait3A_278 = tpu.memref_slice %arg3[%min3A_272, %dma_wait3A_276, %dma_wait3A_277] : memref<25000x2x128xi32, #tpu.memory_space<hbm>> -> memref<12x2x128xi32, #tpu.memory_space<hbm>>
    tpu.wait_dma2 semaphore(%arg20 : memref<!tpu.dma_semaphore, #tpu.memory_space<semaphore_mem>>) src(%dma_wait3A_278 : memref<12x2x128xi32, #tpu.memory_space<hbm>>) dst(%arg12 : memref<12x2x128xi32, #tpu.memory_space<vmem>>)
    %mul3A_279 = arith.constant 128 : i32
    %mul3A_280 = arith.muli %min3A_272, %mul3A_279 : i32
    %dma_wait3A_281 = tpu.memref_slice %arg4[%mul3A_280] : memref<3200000xf32, #tpu.memory_space<hbm>> -> memref<1536xf32, #tpu.memory_space<hbm>>
    %dma_wait3A_282 = tpu.memref_slice %arg4[%mul3A_280] : memref<3200000xf32, #tpu.memory_space<hbm>> -> memref<1536xf32, #tpu.memory_space<hbm>>
    tpu.wait_dma2 semaphore(%arg20 : memref<!tpu.dma_semaphore, #tpu.memory_space<semaphore_mem>>) src(%dma_wait3A_282 : memref<1536xf32, #tpu.memory_space<hbm>>) dst(%arg13 : memref<1536xf32, #tpu.memory_space<vmem>>)
    %add3A_283 = arith.constant 780 : i32
    %add3A_284 = arith.addi %add3A_4, %add3A_283 : i32
    %min3A_285 = arith.minsi %add3A_284, %sub3A_10 : i32
    %add3A_286 = arith.constant 780 : i32
    %add3A_287 = arith.addi %add3A_4, %add3A_286 : i32
    %parallel_loop3A_288 = arith.constant 0 : i32
    %parallel_loop3A_289 = arith.constant 1536 : i32
    %parallel_loop3A_290 = arith.constant 16 : i32
    scf.for %parallel_loop3A_711 = %parallel_loop3A_288 to %parallel_loop3A_289 step %parallel_loop3A_290  : i32 {
      %parallel_loop3A_712 = arith.constant 128 : i32
      %parallel_loop3A_713 = arith.divsi %parallel_loop3A_711, %parallel_loop3A_712 : i32
      %parallel_loop3A_714 = arith.constant 0 : i32
      %parallel_loop3A_715 = arith.cmpi sgt, %parallel_loop3A_711, %parallel_loop3A_714 : i32
      %parallel_loop3A_716 = arith.extui %parallel_loop3A_715 : i1 to i32
      %parallel_loop3A_717 = arith.constant 0 : i32
      %parallel_loop3A_718 = arith.cmpi slt, %parallel_loop3A_711, %parallel_loop3A_717 : i32
      %parallel_loop3A_719 = arith.extui %parallel_loop3A_718 : i1 to i32
      %parallel_loop3A_720 = arith.subi %parallel_loop3A_716, %parallel_loop3A_719 : i32
      %parallel_loop3A_721 = arith.constant 0 : i32
      %parallel_loop3A_722 = arith.cmpi sgt, %parallel_loop3A_712, %parallel_loop3A_721 : i32
      %parallel_loop3A_723 = arith.extui %parallel_loop3A_722 : i1 to i32
      %parallel_loop3A_724 = arith.constant 0 : i32
      %parallel_loop3A_725 = arith.cmpi slt, %parallel_loop3A_712, %parallel_loop3A_724 : i32
      %parallel_loop3A_726 = arith.extui %parallel_loop3A_725 : i1 to i32
      %parallel_loop3A_727 = arith.subi %parallel_loop3A_723, %parallel_loop3A_726 : i32
      %parallel_loop3A_728 = arith.cmpi ne, %parallel_loop3A_720, %parallel_loop3A_727 : i32
      %parallel_loop3A_729 = arith.remsi %parallel_loop3A_711, %parallel_loop3A_712 : i32
      %parallel_loop3A_730 = arith.constant 0 : i32
      %parallel_loop3A_731 = arith.cmpi ne, %parallel_loop3A_729, %parallel_loop3A_730 : i32
      %parallel_loop3A_732 = arith.andi %parallel_loop3A_728, %parallel_loop3A_731 : i1
      %parallel_loop3A_733 = arith.constant 1 : i32
      %parallel_loop3A_734 = arith.subi %parallel_loop3A_713, %parallel_loop3A_733 : i32
      %parallel_loop3A_735 = arith.select %parallel_loop3A_732, %parallel_loop3A_734, %parallel_loop3A_713 : i32
      %parallel_loop3A_736 = arith.constant 128 : i32
      %parallel_loop3A_737 = arith.muli %parallel_loop3A_735, %parallel_loop3A_736 : i32
      %parallel_loop3A_738 = arith.subi %parallel_loop3A_711, %parallel_loop3A_737 : i32
      %parallel_loop3A_739 = arith.constant 0 : i32
      %parallel_loop3A_740 = arith.index_cast %parallel_loop3A_735 : i32 to index
      %parallel_loop3A_741 = arith.index_cast %parallel_loop3A_739 : i32 to index
      %parallel_loop3A_742 = arith.index_cast %parallel_loop3A_738 : i32 to index
      %parallel_loop3A_743 = tpu.vector_load %arg12[%parallel_loop3A_740, %parallel_loop3A_741, %parallel_loop3A_742] {strides = array<i32>} : memref<12x2x128xi32, #tpu.memory_space<vmem>>, vector<16xi32>,
      %parallel_loop3A_744 = arith.constant 1 : i32
      %parallel_loop3A_745 = arith.index_cast %parallel_loop3A_735 : i32 to index
      %parallel_loop3A_746 = arith.index_cast %parallel_loop3A_744 : i32 to index
      %parallel_loop3A_747 = arith.index_cast %parallel_loop3A_738 : i32 to index
      %parallel_loop3A_748 = tpu.vector_load %arg12[%parallel_loop3A_745, %parallel_loop3A_746, %parallel_loop3A_747] {strides = array<i32>} : memref<12x2x128xi32, #tpu.memory_space<vmem>>, vector<16xi32>,
      %parallel_loop3A_749 = tpu.vector_load_idx %arg6[%parallel_loop3A_743] : memref<100000xf32, #tpu.memory_space<vmem>>[vector<16xi32>], vector<16xf32>,
      %parallel_loop3A_750 = tpu.vector_load_idx %arg6[%parallel_loop3A_748] : memref<100000xf32, #tpu.memory_space<vmem>>[vector<16xi32>], vector<16xf32>,
      %parallel_loop3A_751 = arith.index_cast %parallel_loop3A_711 : i32 to index
      %parallel_loop3A_752 = tpu.vector_load %arg13[%parallel_loop3A_751] {strides = array<i32>} : memref<1536xf32, #tpu.memory_space<vmem>>, vector<16xf32>,
      %parallel_loop3A_753 = arith.addi %min3A_285, %parallel_loop3A_735 : i32
      %parallel_loop3A_754 = arith.cmpi sge, %parallel_loop3A_753, %add3A_287 : i32
      %parallel_loop3A_755 = arith.constant 0.948413908 : f32
      %parallel_loop3A_756 = vector.broadcast %parallel_loop3A_755 : f32 to vector<16xf32>
      %parallel_loop3A_757 = arith.divf %parallel_loop3A_749, %parallel_loop3A_756 : vector<16xf32>
      %parallel_loop3A_758 = arith.constant 0.212321401 : f32
      %parallel_loop3A_759 = vector.broadcast %parallel_loop3A_758 : f32 to vector<16xf32>
      %parallel_loop3A_760 = arith.subf %parallel_loop3A_750, %parallel_loop3A_759 : vector<16xf32>
      %parallel_loop3A_761 = arith.subf %parallel_loop3A_757, %parallel_loop3A_760 : vector<16xf32>
      %parallel_loop3A_762 = arith.constant -1.32484317 : f32
      %parallel_loop3A_763 = vector.broadcast %parallel_loop3A_762 : f32 to vector<16xf32>
      %parallel_loop3A_764 = arith.mulf %parallel_loop3A_761, %parallel_loop3A_763 : vector<16xf32>
      %parallel_loop3A_765 = math.absf %parallel_loop3A_764 : vector<16xf32>
      %parallel_loop3A_766 = arith.constant 1.73484612 : f32
      %parallel_loop3A_767 = vector.broadcast %parallel_loop3A_766 : f32 to vector<16xf32>
      %parallel_loop3A_768 = arith.subf %parallel_loop3A_752, %parallel_loop3A_767 : vector<16xf32>
      %parallel_loop3A_769 = arith.addf %parallel_loop3A_768, %parallel_loop3A_750 : vector<16xf32>
      %parallel_loop3A_770 = arith.constant -0.120847188 : f32
      %parallel_loop3A_771 = vector.broadcast %parallel_loop3A_770 : f32 to vector<16xf32>
      %parallel_loop3A_772 = arith.mulf %parallel_loop3A_769, %parallel_loop3A_771 : vector<16xf32>
      %parallel_loop3A_773 = arith.addf %parallel_loop3A_765, %parallel_loop3A_772 : vector<16xf32>
      %parallel_loop3A_774 = arith.constant 1.05843616 : f32
      %parallel_loop3A_775 = vector.broadcast %parallel_loop3A_774 : f32 to vector<16xf32>
      %parallel_loop3A_776 = arith.mulf %parallel_loop3A_750, %parallel_loop3A_775 : vector<16xf32>
      %parallel_loop3A_777 = arith.subf %parallel_loop3A_749, %parallel_loop3A_776 : vector<16xf32>
      %parallel_loop3A_778 = arith.constant 1.53442109 : f32
      %parallel_loop3A_779 = vector.broadcast %parallel_loop3A_778 : f32 to vector<16xf32>
      %parallel_loop3A_780 = arith.mulf %parallel_loop3A_777, %parallel_loop3A_779 : vector<16xf32>
      %parallel_loop3A_781 = arith.constant 0.453681082 : f32
      %parallel_loop3A_782 = vector.broadcast %parallel_loop3A_781 : f32 to vector<16xf32>
      %parallel_loop3A_783 = arith.addf %parallel_loop3A_780, %parallel_loop3A_782 : vector<16xf32>
      %parallel_loop3A_784 = math.absf %parallel_loop3A_783 : vector<16xf32>
      %parallel_loop3A_785 = arith.constant 1.02395821 : f32
      %parallel_loop3A_786 = vector.broadcast %parallel_loop3A_785 : f32 to vector<16xf32>
      %parallel_loop3A_787 = arith.mulf %parallel_loop3A_750, %parallel_loop3A_786 : vector<16xf32>
      %parallel_loop3A_788 = arith.subf %parallel_loop3A_749, %parallel_loop3A_787 : vector<16xf32>
      %parallel_loop3A_789 = arith.constant 1.93171203 : f32
      %parallel_loop3A_790 = vector.broadcast %parallel_loop3A_789 : f32 to vector<16xf32>
      %parallel_loop3A_791 = arith.mulf %parallel_loop3A_788, %parallel_loop3A_790 : vector<16xf32>
      %parallel_loop3A_792 = arith.addf %parallel_loop3A_784, %parallel_loop3A_791 : vector<16xf32>
      %parallel_loop3A_793 = arith.constant 5.468920e-01 : f32
      %parallel_loop3A_794 = vector.broadcast %parallel_loop3A_793 : f32 to vector<16xf32>
      %parallel_loop3A_795 = arith.addf %parallel_loop3A_792, %parallel_loop3A_794 : vector<16xf32>
      %parallel_loop3A_796 = arith.index_cast %parallel_loop3A_711 : i32 to index
      %parallel_loop3A_797 = tpu.vector_load %arg14[%parallel_loop3A_796] {strides = array<i32>} : memref<1536xi32, #tpu.memory_space<vmem>>, vector<16xi32>,
      tpu.vector_store %arg14[%parallel_loop3A_796], %parallel_loop3A_748 {strides = array<i32>} : memref<1536xi32, #tpu.memory_space<vmem>>, vector<16xi32>,
      %parallel_loop3A_798 = arith.constant 0.000000e+00 : f32
      %parallel_loop3A_799 = vector.broadcast %parallel_loop3A_798 : f32 to vector<16xf32>
      %parallel_loop3A_800 = arith.select %parallel_loop3A_754, %parallel_loop3A_773, %parallel_loop3A_799 : vector<16xf32>
      %parallel_loop3A_801 = arith.index_cast %parallel_loop3A_711 : i32 to index
      %parallel_loop3A_802 = tpu.vector_load %arg15[%parallel_loop3A_801] {strides = array<i32>} : memref<1536xf32, #tpu.memory_space<vmem>>, vector<16xf32>,
      tpu.vector_store %arg15[%parallel_loop3A_801], %parallel_loop3A_800 {strides = array<i32>} : memref<1536xf32, #tpu.memory_space<vmem>>, vector<16xf32>,
      %parallel_loop3A_803 = arith.constant 0.000000e+00 : f32
      %parallel_loop3A_804 = vector.broadcast %parallel_loop3A_803 : f32 to vector<16xf32>
      %parallel_loop3A_805 = arith.select %parallel_loop3A_754, %parallel_loop3A_795, %parallel_loop3A_804 : vector<16xf32>
      %parallel_loop3A_806 = arith.index_cast %parallel_loop3A_711 : i32 to index
      %parallel_loop3A_807 = tpu.vector_load %arg16[%parallel_loop3A_806] {strides = array<i32>} : memref<1536xf32, #tpu.memory_space<vmem>>, vector<16xf32>,
      tpu.vector_store %arg16[%parallel_loop3A_806], %parallel_loop3A_805 {strides = array<i32>} : memref<1536xf32, #tpu.memory_space<vmem>>, vector<16xf32>,
    } {sc.loop_unroll_factor = 1 : i64, sc.parallel_access}
    %dma_wait3A_291 = arith.constant 0 : i32
    %dma_wait3A_292 = tpu.memref_slice %arg17[%dma_wait3A_291] : memref<100096xf32, #tpu.memory_space<vmem_shared>> -> memref<100096xf32, #tpu.memory_space<vmem_shared>>
    tpu.wait_indirect_dma semaphore(%arg21 : memref<!tpu.dma_semaphore, #tpu.memory_space<semaphore_mem>>) src(%arg10 : memref<1536xf32, #tpu.memory_space<vmem>>) dst(%dma_wait3A_292 : memref<100096xf32, #tpu.memory_space<vmem_shared>>)
    %dma_wait3A_293 = arith.constant 0 : i32
    %dma_wait3A_294 = tpu.memref_slice %arg18[%dma_wait3A_293] : memref<100096xf32, #tpu.memory_space<vmem_shared>> -> memref<100096xf32, #tpu.memory_space<vmem_shared>>
    tpu.wait_indirect_dma semaphore(%arg21 : memref<!tpu.dma_semaphore, #tpu.memory_space<semaphore_mem>>) src(%arg11 : memref<1536xf32, #tpu.memory_space<vmem>>) dst(%dma_wait3A_294 : memref<100096xf32, #tpu.memory_space<vmem_shared>>)
    %dma_start3A_295 = arith.constant 0 : i32
    %dma_start3A_296 = tpu.memref_slice %arg17[%dma_start3A_295] : memref<100096xf32, #tpu.memory_space<vmem_shared>> -> memref<100096xf32, #tpu.memory_space<vmem_shared>>
    tpu.enqueue_indirect_dma source(%arg15 : memref<1536xf32, #tpu.memory_space<vmem>>) target(%dma_start3A_296 : memref<100096xf32, #tpu.memory_space<vmem_shared>>) offsets(%arg14 : memref<1536xi32, #tpu.memory_space<vmem>>) semaphore(%arg22 : memref<!tpu.dma_semaphore, #tpu.memory_space<semaphore_mem>>) {add = true}
    %dma_start3A_297 = arith.constant 0 : i32
    %dma_start3A_298 = tpu.memref_slice %arg18[%dma_start3A_297] : memref<100096xf32, #tpu.memory_space<vmem_shared>> -> memref<100096xf32, #tpu.memory_space<vmem_shared>>
    tpu.enqueue_indirect_dma source(%arg16 : memref<1536xf32, #tpu.memory_space<vmem>>) target(%dma_start3A_298 : memref<100096xf32, #tpu.memory_space<vmem_shared>>) offsets(%arg14 : memref<1536xi32, #tpu.memory_space<vmem>>) semaphore(%arg22 : memref<!tpu.dma_semaphore, #tpu.memory_space<semaphore_mem>>) {add = true}
    %dma_wait3A_299 = arith.constant 0 : i32
    %dma_wait3A_300 = tpu.memref_slice %arg17[%dma_wait3A_299] : memref<100096xf32, #tpu.memory_space<vmem_shared>> -> memref<100096xf32, #tpu.memory_space<vmem_shared>>
    tpu.wait_indirect_dma semaphore(%arg22 : memref<!tpu.dma_semaphore, #tpu.memory_space<semaphore_mem>>) src(%arg15 : memref<1536xf32, #tpu.memory_space<vmem>>) dst(%dma_wait3A_300 : memref<100096xf32, #tpu.memory_space<vmem_shared>>)
    %dma_wait3A_301 = arith.constant 0 : i32
    %dma_wait3A_302 = tpu.memref_slice %arg18[%dma_wait3A_301] : memref<100096xf32, #tpu.memory_space<vmem_shared>> -> memref<100096xf32, #tpu.memory_space<vmem_shared>>
    tpu.wait_indirect_dma semaphore(%arg22 : memref<!tpu.dma_semaphore, #tpu.memory_space<semaphore_mem>>) src(%arg16 : memref<1536xf32, #tpu.memory_space<vmem>>) dst(%dma_wait3A_302 : memref<100096xf32, #tpu.memory_space<vmem_shared>>)
    %barrier3A_303 = arith.constant 0 : index
    tpu.barrier barrier_id(%barrier3A_303)
    %mul3A_304 = arith.constant 2 : i32
    %mul3A_305 = arith.muli %arg0, %mul3A_304 : i32
    %mul3A_306 = arith.constant 100096 : i32
    %mul3A_307 = arith.muli %mul3A_305, %mul3A_306 : i32
    %mul3A_308 = arith.constant 6256 : i32
    %mul3A_309 = arith.muli %arg1, %mul3A_308 : i32
    %add3A_310 = arith.addi %mul3A_307, %mul3A_309 : i32
    %mul3A_311 = arith.constant 6256 : i32
    %mul3A_312 = arith.muli %arg1, %mul3A_311 : i32
    %add3A_313 = arith.constant 0 : i32
    %add3A_314 = arith.addi %mul3A_312, %add3A_313 : i32
    %dma_start3A_315 = arith.constant 0 : i32
    %dma_start3A_316 = tpu.memref_slice %arg10[%dma_start3A_315] : memref<1536xf32, #tpu.memory_space<vmem>> -> memref<1536xf32, #tpu.memory_space<vmem>>
    %dma_start3A_317 = tpu.memref_slice %arg17[%add3A_314] : memref<100096xf32, #tpu.memory_space<vmem_shared>> -> memref<1536xf32, #tpu.memory_space<vmem_shared>>
    %dma_start3A_318 = arith.constant 0 : i32
    %dma_start3A_319 = tpu.memref_slice %arg10[%dma_start3A_318] : memref<1536xf32, #tpu.memory_space<vmem>> -> memref<1536xf32, #tpu.memory_space<vmem>>
    %dma_start3A_320 = tpu.memref_slice %arg17[%add3A_314] : memref<100096xf32, #tpu.memory_space<vmem_shared>> -> memref<1536xf32, #tpu.memory_space<vmem_shared>>
    tpu.enqueue_dma source(%dma_start3A_320 : memref<1536xf32, #tpu.memory_space<vmem_shared>>) target(%dma_start3A_319 : memref<1536xf32, #tpu.memory_space<vmem>>) target_semaphore(%arg19 : memref<!tpu.dma_semaphore, #tpu.memory_space<semaphore_mem>>)
    %mul3A_321 = arith.constant 6256 : i32
    %mul3A_322 = arith.muli %arg1, %mul3A_321 : i32
    %add3A_323 = arith.constant 1536 : i32
    %add3A_324 = arith.addi %mul3A_322, %add3A_323 : i32
    %dma_start3A_325 = arith.constant 0 : i32
    %dma_start3A_326 = tpu.memref_slice %arg11[%dma_start3A_325] : memref<1536xf32, #tpu.memory_space<vmem>> -> memref<1536xf32, #tpu.memory_space<vmem>>
    %dma_start3A_327 = tpu.memref_slice %arg17[%add3A_324] : memref<100096xf32, #tpu.memory_space<vmem_shared>> -> memref<1536xf32, #tpu.memory_space<vmem_shared>>
    %dma_start3A_328 = arith.constant 0 : i32
    %dma_start3A_329 = tpu.memref_slice %arg11[%dma_start3A_328] : memref<1536xf32, #tpu.memory_space<vmem>> -> memref<1536xf32, #tpu.memory_space<vmem>>
    %dma_start3A_330 = tpu.memref_slice %arg17[%add3A_324] : memref<100096xf32, #tpu.memory_space<vmem_shared>> -> memref<1536xf32, #tpu.memory_space<vmem_shared>>
    tpu.enqueue_dma source(%dma_start3A_330 : memref<1536xf32, #tpu.memory_space<vmem_shared>>) target(%dma_start3A_329 : memref<1536xf32, #tpu.memory_space<vmem>>) target_semaphore(%arg19 : memref<!tpu.dma_semaphore, #tpu.memory_space<semaphore_mem>>)
    %mul3A_331 = arith.constant 6256 : i32
    %mul3A_332 = arith.muli %arg1, %mul3A_331 : i32
    %add3A_333 = arith.constant 3072 : i32
    %add3A_334 = arith.addi %mul3A_332, %add3A_333 : i32
    %dma_start3A_335 = arith.constant 0 : i32
    %dma_start3A_336 = tpu.memref_slice %arg8[%dma_start3A_335] : memref<1536xf32, #tpu.memory_space<vmem>> -> memref<1536xf32, #tpu.memory_space<vmem>>
    %dma_start3A_337 = tpu.memref_slice %arg17[%add3A_334] : memref<100096xf32, #tpu.memory_space<vmem_shared>> -> memref<1536xf32, #tpu.memory_space<vmem_shared>>
    %dma_start3A_338 = arith.constant 0 : i32
    %dma_start3A_339 = tpu.memref_slice %arg8[%dma_start3A_338] : memref<1536xf32, #tpu.memory_space<vmem>> -> memref<1536xf32, #tpu.memory_space<vmem>>
    %dma_start3A_340 = tpu.memref_slice %arg17[%add3A_334] : memref<100096xf32, #tpu.memory_space<vmem_shared>> -> memref<1536xf32, #tpu.memory_space<vmem_shared>>
    tpu.enqueue_dma source(%dma_start3A_340 : memref<1536xf32, #tpu.memory_space<vmem_shared>>) target(%dma_start3A_339 : memref<1536xf32, #tpu.memory_space<vmem>>) target_semaphore(%arg19 : memref<!tpu.dma_semaphore, #tpu.memory_space<semaphore_mem>>)
    %mul3A_341 = arith.constant 6256 : i32
    %mul3A_342 = arith.muli %arg1, %mul3A_341 : i32
    %add3A_343 = arith.constant 4608 : i32
    %add3A_344 = arith.addi %mul3A_342, %add3A_343 : i32
    %dma_start3A_345 = arith.constant 0 : i32
    %dma_start3A_346 = tpu.memref_slice %arg15[%dma_start3A_345] : memref<1536xf32, #tpu.memory_space<vmem>> -> memref<1536xf32, #tpu.memory_space<vmem>>
    %dma_start3A_347 = tpu.memref_slice %arg17[%add3A_344] : memref<100096xf32, #tpu.memory_space<vmem_shared>> -> memref<1536xf32, #tpu.memory_space<vmem_shared>>
    %dma_start3A_348 = arith.constant 0 : i32
    %dma_start3A_349 = tpu.memref_slice %arg15[%dma_start3A_348] : memref<1536xf32, #tpu.memory_space<vmem>> -> memref<1536xf32, #tpu.memory_space<vmem>>
    %dma_start3A_350 = tpu.memref_slice %arg17[%add3A_344] : memref<100096xf32, #tpu.memory_space<vmem_shared>> -> memref<1536xf32, #tpu.memory_space<vmem_shared>>
    tpu.enqueue_dma source(%dma_start3A_350 : memref<1536xf32, #tpu.memory_space<vmem_shared>>) target(%dma_start3A_349 : memref<1536xf32, #tpu.memory_space<vmem>>) target_semaphore(%arg19 : memref<!tpu.dma_semaphore, #tpu.memory_space<semaphore_mem>>)
    %mul3A_351 = arith.constant 6256 : i32
    %mul3A_352 = arith.muli %arg1, %mul3A_351 : i32
    %add3A_353 = arith.constant 6144 : i32
    %add3A_354 = arith.addi %mul3A_352, %add3A_353 : i32
    %dma_start3A_355 = arith.constant 0 : i32
    %dma_start3A_356 = tpu.memref_slice %arg16[%dma_start3A_355] : memref<1536xf32, #tpu.memory_space<vmem>> -> memref<112xf32, #tpu.memory_space<vmem>>
    %dma_start3A_357 = tpu.memref_slice %arg17[%add3A_354] : memref<100096xf32, #tpu.memory_space<vmem_shared>> -> memref<112xf32, #tpu.memory_space<vmem_shared>>
    %dma_start3A_358 = arith.constant 0 : i32
    %dma_start3A_359 = tpu.memref_slice %arg16[%dma_start3A_358] : memref<1536xf32, #tpu.memory_space<vmem>> -> memref<112xf32, #tpu.memory_space<vmem>>
    %dma_start3A_360 = tpu.memref_slice %arg17[%add3A_354] : memref<100096xf32, #tpu.memory_space<vmem_shared>> -> memref<112xf32, #tpu.memory_space<vmem_shared>>
    tpu.enqueue_dma source(%dma_start3A_360 : memref<112xf32, #tpu.memory_space<vmem_shared>>) target(%dma_start3A_359 : memref<112xf32, #tpu.memory_space<vmem>>) target_semaphore(%arg19 : memref<!tpu.dma_semaphore, #tpu.memory_space<semaphore_mem>>)
    %mul3A_361 = arith.constant 6256 : i32
    %mul3A_362 = arith.muli %arg1, %mul3A_361 : i32
    %add3A_363 = arith.constant 0 : i32
    %add3A_364 = arith.addi %mul3A_362, %add3A_363 : i32
    %dma_start3A_365 = arith.constant 0 : i32
    %dma_start3A_366 = tpu.memref_slice %arg13[%dma_start3A_365] : memref<1536xf32, #tpu.memory_space<vmem>> -> memref<1536xf32, #tpu.memory_space<vmem>>
    %dma_start3A_367 = tpu.memref_slice %arg18[%add3A_364] : memref<100096xf32, #tpu.memory_space<vmem_shared>> -> memref<1536xf32, #tpu.memory_space<vmem_shared>>
    %dma_start3A_368 = arith.constant 0 : i32
    %dma_start3A_369 = tpu.memref_slice %arg13[%dma_start3A_368] : memref<1536xf32, #tpu.memory_space<vmem>> -> memref<1536xf32, #tpu.memory_space<vmem>>
    %dma_start3A_370 = tpu.memref_slice %arg18[%add3A_364] : memref<100096xf32, #tpu.memory_space<vmem_shared>> -> memref<1536xf32, #tpu.memory_space<vmem_shared>>
    tpu.enqueue_dma source(%dma_start3A_370 : memref<1536xf32, #tpu.memory_space<vmem_shared>>) target(%dma_start3A_369 : memref<1536xf32, #tpu.memory_space<vmem>>) target_semaphore(%arg19 : memref<!tpu.dma_semaphore, #tpu.memory_space<semaphore_mem>>)
    %mul3A_371 = arith.constant 6256 : i32
    %mul3A_372 = arith.muli %arg1, %mul3A_371 : i32
    %add3A_373 = arith.constant 0 : i32
    %add3A_374 = arith.addi %mul3A_372, %add3A_373 : i32
    %dma_wait3A_375 = arith.constant 0 : i32
    %dma_wait3A_376 = tpu.memref_slice %arg10[%dma_wait3A_375] : memref<1536xf32, #tpu.memory_space<vmem>> -> memref<1536xf32, #tpu.memory_space<vmem>>
    %dma_wait3A_377 = tpu.memref_slice %arg17[%add3A_374] : memref<100096xf32, #tpu.memory_space<vmem_shared>> -> memref<1536xf32, #tpu.memory_space<vmem_shared>>
    %dma_wait3A_378 = arith.constant 0 : i32
    %dma_wait3A_379 = tpu.memref_slice %arg10[%dma_wait3A_378] : memref<1536xf32, #tpu.memory_space<vmem>> -> memref<1536xf32, #tpu.memory_space<vmem>>
    %dma_wait3A_380 = tpu.memref_slice %arg17[%add3A_374] : memref<100096xf32, #tpu.memory_space<vmem_shared>> -> memref<1536xf32, #tpu.memory_space<vmem_shared>>
    tpu.wait_dma2 semaphore(%arg19 : memref<!tpu.dma_semaphore, #tpu.memory_space<semaphore_mem>>) src(%dma_wait3A_380 : memref<1536xf32, #tpu.memory_space<vmem_shared>>) dst(%dma_wait3A_379 : memref<1536xf32, #tpu.memory_space<vmem>>)
    %mul3A_381 = arith.constant 6256 : i32
    %mul3A_382 = arith.muli %arg1, %mul3A_381 : i32
    %add3A_383 = arith.constant 1536 : i32
    %add3A_384 = arith.addi %mul3A_382, %add3A_383 : i32
    %dma_wait3A_385 = arith.constant 0 : i32
    %dma_wait3A_386 = tpu.memref_slice %arg11[%dma_wait3A_385] : memref<1536xf32, #tpu.memory_space<vmem>> -> memref<1536xf32, #tpu.memory_space<vmem>>
    %dma_wait3A_387 = tpu.memref_slice %arg17[%add3A_384] : memref<100096xf32, #tpu.memory_space<vmem_shared>> -> memref<1536xf32, #tpu.memory_space<vmem_shared>>
    %dma_wait3A_388 = arith.constant 0 : i32
    %dma_wait3A_389 = tpu.memref_slice %arg11[%dma_wait3A_388] : memref<1536xf32, #tpu.memory_space<vmem>> -> memref<1536xf32, #tpu.memory_space<vmem>>
    %dma_wait3A_390 = tpu.memref_slice %arg17[%add3A_384] : memref<100096xf32, #tpu.memory_space<vmem_shared>> -> memref<1536xf32, #tpu.memory_space<vmem_shared>>
    tpu.wait_dma2 semaphore(%arg19 : memref<!tpu.dma_semaphore, #tpu.memory_space<semaphore_mem>>) src(%dma_wait3A_390 : memref<1536xf32, #tpu.memory_space<vmem_shared>>) dst(%dma_wait3A_389 : memref<1536xf32, #tpu.memory_space<vmem>>)
    %mul3A_391 = arith.constant 6256 : i32
    %mul3A_392 = arith.muli %arg1, %mul3A_391 : i32
    %add3A_393 = arith.constant 3072 : i32
    %add3A_394 = arith.addi %mul3A_392, %add3A_393 : i32
    %dma_wait3A_395 = arith.constant 0 : i32
    %dma_wait3A_396 = tpu.memref_slice %arg8[%dma_wait3A_395] : memref<1536xf32, #tpu.memory_space<vmem>> -> memref<1536xf32, #tpu.memory_space<vmem>>
    %dma_wait3A_397 = tpu.memref_slice %arg17[%add3A_394] : memref<100096xf32, #tpu.memory_space<vmem_shared>> -> memref<1536xf32, #tpu.memory_space<vmem_shared>>
    %dma_wait3A_398 = arith.constant 0 : i32
    %dma_wait3A_399 = tpu.memref_slice %arg8[%dma_wait3A_398] : memref<1536xf32, #tpu.memory_space<vmem>> -> memref<1536xf32, #tpu.memory_space<vmem>>
    %dma_wait3A_400 = tpu.memref_slice %arg17[%add3A_394] : memref<100096xf32, #tpu.memory_space<vmem_shared>> -> memref<1536xf32, #tpu.memory_space<vmem_shared>>
    tpu.wait_dma2 semaphore(%arg19 : memref<!tpu.dma_semaphore, #tpu.memory_space<semaphore_mem>>) src(%dma_wait3A_400 : memref<1536xf32, #tpu.memory_space<vmem_shared>>) dst(%dma_wait3A_399 : memref<1536xf32, #tpu.memory_space<vmem>>)
    %mul3A_401 = arith.constant 6256 : i32
    %mul3A_402 = arith.muli %arg1, %mul3A_401 : i32
    %add3A_403 = arith.constant 4608 : i32
    %add3A_404 = arith.addi %mul3A_402, %add3A_403 : i32
    %dma_wait3A_405 = arith.constant 0 : i32
    %dma_wait3A_406 = tpu.memref_slice %arg15[%dma_wait3A_405] : memref<1536xf32, #tpu.memory_space<vmem>> -> memref<1536xf32, #tpu.memory_space<vmem>>
    %dma_wait3A_407 = tpu.memref_slice %arg17[%add3A_404] : memref<100096xf32, #tpu.memory_space<vmem_shared>> -> memref<1536xf32, #tpu.memory_space<vmem_shared>>
    %dma_wait3A_408 = arith.constant 0 : i32
    %dma_wait3A_409 = tpu.memref_slice %arg15[%dma_wait3A_408] : memref<1536xf32, #tpu.memory_space<vmem>> -> memref<1536xf32, #tpu.memory_space<vmem>>
    %dma_wait3A_410 = tpu.memref_slice %arg17[%add3A_404] : memref<100096xf32, #tpu.memory_space<vmem_shared>> -> memref<1536xf32, #tpu.memory_space<vmem_shared>>
    tpu.wait_dma2 semaphore(%arg19 : memref<!tpu.dma_semaphore, #tpu.memory_space<semaphore_mem>>) src(%dma_wait3A_410 : memref<1536xf32, #tpu.memory_space<vmem_shared>>) dst(%dma_wait3A_409 : memref<1536xf32, #tpu.memory_space<vmem>>)
    %mul3A_411 = arith.constant 6256 : i32
    %mul3A_412 = arith.muli %arg1, %mul3A_411 : i32
    %add3A_413 = arith.constant 6144 : i32
    %add3A_414 = arith.addi %mul3A_412, %add3A_413 : i32
    %dma_wait3A_415 = arith.constant 0 : i32
    %dma_wait3A_416 = tpu.memref_slice %arg16[%dma_wait3A_415] : memref<1536xf32, #tpu.memory_space<vmem>> -> memref<112xf32, #tpu.memory_space<vmem>>
    %dma_wait3A_417 = tpu.memref_slice %arg17[%add3A_414] : memref<100096xf32, #tpu.memory_space<vmem_shared>> -> memref<112xf32, #tpu.memory_space<vmem_shared>>
    %dma_wait3A_418 = arith.constant 0 : i32
    %dma_wait3A_419 = tpu.memref_slice %arg16[%dma_wait3A_418] : memref<1536xf32, #tpu.memory_space<vmem>> -> memref<112xf32, #tpu.memory_space<vmem>>
    %dma_wait3A_420 = tpu.memref_slice %arg17[%add3A_414] : memref<100096xf32, #tpu.memory_space<vmem_shared>> -> memref<112xf32, #tpu.memory_space<vmem_shared>>
    tpu.wait_dma2 semaphore(%arg19 : memref<!tpu.dma_semaphore, #tpu.memory_space<semaphore_mem>>) src(%dma_wait3A_420 : memref<112xf32, #tpu.memory_space<vmem_shared>>) dst(%dma_wait3A_419 : memref<112xf32, #tpu.memory_space<vmem>>)
    %mul3A_421 = arith.constant 6256 : i32
    %mul3A_422 = arith.muli %arg1, %mul3A_421 : i32
    %add3A_423 = arith.constant 0 : i32
    %add3A_424 = arith.addi %mul3A_422, %add3A_423 : i32
    %dma_wait3A_425 = arith.constant 0 : i32
    %dma_wait3A_426 = tpu.memref_slice %arg13[%dma_wait3A_425] : memref<1536xf32, #tpu.memory_space<vmem>> -> memref<1536xf32, #tpu.memory_space<vmem>>
    %dma_wait3A_427 = tpu.memref_slice %arg18[%add3A_424] : memref<100096xf32, #tpu.memory_space<vmem_shared>> -> memref<1536xf32, #tpu.memory_space<vmem_shared>>
    %dma_wait3A_428 = arith.constant 0 : i32
    %dma_wait3A_429 = tpu.memref_slice %arg13[%dma_wait3A_428] : memref<1536xf32, #tpu.memory_space<vmem>> -> memref<1536xf32, #tpu.memory_space<vmem>>
    %dma_wait3A_430 = tpu.memref_slice %arg18[%add3A_424] : memref<100096xf32, #tpu.memory_space<vmem_shared>> -> memref<1536xf32, #tpu.memory_space<vmem_shared>>
    tpu.wait_dma2 semaphore(%arg19 : memref<!tpu.dma_semaphore, #tpu.memory_space<semaphore_mem>>) src(%dma_wait3A_430 : memref<1536xf32, #tpu.memory_space<vmem_shared>>) dst(%dma_wait3A_429 : memref<1536xf32, #tpu.memory_space<vmem>>)
    %add3A_431 = arith.constant 0 : i32
    %add3A_432 = arith.addi %add3A_310, %add3A_431 : i32
    %add3A_433 = arith.constant 0 : i32
    %add3A_434 = arith.addi %add3A_432, %add3A_433 : i32
    %dma_start3A_435 = arith.constant 0 : i32
    %dma_start3A_436 = tpu.memref_slice %arg10[%dma_start3A_435] : memref<1536xf32, #tpu.memory_space<vmem>> -> memref<1536xf32, #tpu.memory_space<vmem>>
    %dma_start3A_437 = tpu.memref_slice %arg5[%add3A_434] : memref<400384xf32, #tpu.memory_space<hbm>> -> memref<1536xf32, #tpu.memory_space<hbm>>
    %dma_start3A_438 = tpu.memref_slice %arg5[%add3A_434] : memref<400384xf32, #tpu.memory_space<hbm>> -> memref<1536xf32, #tpu.memory_space<hbm>>
    %dma_start3A_439 = arith.constant 0 : i32
    %dma_start3A_440 = tpu.memref_slice %arg10[%dma_start3A_439] : memref<1536xf32, #tpu.memory_space<vmem>> -> memref<1536xf32, #tpu.memory_space<vmem>>
    tpu.enqueue_dma source(%dma_start3A_440 : memref<1536xf32, #tpu.memory_space<vmem>>) target(%dma_start3A_438 : memref<1536xf32, #tpu.memory_space<hbm>>) target_semaphore(%arg20 : memref<!tpu.dma_semaphore, #tpu.memory_space<semaphore_mem>>)
    %add3A_441 = arith.constant 0 : i32
    %add3A_442 = arith.addi %add3A_310, %add3A_441 : i32
    %add3A_443 = arith.constant 1536 : i32
    %add3A_444 = arith.addi %add3A_442, %add3A_443 : i32
    %dma_start3A_445 = arith.constant 0 : i32
    %dma_start3A_446 = tpu.memref_slice %arg11[%dma_start3A_445] : memref<1536xf32, #tpu.memory_space<vmem>> -> memref<1536xf32, #tpu.memory_space<vmem>>
    %dma_start3A_447 = tpu.memref_slice %arg5[%add3A_444] : memref<400384xf32, #tpu.memory_space<hbm>> -> memref<1536xf32, #tpu.memory_space<hbm>>
    %dma_start3A_448 = tpu.memref_slice %arg5[%add3A_444] : memref<400384xf32, #tpu.memory_space<hbm>> -> memref<1536xf32, #tpu.memory_space<hbm>>
    %dma_start3A_449 = arith.constant 0 : i32
    %dma_start3A_450 = tpu.memref_slice %arg11[%dma_start3A_449] : memref<1536xf32, #tpu.memory_space<vmem>> -> memref<1536xf32, #tpu.memory_space<vmem>>
    tpu.enqueue_dma source(%dma_start3A_450 : memref<1536xf32, #tpu.memory_space<vmem>>) target(%dma_start3A_448 : memref<1536xf32, #tpu.memory_space<hbm>>) target_semaphore(%arg20 : memref<!tpu.dma_semaphore, #tpu.memory_space<semaphore_mem>>)
    %add3A_451 = arith.constant 0 : i32
    %add3A_452 = arith.addi %add3A_310, %add3A_451 : i32
    %add3A_453 = arith.constant 3072 : i32
    %add3A_454 = arith.addi %add3A_452, %add3A_453 : i32
    %dma_start3A_455 = arith.constant 0 : i32
    %dma_start3A_456 = tpu.memref_slice %arg8[%dma_start3A_455] : memref<1536xf32, #tpu.memory_space<vmem>> -> memref<1536xf32, #tpu.memory_space<vmem>>
    %dma_start3A_457 = tpu.memref_slice %arg5[%add3A_454] : memref<400384xf32, #tpu.memory_space<hbm>> -> memref<1536xf32, #tpu.memory_space<hbm>>
    %dma_start3A_458 = tpu.memref_slice %arg5[%add3A_454] : memref<400384xf32, #tpu.memory_space<hbm>> -> memref<1536xf32, #tpu.memory_space<hbm>>
    %dma_start3A_459 = arith.constant 0 : i32
    %dma_start3A_460 = tpu.memref_slice %arg8[%dma_start3A_459] : memref<1536xf32, #tpu.memory_space<vmem>> -> memref<1536xf32, #tpu.memory_space<vmem>>
    tpu.enqueue_dma source(%dma_start3A_460 : memref<1536xf32, #tpu.memory_space<vmem>>) target(%dma_start3A_458 : memref<1536xf32, #tpu.memory_space<hbm>>) target_semaphore(%arg20 : memref<!tpu.dma_semaphore, #tpu.memory_space<semaphore_mem>>)
    %add3A_461 = arith.constant 0 : i32
    %add3A_462 = arith.addi %add3A_310, %add3A_461 : i32
    %add3A_463 = arith.constant 4608 : i32
    %add3A_464 = arith.addi %add3A_462, %add3A_463 : i32
    %dma_start3A_465 = arith.constant 0 : i32
    %dma_start3A_466 = tpu.memref_slice %arg15[%dma_start3A_465] : memref<1536xf32, #tpu.memory_space<vmem>> -> memref<1536xf32, #tpu.memory_space<vmem>>
    %dma_start3A_467 = tpu.memref_slice %arg5[%add3A_464] : memref<400384xf32, #tpu.memory_space<hbm>> -> memref<1536xf32, #tpu.memory_space<hbm>>
    %dma_start3A_468 = tpu.memref_slice %arg5[%add3A_464] : memref<400384xf32, #tpu.memory_space<hbm>> -> memref<1536xf32, #tpu.memory_space<hbm>>
    %dma_start3A_469 = arith.constant 0 : i32
    %dma_start3A_470 = tpu.memref_slice %arg15[%dma_start3A_469] : memref<1536xf32, #tpu.memory_space<vmem>> -> memref<1536xf32, #tpu.memory_space<vmem>>
    tpu.enqueue_dma source(%dma_start3A_470 : memref<1536xf32, #tpu.memory_space<vmem>>) target(%dma_start3A_468 : memref<1536xf32, #tpu.memory_space<hbm>>) target_semaphore(%arg20 : memref<!tpu.dma_semaphore, #tpu.memory_space<semaphore_mem>>)
    %add3A_471 = arith.constant 0 : i32
    %add3A_472 = arith.addi %add3A_310, %add3A_471 : i32
    %add3A_473 = arith.constant 6144 : i32
    %add3A_474 = arith.addi %add3A_472, %add3A_473 : i32
    %dma_start3A_475 = arith.constant 0 : i32
    %dma_start3A_476 = tpu.memref_slice %arg16[%dma_start3A_475] : memref<1536xf32, #tpu.memory_space<vmem>> -> memref<112xf32, #tpu.memory_space<vmem>>
    %dma_start3A_477 = tpu.memref_slice %arg5[%add3A_474] : memref<400384xf32, #tpu.memory_space<hbm>> -> memref<112xf32, #tpu.memory_space<hbm>>
    %dma_start3A_478 = tpu.memref_slice %arg5[%add3A_474] : memref<400384xf32, #tpu.memory_space<hbm>> -> memref<112xf32, #tpu.memory_space<hbm>>
    %dma_start3A_479 = arith.constant 0 : i32
    %dma_start3A_480 = tpu.memref_slice %arg16[%dma_start3A_479] : memref<1536xf32, #tpu.memory_space<vmem>> -> memref<112xf32, #tpu.memory_space<vmem>>
    tpu.enqueue_dma source(%dma_start3A_480 : memref<112xf32, #tpu.memory_space<vmem>>) target(%dma_start3A_478 : memref<112xf32, #tpu.memory_space<hbm>>) target_semaphore(%arg20 : memref<!tpu.dma_semaphore, #tpu.memory_space<semaphore_mem>>)
    %add3A_481 = arith.constant 100096 : i32
    %add3A_482 = arith.addi %add3A_310, %add3A_481 : i32
    %add3A_483 = arith.constant 0 : i32
    %add3A_484 = arith.addi %add3A_482, %add3A_483 : i32
    %dma_start3A_485 = arith.constant 0 : i32
    %dma_start3A_486 = tpu.memref_slice %arg13[%dma_start3A_485] : memref<1536xf32, #tpu.memory_space<vmem>> -> memref<1536xf32, #tpu.memory_space<vmem>>
    %dma_start3A_487 = tpu.memref_slice %arg5[%add3A_484] : memref<400384xf32, #tpu.memory_space<hbm>> -> memref<1536xf32, #tpu.memory_space<hbm>>
    %dma_start3A_488 = tpu.memref_slice %arg5[%add3A_484] : memref<400384xf32, #tpu.memory_space<hbm>> -> memref<1536xf32, #tpu.memory_space<hbm>>
    %dma_start3A_489 = arith.constant 0 : i32
    %dma_start3A_490 = tpu.memref_slice %arg13[%dma_start3A_489] : memref<1536xf32, #tpu.memory_space<vmem>> -> memref<1536xf32, #tpu.memory_space<vmem>>
    tpu.enqueue_dma source(%dma_start3A_490 : memref<1536xf32, #tpu.memory_space<vmem>>) target(%dma_start3A_488 : memref<1536xf32, #tpu.memory_space<hbm>>) target_semaphore(%arg20 : memref<!tpu.dma_semaphore, #tpu.memory_space<semaphore_mem>>)
    %add3A_491 = arith.constant 0 : i32
    %add3A_492 = arith.addi %add3A_310, %add3A_491 : i32
    %add3A_493 = arith.constant 0 : i32
    %add3A_494 = arith.addi %add3A_492, %add3A_493 : i32
    %dma_wait3A_495 = arith.constant 0 : i32
    %dma_wait3A_496 = tpu.memref_slice %arg10[%dma_wait3A_495] : memref<1536xf32, #tpu.memory_space<vmem>> -> memref<1536xf32, #tpu.memory_space<vmem>>
    %dma_wait3A_497 = tpu.memref_slice %arg5[%add3A_494] : memref<400384xf32, #tpu.memory_space<hbm>> -> memref<1536xf32, #tpu.memory_space<hbm>>
    %dma_wait3A_498 = tpu.memref_slice %arg5[%add3A_494] : memref<400384xf32, #tpu.memory_space<hbm>> -> memref<1536xf32, #tpu.memory_space<hbm>>
    %dma_wait3A_499 = arith.constant 0 : i32
    %dma_wait3A_500 = tpu.memref_slice %arg10[%dma_wait3A_499] : memref<1536xf32, #tpu.memory_space<vmem>> -> memref<1536xf32, #tpu.memory_space<vmem>>
    tpu.wait_dma2 semaphore(%arg20 : memref<!tpu.dma_semaphore, #tpu.memory_space<semaphore_mem>>) src(%dma_wait3A_500 : memref<1536xf32, #tpu.memory_space<vmem>>) dst(%dma_wait3A_498 : memref<1536xf32, #tpu.memory_space<hbm>>)
    %add3A_501 = arith.constant 0 : i32
    %add3A_502 = arith.addi %add3A_310, %add3A_501 : i32
    %add3A_503 = arith.constant 1536 : i32
    %add3A_504 = arith.addi %add3A_502, %add3A_503 : i32
    %dma_wait3A_505 = arith.constant 0 : i32
    %dma_wait3A_506 = tpu.memref_slice %arg11[%dma_wait3A_505] : memref<1536xf32, #tpu.memory_space<vmem>> -> memref<1536xf32, #tpu.memory_space<vmem>>
    %dma_wait3A_507 = tpu.memref_slice %arg5[%add3A_504] : memref<400384xf32, #tpu.memory_space<hbm>> -> memref<1536xf32, #tpu.memory_space<hbm>>
    %dma_wait3A_508 = tpu.memref_slice %arg5[%add3A_504] : memref<400384xf32, #tpu.memory_space<hbm>> -> memref<1536xf32, #tpu.memory_space<hbm>>
    %dma_wait3A_509 = arith.constant 0 : i32
    %dma_wait3A_510 = tpu.memref_slice %arg11[%dma_wait3A_509] : memref<1536xf32, #tpu.memory_space<vmem>> -> memref<1536xf32, #tpu.memory_space<vmem>>
    tpu.wait_dma2 semaphore(%arg20 : memref<!tpu.dma_semaphore, #tpu.memory_space<semaphore_mem>>) src(%dma_wait3A_510 : memref<1536xf32, #tpu.memory_space<vmem>>) dst(%dma_wait3A_508 : memref<1536xf32, #tpu.memory_space<hbm>>)
    %add3A_511 = arith.constant 0 : i32
    %add3A_512 = arith.addi %add3A_310, %add3A_511 : i32
    %add3A_513 = arith.constant 3072 : i32
    %add3A_514 = arith.addi %add3A_512, %add3A_513 : i32
    %dma_wait3A_515 = arith.constant 0 : i32
    %dma_wait3A_516 = tpu.memref_slice %arg8[%dma_wait3A_515] : memref<1536xf32, #tpu.memory_space<vmem>> -> memref<1536xf32, #tpu.memory_space<vmem>>
    %dma_wait3A_517 = tpu.memref_slice %arg5[%add3A_514] : memref<400384xf32, #tpu.memory_space<hbm>> -> memref<1536xf32, #tpu.memory_space<hbm>>
    %dma_wait3A_518 = tpu.memref_slice %arg5[%add3A_514] : memref<400384xf32, #tpu.memory_space<hbm>> -> memref<1536xf32, #tpu.memory_space<hbm>>
    %dma_wait3A_519 = arith.constant 0 : i32
    %dma_wait3A_520 = tpu.memref_slice %arg8[%dma_wait3A_519] : memref<1536xf32, #tpu.memory_space<vmem>> -> memref<1536xf32, #tpu.memory_space<vmem>>
    tpu.wait_dma2 semaphore(%arg20 : memref<!tpu.dma_semaphore, #tpu.memory_space<semaphore_mem>>) src(%dma_wait3A_520 : memref<1536xf32, #tpu.memory_space<vmem>>) dst(%dma_wait3A_518 : memref<1536xf32, #tpu.memory_space<hbm>>)
    %add3A_521 = arith.constant 0 : i32
    %add3A_522 = arith.addi %add3A_310, %add3A_521 : i32
    %add3A_523 = arith.constant 4608 : i32
    %add3A_524 = arith.addi %add3A_522, %add3A_523 : i32
    %dma_wait3A_525 = arith.constant 0 : i32
    %dma_wait3A_526 = tpu.memref_slice %arg15[%dma_wait3A_525] : memref<1536xf32, #tpu.memory_space<vmem>> -> memref<1536xf32, #tpu.memory_space<vmem>>
    %dma_wait3A_527 = tpu.memref_slice %arg5[%add3A_524] : memref<400384xf32, #tpu.memory_space<hbm>> -> memref<1536xf32, #tpu.memory_space<hbm>>
    %dma_wait3A_528 = tpu.memref_slice %arg5[%add3A_524] : memref<400384xf32, #tpu.memory_space<hbm>> -> memref<1536xf32, #tpu.memory_space<hbm>>
    %dma_wait3A_529 = arith.constant 0 : i32
    %dma_wait3A_530 = tpu.memref_slice %arg15[%dma_wait3A_529] : memref<1536xf32, #tpu.memory_space<vmem>> -> memref<1536xf32, #tpu.memory_space<vmem>>
    tpu.wait_dma2 semaphore(%arg20 : memref<!tpu.dma_semaphore, #tpu.memory_space<semaphore_mem>>) src(%dma_wait3A_530 : memref<1536xf32, #tpu.memory_space<vmem>>) dst(%dma_wait3A_528 : memref<1536xf32, #tpu.memory_space<hbm>>)
    %add3A_531 = arith.constant 0 : i32
    %add3A_532 = arith.addi %add3A_310, %add3A_531 : i32
    %add3A_533 = arith.constant 6144 : i32
    %add3A_534 = arith.addi %add3A_532, %add3A_533 : i32
    %dma_wait3A_535 = arith.constant 0 : i32
    %dma_wait3A_536 = tpu.memref_slice %arg16[%dma_wait3A_535] : memref<1536xf32, #tpu.memory_space<vmem>> -> memref<112xf32, #tpu.memory_space<vmem>>
    %dma_wait3A_537 = tpu.memref_slice %arg5[%add3A_534] : memref<400384xf32, #tpu.memory_space<hbm>> -> memref<112xf32, #tpu.memory_space<hbm>>
    %dma_wait3A_538 = tpu.memref_slice %arg5[%add3A_534] : memref<400384xf32, #tpu.memory_space<hbm>> -> memref<112xf32, #tpu.memory_space<hbm>>
    %dma_wait3A_539 = arith.constant 0 : i32
    %dma_wait3A_540 = tpu.memref_slice %arg16[%dma_wait3A_539] : memref<1536xf32, #tpu.memory_space<vmem>> -> memref<112xf32, #tpu.memory_space<vmem>>
    tpu.wait_dma2 semaphore(%arg20 : memref<!tpu.dma_semaphore, #tpu.memory_space<semaphore_mem>>) src(%dma_wait3A_540 : memref<112xf32, #tpu.memory_space<vmem>>) dst(%dma_wait3A_538 : memref<112xf32, #tpu.memory_space<hbm>>)
    %add3A_541 = arith.constant 100096 : i32
    %add3A_542 = arith.addi %add3A_310, %add3A_541 : i32
    %add3A_543 = arith.constant 0 : i32
    %add3A_544 = arith.addi %add3A_542, %add3A_543 : i32
    %dma_wait3A_545 = arith.constant 0 : i32
    %dma_wait3A_546 = tpu.memref_slice %arg13[%dma_wait3A_545] : memref<1536xf32, #tpu.memory_space<vmem>> -> memref<1536xf32, #tpu.memory_space<vmem>>
    %dma_wait3A_547 = tpu.memref_slice %arg5[%add3A_544] : memref<400384xf32, #tpu.memory_space<hbm>> -> memref<1536xf32, #tpu.memory_space<hbm>>
    %dma_wait3A_548 = tpu.memref_slice %arg5[%add3A_544] : memref<400384xf32, #tpu.memory_space<hbm>> -> memref<1536xf32, #tpu.memory_space<hbm>>
    %dma_wait3A_549 = arith.constant 0 : i32
    %dma_wait3A_550 = tpu.memref_slice %arg13[%dma_wait3A_549] : memref<1536xf32, #tpu.memory_space<vmem>> -> memref<1536xf32, #tpu.memory_space<vmem>>
    tpu.wait_dma2 semaphore(%arg20 : memref<!tpu.dma_semaphore, #tpu.memory_space<semaphore_mem>>) src(%dma_wait3A_550 : memref<1536xf32, #tpu.memory_space<vmem>>) dst(%dma_wait3A_548 : memref<1536xf32, #tpu.memory_space<hbm>>)
    %mul3A_551 = arith.constant 6256 : i32
    %mul3A_552 = arith.muli %arg1, %mul3A_551 : i32
    %add3A_553 = arith.constant 1536 : i32
    %add3A_554 = arith.addi %mul3A_552, %add3A_553 : i32
    %dma_start3A_555 = arith.constant 0 : i32
    %dma_start3A_556 = tpu.memref_slice %arg10[%dma_start3A_555] : memref<1536xf32, #tpu.memory_space<vmem>> -> memref<1536xf32, #tpu.memory_space<vmem>>
    %dma_start3A_557 = tpu.memref_slice %arg18[%add3A_554] : memref<100096xf32, #tpu.memory_space<vmem_shared>> -> memref<1536xf32, #tpu.memory_space<vmem_shared>>
    %dma_start3A_558 = arith.constant 0 : i32
    %dma_start3A_559 = tpu.memref_slice %arg10[%dma_start3A_558] : memref<1536xf32, #tpu.memory_space<vmem>> -> memref<1536xf32, #tpu.memory_space<vmem>>
    %dma_start3A_560 = tpu.memref_slice %arg18[%add3A_554] : memref<100096xf32, #tpu.memory_space<vmem_shared>> -> memref<1536xf32, #tpu.memory_space<vmem_shared>>
    tpu.enqueue_dma source(%dma_start3A_560 : memref<1536xf32, #tpu.memory_space<vmem_shared>>) target(%dma_start3A_559 : memref<1536xf32, #tpu.memory_space<vmem>>) target_semaphore(%arg19 : memref<!tpu.dma_semaphore, #tpu.memory_space<semaphore_mem>>)
    %mul3A_561 = arith.constant 6256 : i32
    %mul3A_562 = arith.muli %arg1, %mul3A_561 : i32
    %add3A_563 = arith.constant 3072 : i32
    %add3A_564 = arith.addi %mul3A_562, %add3A_563 : i32
    %dma_start3A_565 = arith.constant 0 : i32
    %dma_start3A_566 = tpu.memref_slice %arg11[%dma_start3A_565] : memref<1536xf32, #tpu.memory_space<vmem>> -> memref<1536xf32, #tpu.memory_space<vmem>>
    %dma_start3A_567 = tpu.memref_slice %arg18[%add3A_564] : memref<100096xf32, #tpu.memory_space<vmem_shared>> -> memref<1536xf32, #tpu.memory_space<vmem_shared>>
    %dma_start3A_568 = arith.constant 0 : i32
    %dma_start3A_569 = tpu.memref_slice %arg11[%dma_start3A_568] : memref<1536xf32, #tpu.memory_space<vmem>> -> memref<1536xf32, #tpu.memory_space<vmem>>
    %dma_start3A_570 = tpu.memref_slice %arg18[%add3A_564] : memref<100096xf32, #tpu.memory_space<vmem_shared>> -> memref<1536xf32, #tpu.memory_space<vmem_shared>>
    tpu.enqueue_dma source(%dma_start3A_570 : memref<1536xf32, #tpu.memory_space<vmem_shared>>) target(%dma_start3A_569 : memref<1536xf32, #tpu.memory_space<vmem>>) target_semaphore(%arg19 : memref<!tpu.dma_semaphore, #tpu.memory_space<semaphore_mem>>)
    %mul3A_571 = arith.constant 6256 : i32
    %mul3A_572 = arith.muli %arg1, %mul3A_571 : i32
    %add3A_573 = arith.constant 4608 : i32
    %add3A_574 = arith.addi %mul3A_572, %add3A_573 : i32
    %dma_start3A_575 = arith.constant 0 : i32
    %dma_start3A_576 = tpu.memref_slice %arg8[%dma_start3A_575] : memref<1536xf32, #tpu.memory_space<vmem>> -> memref<1536xf32, #tpu.memory_space<vmem>>
    %dma_start3A_577 = tpu.memref_slice %arg18[%add3A_574] : memref<100096xf32, #tpu.memory_space<vmem_shared>> -> memref<1536xf32, #tpu.memory_space<vmem_shared>>
    %dma_start3A_578 = arith.constant 0 : i32
    %dma_start3A_579 = tpu.memref_slice %arg8[%dma_start3A_578] : memref<1536xf32, #tpu.memory_space<vmem>> -> memref<1536xf32, #tpu.memory_space<vmem>>
    %dma_start3A_580 = tpu.memref_slice %arg18[%add3A_574] : memref<100096xf32, #tpu.memory_space<vmem_shared>> -> memref<1536xf32, #tpu.memory_space<vmem_shared>>
    tpu.enqueue_dma source(%dma_start3A_580 : memref<1536xf32, #tpu.memory_space<vmem_shared>>) target(%dma_start3A_579 : memref<1536xf32, #tpu.memory_space<vmem>>) target_semaphore(%arg19 : memref<!tpu.dma_semaphore, #tpu.memory_space<semaphore_mem>>)
    %mul3A_581 = arith.constant 6256 : i32
    %mul3A_582 = arith.muli %arg1, %mul3A_581 : i32
    %add3A_583 = arith.constant 6144 : i32
    %add3A_584 = arith.addi %mul3A_582, %add3A_583 : i32
    %dma_start3A_585 = arith.constant 0 : i32
    %dma_start3A_586 = tpu.memref_slice %arg15[%dma_start3A_585] : memref<1536xf32, #tpu.memory_space<vmem>> -> memref<112xf32, #tpu.memory_space<vmem>>
    %dma_start3A_587 = tpu.memref_slice %arg18[%add3A_584] : memref<100096xf32, #tpu.memory_space<vmem_shared>> -> memref<112xf32, #tpu.memory_space<vmem_shared>>
    %dma_start3A_588 = arith.constant 0 : i32
    %dma_start3A_589 = tpu.memref_slice %arg15[%dma_start3A_588] : memref<1536xf32, #tpu.memory_space<vmem>> -> memref<112xf32, #tpu.memory_space<vmem>>
    %dma_start3A_590 = tpu.memref_slice %arg18[%add3A_584] : memref<100096xf32, #tpu.memory_space<vmem_shared>> -> memref<112xf32, #tpu.memory_space<vmem_shared>>
    tpu.enqueue_dma source(%dma_start3A_590 : memref<112xf32, #tpu.memory_space<vmem_shared>>) target(%dma_start3A_589 : memref<112xf32, #tpu.memory_space<vmem>>) target_semaphore(%arg19 : memref<!tpu.dma_semaphore, #tpu.memory_space<semaphore_mem>>)
    %mul3A_591 = arith.constant 6256 : i32
    %mul3A_592 = arith.muli %arg1, %mul3A_591 : i32
    %add3A_593 = arith.constant 1536 : i32
    %add3A_594 = arith.addi %mul3A_592, %add3A_593 : i32
    %dma_wait3A_595 = arith.constant 0 : i32
    %dma_wait3A_596 = tpu.memref_slice %arg10[%dma_wait3A_595] : memref<1536xf32, #tpu.memory_space<vmem>> -> memref<1536xf32, #tpu.memory_space<vmem>>
    %dma_wait3A_597 = tpu.memref_slice %arg18[%add3A_594] : memref<100096xf32, #tpu.memory_space<vmem_shared>> -> memref<1536xf32, #tpu.memory_space<vmem_shared>>
    %dma_wait3A_598 = arith.constant 0 : i32
    %dma_wait3A_599 = tpu.memref_slice %arg10[%dma_wait3A_598] : memref<1536xf32, #tpu.memory_space<vmem>> -> memref<1536xf32, #tpu.memory_space<vmem>>
    %dma_wait3A_600 = tpu.memref_slice %arg18[%add3A_594] : memref<100096xf32, #tpu.memory_space<vmem_shared>> -> memref<1536xf32, #tpu.memory_space<vmem_shared>>
    tpu.wait_dma2 semaphore(%arg19 : memref<!tpu.dma_semaphore, #tpu.memory_space<semaphore_mem>>) src(%dma_wait3A_600 : memref<1536xf32, #tpu.memory_space<vmem_shared>>) dst(%dma_wait3A_599 : memref<1536xf32, #tpu.memory_space<vmem>>)
    %mul3A_601 = arith.constant 6256 : i32
    %mul3A_602 = arith.muli %arg1, %mul3A_601 : i32
    %add3A_603 = arith.constant 3072 : i32
    %add3A_604 = arith.addi %mul3A_602, %add3A_603 : i32
    %dma_wait3A_605 = arith.constant 0 : i32
    %dma_wait3A_606 = tpu.memref_slice %arg11[%dma_wait3A_605] : memref<1536xf32, #tpu.memory_space<vmem>> -> memref<1536xf32, #tpu.memory_space<vmem>>
    %dma_wait3A_607 = tpu.memref_slice %arg18[%add3A_604] : memref<100096xf32, #tpu.memory_space<vmem_shared>> -> memref<1536xf32, #tpu.memory_space<vmem_shared>>
    %dma_wait3A_608 = arith.constant 0 : i32
    %dma_wait3A_609 = tpu.memref_slice %arg11[%dma_wait3A_608] : memref<1536xf32, #tpu.memory_space<vmem>> -> memref<1536xf32, #tpu.memory_space<vmem>>
    %dma_wait3A_610 = tpu.memref_slice %arg18[%add3A_604] : memref<100096xf32, #tpu.memory_space<vmem_shared>> -> memref<1536xf32, #tpu.memory_space<vmem_shared>>
    tpu.wait_dma2 semaphore(%arg19 : memref<!tpu.dma_semaphore, #tpu.memory_space<semaphore_mem>>) src(%dma_wait3A_610 : memref<1536xf32, #tpu.memory_space<vmem_shared>>) dst(%dma_wait3A_609 : memref<1536xf32, #tpu.memory_space<vmem>>)
    %mul3A_611 = arith.constant 6256 : i32
    %mul3A_612 = arith.muli %arg1, %mul3A_611 : i32
    %add3A_613 = arith.constant 4608 : i32
    %add3A_614 = arith.addi %mul3A_612, %add3A_613 : i32
    %dma_wait3A_615 = arith.constant 0 : i32
    %dma_wait3A_616 = tpu.memref_slice %arg8[%dma_wait3A_615] : memref<1536xf32, #tpu.memory_space<vmem>> -> memref<1536xf32, #tpu.memory_space<vmem>>
    %dma_wait3A_617 = tpu.memref_slice %arg18[%add3A_614] : memref<100096xf32, #tpu.memory_space<vmem_shared>> -> memref<1536xf32, #tpu.memory_space<vmem_shared>>
    %dma_wait3A_618 = arith.constant 0 : i32
    %dma_wait3A_619 = tpu.memref_slice %arg8[%dma_wait3A_618] : memref<1536xf32, #tpu.memory_space<vmem>> -> memref<1536xf32, #tpu.memory_space<vmem>>
    %dma_wait3A_620 = tpu.memref_slice %arg18[%add3A_614] : memref<100096xf32, #tpu.memory_space<vmem_shared>> -> memref<1536xf32, #tpu.memory_space<vmem_shared>>
    tpu.wait_dma2 semaphore(%arg19 : memref<!tpu.dma_semaphore, #tpu.memory_space<semaphore_mem>>) src(%dma_wait3A_620 : memref<1536xf32, #tpu.memory_space<vmem_shared>>) dst(%dma_wait3A_619 : memref<1536xf32, #tpu.memory_space<vmem>>)
    %mul3A_621 = arith.constant 6256 : i32
    %mul3A_622 = arith.muli %arg1, %mul3A_621 : i32
    %add3A_623 = arith.constant 6144 : i32
    %add3A_624 = arith.addi %mul3A_622, %add3A_623 : i32
    %dma_wait3A_625 = arith.constant 0 : i32
    %dma_wait3A_626 = tpu.memref_slice %arg15[%dma_wait3A_625] : memref<1536xf32, #tpu.memory_space<vmem>> -> memref<112xf32, #tpu.memory_space<vmem>>
    %dma_wait3A_627 = tpu.memref_slice %arg18[%add3A_624] : memref<100096xf32, #tpu.memory_space<vmem_shared>> -> memref<112xf32, #tpu.memory_space<vmem_shared>>
    %dma_wait3A_628 = arith.constant 0 : i32
    %dma_wait3A_629 = tpu.memref_slice %arg15[%dma_wait3A_628] : memref<1536xf32, #tpu.memory_space<vmem>> -> memref<112xf32, #tpu.memory_space<vmem>>
    %dma_wait3A_630 = tpu.memref_slice %arg18[%add3A_624] : memref<100096xf32, #tpu.memory_space<vmem_shared>> -> memref<112xf32, #tpu.memory_space<vmem_shared>>
    tpu.wait_dma2 semaphore(%arg19 : memref<!tpu.dma_semaphore, #tpu.memory_space<semaphore_mem>>) src(%dma_wait3A_630 : memref<112xf32, #tpu.memory_space<vmem_shared>>) dst(%dma_wait3A_629 : memref<112xf32, #tpu.memory_space<vmem>>)
    %add3A_631 = arith.constant 100096 : i32
    %add3A_632 = arith.addi %add3A_310, %add3A_631 : i32
    %add3A_633 = arith.constant 1536 : i32
    %add3A_634 = arith.addi %add3A_632, %add3A_633 : i32
    %dma_start3A_635 = arith.constant 0 : i32
    %dma_start3A_636 = tpu.memref_slice %arg10[%dma_start3A_635] : memref<1536xf32, #tpu.memory_space<vmem>> -> memref<1536xf32, #tpu.memory_space<vmem>>
    %dma_start3A_637 = tpu.memref_slice %arg5[%add3A_634] : memref<400384xf32, #tpu.memory_space<hbm>> -> memref<1536xf32, #tpu.memory_space<hbm>>
    %dma_start3A_638 = tpu.memref_slice %arg5[%add3A_634] : memref<400384xf32, #tpu.memory_space<hbm>> -> memref<1536xf32, #tpu.memory_space<hbm>>
    %dma_start3A_639 = arith.constant 0 : i32
    %dma_start3A_640 = tpu.memref_slice %arg10[%dma_start3A_639] : memref<1536xf32, #tpu.memory_space<vmem>> -> memref<1536xf32, #tpu.memory_space<vmem>>
    tpu.enqueue_dma source(%dma_start3A_640 : memref<1536xf32, #tpu.memory_space<vmem>>) target(%dma_start3A_638 : memref<1536xf32, #tpu.memory_space<hbm>>) target_semaphore(%arg20 : memref<!tpu.dma_semaphore, #tpu.memory_space<semaphore_mem>>)
    %add3A_641 = arith.constant 100096 : i32
    %add3A_642 = arith.addi %add3A_310, %add3A_641 : i32
    %add3A_643 = arith.constant 3072 : i32
    %add3A_644 = arith.addi %add3A_642, %add3A_643 : i32
    %dma_start3A_645 = arith.constant 0 : i32
    %dma_start3A_646 = tpu.memref_slice %arg11[%dma_start3A_645] : memref<1536xf32, #tpu.memory_space<vmem>> -> memref<1536xf32, #tpu.memory_space<vmem>>
    %dma_start3A_647 = tpu.memref_slice %arg5[%add3A_644] : memref<400384xf32, #tpu.memory_space<hbm>> -> memref<1536xf32, #tpu.memory_space<hbm>>
    %dma_start3A_648 = tpu.memref_slice %arg5[%add3A_644] : memref<400384xf32, #tpu.memory_space<hbm>> -> memref<1536xf32, #tpu.memory_space<hbm>>
    %dma_start3A_649 = arith.constant 0 : i32
    %dma_start3A_650 = tpu.memref_slice %arg11[%dma_start3A_649] : memref<1536xf32, #tpu.memory_space<vmem>> -> memref<1536xf32, #tpu.memory_space<vmem>>
    tpu.enqueue_dma source(%dma_start3A_650 : memref<1536xf32, #tpu.memory_space<vmem>>) target(%dma_start3A_648 : memref<1536xf32, #tpu.memory_space<hbm>>) target_semaphore(%arg20 : memref<!tpu.dma_semaphore, #tpu.memory_space<semaphore_mem>>)
    %add3A_651 = arith.constant 100096 : i32
    %add3A_652 = arith.addi %add3A_310, %add3A_651 : i32
    %add3A_653 = arith.constant 4608 : i32
    %add3A_654 = arith.addi %add3A_652, %add3A_653 : i32
    %dma_start3A_655 = arith.constant 0 : i32
    %dma_start3A_656 = tpu.memref_slice %arg8[%dma_start3A_655] : memref<1536xf32, #tpu.memory_space<vmem>> -> memref<1536xf32, #tpu.memory_space<vmem>>
    %dma_start3A_657 = tpu.memref_slice %arg5[%add3A_654] : memref<400384xf32, #tpu.memory_space<hbm>> -> memref<1536xf32, #tpu.memory_space<hbm>>
    %dma_start3A_658 = tpu.memref_slice %arg5[%add3A_654] : memref<400384xf32, #tpu.memory_space<hbm>> -> memref<1536xf32, #tpu.memory_space<hbm>>
    %dma_start3A_659 = arith.constant 0 : i32
    %dma_start3A_660 = tpu.memref_slice %arg8[%dma_start3A_659] : memref<1536xf32, #tpu.memory_space<vmem>> -> memref<1536xf32, #tpu.memory_space<vmem>>
    tpu.enqueue_dma source(%dma_start3A_660 : memref<1536xf32, #tpu.memory_space<vmem>>) target(%dma_start3A_658 : memref<1536xf32, #tpu.memory_space<hbm>>) target_semaphore(%arg20 : memref<!tpu.dma_semaphore, #tpu.memory_space<semaphore_mem>>)
    %add3A_661 = arith.constant 100096 : i32
    %add3A_662 = arith.addi %add3A_310, %add3A_661 : i32
    %add3A_663 = arith.constant 6144 : i32
    %add3A_664 = arith.addi %add3A_662, %add3A_663 : i32
    %dma_start3A_665 = arith.constant 0 : i32
    %dma_start3A_666 = tpu.memref_slice %arg15[%dma_start3A_665] : memref<1536xf32, #tpu.memory_space<vmem>> -> memref<112xf32, #tpu.memory_space<vmem>>
    %dma_start3A_667 = tpu.memref_slice %arg5[%add3A_664] : memref<400384xf32, #tpu.memory_space<hbm>> -> memref<112xf32, #tpu.memory_space<hbm>>
    %dma_start3A_668 = tpu.memref_slice %arg5[%add3A_664] : memref<400384xf32, #tpu.memory_space<hbm>> -> memref<112xf32, #tpu.memory_space<hbm>>
    %dma_start3A_669 = arith.constant 0 : i32
    %dma_start3A_670 = tpu.memref_slice %arg15[%dma_start3A_669] : memref<1536xf32, #tpu.memory_space<vmem>> -> memref<112xf32, #tpu.memory_space<vmem>>
    tpu.enqueue_dma source(%dma_start3A_670 : memref<112xf32, #tpu.memory_space<vmem>>) target(%dma_start3A_668 : memref<112xf32, #tpu.memory_space<hbm>>) target_semaphore(%arg20 : memref<!tpu.dma_semaphore, #tpu.memory_space<semaphore_mem>>)
    %add3A_671 = arith.constant 100096 : i32
    %add3A_672 = arith.addi %add3A_310, %add3A_671 : i32
    %add3A_673 = arith.constant 1536 : i32
    %add3A_674 = arith.addi %add3A_672, %add3A_673 : i32
    %dma_wait3A_675 = arith.constant 0 : i32
    %dma_wait3A_676 = tpu.memref_slice %arg10[%dma_wait3A_675] : memref<1536xf32, #tpu.memory_space<vmem>> -> memref<1536xf32, #tpu.memory_space<vmem>>
    %dma_wait3A_677 = tpu.memref_slice %arg5[%add3A_674] : memref<400384xf32, #tpu.memory_space<hbm>> -> memref<1536xf32, #tpu.memory_space<hbm>>
    %dma_wait3A_678 = tpu.memref_slice %arg5[%add3A_674] : memref<400384xf32, #tpu.memory_space<hbm>> -> memref<1536xf32, #tpu.memory_space<hbm>>
    %dma_wait3A_679 = arith.constant 0 : i32
    %dma_wait3A_680 = tpu.memref_slice %arg10[%dma_wait3A_679] : memref<1536xf32, #tpu.memory_space<vmem>> -> memref<1536xf32, #tpu.memory_space<vmem>>
    tpu.wait_dma2 semaphore(%arg20 : memref<!tpu.dma_semaphore, #tpu.memory_space<semaphore_mem>>) src(%dma_wait3A_680 : memref<1536xf32, #tpu.memory_space<vmem>>) dst(%dma_wait3A_678 : memref<1536xf32, #tpu.memory_space<hbm>>)
    %add3A_681 = arith.constant 100096 : i32
    %add3A_682 = arith.addi %add3A_310, %add3A_681 : i32
    %add3A_683 = arith.constant 3072 : i32
    %add3A_684 = arith.addi %add3A_682, %add3A_683 : i32
    %dma_wait3A_685 = arith.constant 0 : i32
    %dma_wait3A_686 = tpu.memref_slice %arg11[%dma_wait3A_685] : memref<1536xf32, #tpu.memory_space<vmem>> -> memref<1536xf32, #tpu.memory_space<vmem>>
    %dma_wait3A_687 = tpu.memref_slice %arg5[%add3A_684] : memref<400384xf32, #tpu.memory_space<hbm>> -> memref<1536xf32, #tpu.memory_space<hbm>>
    %dma_wait3A_688 = tpu.memref_slice %arg5[%add3A_684] : memref<400384xf32, #tpu.memory_space<hbm>> -> memref<1536xf32, #tpu.memory_space<hbm>>
    %dma_wait3A_689 = arith.constant 0 : i32
    %dma_wait3A_690 = tpu.memref_slice %arg11[%dma_wait3A_689] : memref<1536xf32, #tpu.memory_space<vmem>> -> memref<1536xf32, #tpu.memory_space<vmem>>
    tpu.wait_dma2 semaphore(%arg20 : memref<!tpu.dma_semaphore, #tpu.memory_space<semaphore_mem>>) src(%dma_wait3A_690 : memref<1536xf32, #tpu.memory_space<vmem>>) dst(%dma_wait3A_688 : memref<1536xf32, #tpu.memory_space<hbm>>)
    %add3A_691 = arith.constant 100096 : i32
    %add3A_692 = arith.addi %add3A_310, %add3A_691 : i32
    %add3A_693 = arith.constant 4608 : i32
    %add3A_694 = arith.addi %add3A_692, %add3A_693 : i32
    %dma_wait3A_695 = arith.constant 0 : i32
    %dma_wait3A_696 = tpu.memref_slice %arg8[%dma_wait3A_695] : memref<1536xf32, #tpu.memory_space<vmem>> -> memref<1536xf32, #tpu.memory_space<vmem>>
    %dma_wait3A_697 = tpu.memref_slice %arg5[%add3A_694] : memref<400384xf32, #tpu.memory_space<hbm>> -> memref<1536xf32, #tpu.memory_space<hbm>>
    %dma_wait3A_698 = tpu.memref_slice %arg5[%add3A_694] : memref<400384xf32, #tpu.memory_space<hbm>> -> memref<1536xf32, #tpu.memory_space<hbm>>
    %dma_wait3A_699 = arith.constant 0 : i32
    %dma_wait3A_700 = tpu.memref_slice %arg8[%dma_wait3A_699] : memref<1536xf32, #tpu.memory_space<vmem>> -> memref<1536xf32, #tpu.memory_space<vmem>>
    tpu.wait_dma2 semaphore(%arg20 : memref<!tpu.dma_semaphore, #tpu.memory_space<semaphore_mem>>) src(%dma_wait3A_700 : memref<1536xf32, #tpu.memory_space<vmem>>) dst(%dma_wait3A_698 : memref<1536xf32, #tpu.memory_space<hbm>>)
    %add3A_701 = arith.constant 100096 : i32
    %add3A_702 = arith.addi %add3A_310, %add3A_701 : i32
    %add3A_703 = arith.constant 6144 : i32
    %add3A_704 = arith.addi %add3A_702, %add3A_703 : i32
    %dma_wait3A_705 = arith.constant 0 : i32
    %dma_wait3A_706 = tpu.memref_slice %arg15[%dma_wait3A_705] : memref<1536xf32, #tpu.memory_space<vmem>> -> memref<112xf32, #tpu.memory_space<vmem>>
    %dma_wait3A_707 = tpu.memref_slice %arg5[%add3A_704] : memref<400384xf32, #tpu.memory_space<hbm>> -> memref<112xf32, #tpu.memory_space<hbm>>
    %dma_wait3A_708 = tpu.memref_slice %arg5[%add3A_704] : memref<400384xf32, #tpu.memory_space<hbm>> -> memref<112xf32, #tpu.memory_space<hbm>>
    %dma_wait3A_709 = arith.constant 0 : i32
    %dma_wait3A_710 = tpu.memref_slice %arg15[%dma_wait3A_709] : memref<1536xf32, #tpu.memory_space<vmem>> -> memref<112xf32, #tpu.memory_space<vmem>>
    tpu.wait_dma2 semaphore(%arg20 : memref<!tpu.dma_semaphore, #tpu.memory_space<semaphore_mem>>) src(%dma_wait3A_710 : memref<112xf32, #tpu.memory_space<vmem>>) dst(%dma_wait3A_708 : memref<112xf32, #tpu.memory_space<hbm>>)
    return
  }
}

module attributes {stable_mosaic.version = 14 : i64} {
  func.func @node_pool_tc(%arg0: memref<782x128xf32, #tpu.memory_space<vmem>>, %arg1: memref<4x782x128xf32, #tpu.memory_space<vmem>>, %arg2: memref<2x2xf32, #tpu.memory_space<smem>>, %arg3: memref<2xf32, #tpu.memory_space<smem>>, %arg4: memref<2x2xf32, #tpu.memory_space<smem>>, %arg5: memref<2xf32, #tpu.memory_space<smem>>, %arg6: memref<2x2xf32, #tpu.memory_space<smem>>, %arg7: memref<2xf32, #tpu.memory_space<smem>>, %arg8: memref<2x2xf32, #tpu.memory_space<smem>>, %arg9: memref<2xf32, #tpu.memory_space<smem>>, %arg10: memref<8x128xf32, #tpu.memory_space<vmem>>) attributes {dimension_semantics = [], scalar_prefetch = 0 : i64, scratch_operands = 0 : i64, tpu.core_type = #tpu.core_type<tc>} {
    %get3A = arith.constant 0 : index
    %get3A_0 = arith.constant 0 : index
    %get3A_1 = vector.load %arg0[%get3A, %get3A_0] : memref<782x128xf32, #tpu.memory_space<vmem>>, vector<782x128xf32>
    %get3A_2 = arith.constant 0 : index
    %get3A_3 = arith.constant 0 : index
    %get3A_4 = arith.constant 0 : index
    %get3A_5 = vector.load %arg1[%get3A_2, %get3A_3, %get3A_4] : memref<4x782x128xf32, #tpu.memory_space<vmem>>, vector<1x782x128xf32>
    %get3A_6 = vector.shape_cast %get3A_5 : vector<1x782x128xf32> to vector<782x128xf32>
    %get3A_7 = arith.constant 2 : index
    %get3A_8 = arith.constant 0 : index
    %get3A_9 = arith.constant 0 : index
    %get3A_10 = vector.load %arg1[%get3A_7, %get3A_8, %get3A_9] : memref<4x782x128xf32, #tpu.memory_space<vmem>>, vector<1x782x128xf32>
    %get3A_11 = vector.shape_cast %get3A_10 : vector<1x782x128xf32> to vector<782x128xf32>
    %add3A = arith.addf %get3A_6, %get3A_11 : vector<782x128xf32>
    %get3A_12 = arith.constant 1 : index
    %get3A_13 = arith.constant 0 : index
    %get3A_14 = arith.constant 0 : index
    %get3A_15 = vector.load %arg1[%get3A_12, %get3A_13, %get3A_14] : memref<4x782x128xf32, #tpu.memory_space<vmem>>, vector<1x782x128xf32>
    %get3A_16 = vector.shape_cast %get3A_15 : vector<1x782x128xf32> to vector<782x128xf32>
    %get3A_17 = arith.constant 3 : index
    %get3A_18 = arith.constant 0 : index
    %get3A_19 = arith.constant 0 : index
    %get3A_20 = vector.load %arg1[%get3A_17, %get3A_18, %get3A_19] : memref<4x782x128xf32, #tpu.memory_space<vmem>>, vector<1x782x128xf32>
    %get3A_21 = vector.shape_cast %get3A_20 : vector<1x782x128xf32> to vector<782x128xf32>
    %add3A_22 = arith.addf %get3A_16, %get3A_21 : vector<782x128xf32>
    %iota3A = tpu.iota {dimensions = array<i32: 0>} : vector<782x128xi32>
    %mul3A = arith.constant 128 : i32
    %mul3A_23 = vector.broadcast %mul3A : i32 to vector<782x128xi32>
    %mul3A_24 = arith.muli %iota3A, %mul3A_23 : vector<782x128xi32>
    %iota3A_25 = tpu.iota {dimensions = array<i32: 1>} : vector<782x128xi32>
    %add3A_26 = arith.addi %mul3A_24, %iota3A_25 : vector<782x128xi32>
    %lt3A = arith.constant 100000 : i32
    %lt3A_27 = vector.broadcast %lt3A : i32 to vector<782x128xi32>
    %lt3A_28 = arith.cmpi slt, %add3A_26, %lt3A_27 : vector<782x128xi32>
    %div3A = arith.constant 0.303842515 : f32
    %div3A_29 = vector.broadcast %div3A : f32 to vector<782x128xf32>
    %div3A_30 = arith.divf %add3A_22, %div3A_29 : vector<782x128xf32>
    %add3A_31 = arith.addf %div3A_30, %add3A : vector<782x128xf32>
    %mul3A_32 = arith.constant -0.266523629 : f32
    %mul3A_33 = vector.broadcast %mul3A_32 : f32 to vector<782x128xf32>
    %mul3A_34 = arith.mulf %add3A_31, %mul3A_33 : vector<782x128xf32>
    %exp3A = math.exp %mul3A_34 : vector<782x128xf32>
    %mul3A_35 = arith.constant -2.11055326 : f32
    %mul3A_36 = vector.broadcast %mul3A_35 : f32 to vector<782x128xf32>
    %mul3A_37 = arith.mulf %add3A, %mul3A_36 : vector<782x128xf32>
    %exp3A_38 = math.exp %mul3A_37 : vector<782x128xf32>
    %div3A_39 = arith.constant -0.72561568 : f32
    %div3A_40 = vector.broadcast %div3A_39 : f32 to vector<782x128xf32>
    %div3A_41 = arith.divf %exp3A_38, %div3A_40 : vector<782x128xf32>
    %add3A_42 = arith.addf %exp3A, %div3A_41 : vector<782x128xf32>
    %mul3A_43 = arith.constant 0.192722529 : f32
    %mul3A_44 = vector.broadcast %mul3A_43 : f32 to vector<782x128xf32>
    %mul3A_45 = arith.mulf %get3A_1, %mul3A_44 : vector<782x128xf32>
    %exp3A_46 = math.exp %mul3A_45 : vector<782x128xf32>
    %mul3A_47 = arith.mulf %add3A_42, %exp3A_46 : vector<782x128xf32>
    %add3A_48 = arith.constant 0.122629039 : f32
    %add3A_49 = vector.broadcast %add3A_48 : f32 to vector<782x128xf32>
    %add3A_50 = arith.addf %mul3A_47, %add3A_49 : vector<782x128xf32>
    %add3A_51 = arith.constant -3.28310108 : f32
    %add3A_52 = vector.broadcast %add3A_51 : f32 to vector<782x128xf32>
    %add3A_53 = arith.addf %add3A, %add3A_52 : vector<782x128xf32>
    %div3A_54 = arith.constant 0.790824234 : f32
    %div3A_55 = vector.broadcast %div3A_54 : f32 to vector<782x128xf32>
    %div3A_56 = arith.divf %get3A_1, %div3A_55 : vector<782x128xf32>
    %sub3A = arith.subf %add3A_53, %div3A_56 : vector<782x128xf32>
    %mul3A_57 = arith.constant 0.319925785 : f32
    %mul3A_58 = vector.broadcast %mul3A_57 : f32 to vector<782x128xf32>
    %mul3A_59 = arith.mulf %sub3A, %mul3A_58 : vector<782x128xf32>
    %add3A_60 = arith.addf %add3A_22, %mul3A_59 : vector<782x128xf32>
    %mul3A_61 = arith.constant -1.85647213 : f32
    %mul3A_62 = vector.broadcast %mul3A_61 : f32 to vector<782x128xf32>
    %mul3A_63 = arith.mulf %add3A_60, %mul3A_62 : vector<782x128xf32>
    %exp3A_64 = math.exp %mul3A_63 : vector<782x128xf32>
    %add3A_65 = arith.constant 1.44627011 : f32
    %add3A_66 = vector.broadcast %add3A_65 : f32 to vector<782x128xf32>
    %add3A_67 = arith.addf %exp3A_64, %add3A_66 : vector<782x128xf32>
    %log3A = math.log %add3A_67 : vector<782x128xf32>
    %sqrt3A = math.sqrt %log3A : vector<782x128xf32>
    %sub3A_68 = arith.constant 0.787260174 : f32
    %sub3A_69 = vector.broadcast %sub3A_68 : f32 to vector<782x128xf32>
    %sub3A_70 = arith.subf %sub3A_69, %sqrt3A : vector<782x128xf32>
    %jit3A = arith.constant 0.000000e+00 : f32
    %broadcast_in_dim3A = vector.broadcast %jit3A : f32 to vector<782x128xf32>
    %select_n3A = arith.select %lt3A_28, %add3A_50, %broadcast_in_dim3A : vector<782x128xi1>, vector<782x128xf32>
    %sub3A_71 = arith.subf %sub3A_70, %add3A_50 : vector<782x128xf32>
    %jit3A_72 = arith.constant 0.000000e+00 : f32
    %broadcast_in_dim3A_73 = vector.broadcast %jit3A_72 : f32 to vector<782x128xf32>
    %select_n3A_74 = arith.select %lt3A_28, %sub3A_71, %broadcast_in_dim3A_73 : vector<782x128xi1>, vector<782x128xf32>
    %reduce_sum3A = vector.shape_cast %select_n3A : vector<782x128xf32> to vector<1x782x128xf32>
    %reduce_sum3A_75 = arith.constant dense<0.000000e+00> : vector<1xf32>
    %reduce_sum3A_76 = vector.multi_reduction <add>, %reduce_sum3A, %reduce_sum3A_75 [1, 2] : vector<1x782x128xf32> to vector<1xf32>
    %reduce_sum3A_77 = vector.shape_cast %reduce_sum3A_76 : vector<1xf32> to vector<1x1x1xf32>
    %reduce_sum3A_78 = vector.extract %reduce_sum3A_77[0, 0, 0] : f32 from vector<1x1x1xf32>
    %reduce_sum3A_79 = vector.shape_cast %select_n3A_74 : vector<782x128xf32> to vector<1x782x128xf32>
    %reduce_sum3A_80 = arith.constant dense<0.000000e+00> : vector<1xf32>
    %reduce_sum3A_81 = vector.multi_reduction <add>, %reduce_sum3A_79, %reduce_sum3A_80 [1, 2] : vector<1x782x128xf32> to vector<1xf32>
    %reduce_sum3A_82 = vector.shape_cast %reduce_sum3A_81 : vector<1xf32> to vector<1x1x1xf32>
    %reduce_sum3A_83 = vector.extract %reduce_sum3A_82[0, 0, 0] : f32 from vector<1x1x1xf32>
    %get3A_84 = arith.constant 0 : index
    %get3A_85 = arith.constant 0 : index
    %get3A_86 = memref.load %arg2[%get3A_84, %get3A_85] : memref<2x2xf32, #tpu.memory_space<smem>>
    %mul3A_87 = arith.mulf %reduce_sum3A_78, %get3A_86 : f32
    %get3A_88 = arith.constant 1 : index
    %get3A_89 = arith.constant 0 : index
    %get3A_90 = memref.load %arg2[%get3A_88, %get3A_89] : memref<2x2xf32, #tpu.memory_space<smem>>
    %mul3A_91 = arith.mulf %reduce_sum3A_83, %get3A_90 : f32
    %add3A_92 = arith.addf %mul3A_87, %mul3A_91 : f32
    %get3A_93 = arith.constant 0 : index
    %get3A_94 = memref.load %arg3[%get3A_93] : memref<2xf32, #tpu.memory_space<smem>>
    %add3A_95 = arith.addf %add3A_92, %get3A_94 : f32
    %max3A = arith.constant 0.000000e+00 : f32
    %max3A_96 = arith.maximumf %add3A_95, %max3A : f32
    %get3A_97 = arith.constant 0 : index
    %get3A_98 = arith.constant 1 : index
    %get3A_99 = memref.load %arg2[%get3A_97, %get3A_98] : memref<2x2xf32, #tpu.memory_space<smem>>
    %mul3A_100 = arith.mulf %reduce_sum3A_78, %get3A_99 : f32
    %get3A_101 = arith.constant 1 : index
    %get3A_102 = arith.constant 1 : index
    %get3A_103 = memref.load %arg2[%get3A_101, %get3A_102] : memref<2x2xf32, #tpu.memory_space<smem>>
    %mul3A_104 = arith.mulf %reduce_sum3A_83, %get3A_103 : f32
    %add3A_105 = arith.addf %mul3A_100, %mul3A_104 : f32
    %get3A_106 = arith.constant 1 : index
    %get3A_107 = memref.load %arg3[%get3A_106] : memref<2xf32, #tpu.memory_space<smem>>
    %add3A_108 = arith.addf %add3A_105, %get3A_107 : f32
    %max3A_109 = arith.constant 0.000000e+00 : f32
    %max3A_110 = arith.maximumf %add3A_108, %max3A_109 : f32
    %get3A_111 = arith.constant 0 : index
    %get3A_112 = arith.constant 0 : index
    %get3A_113 = memref.load %arg4[%get3A_111, %get3A_112] : memref<2x2xf32, #tpu.memory_space<smem>>
    %mul3A_114 = arith.mulf %max3A_96, %get3A_113 : f32
    %get3A_115 = arith.constant 1 : index
    %get3A_116 = arith.constant 0 : index
    %get3A_117 = memref.load %arg4[%get3A_115, %get3A_116] : memref<2x2xf32, #tpu.memory_space<smem>>
    %mul3A_118 = arith.mulf %max3A_110, %get3A_117 : f32
    %add3A_119 = arith.addf %mul3A_114, %mul3A_118 : f32
    %get3A_120 = arith.constant 0 : index
    %get3A_121 = memref.load %arg5[%get3A_120] : memref<2xf32, #tpu.memory_space<smem>>
    %add3A_122 = arith.addf %add3A_119, %get3A_121 : f32
    %max3A_123 = arith.constant 0.000000e+00 : f32
    %max3A_124 = arith.maximumf %add3A_122, %max3A_123 : f32
    %get3A_125 = arith.constant 0 : index
    %get3A_126 = arith.constant 1 : index
    %get3A_127 = memref.load %arg4[%get3A_125, %get3A_126] : memref<2x2xf32, #tpu.memory_space<smem>>
    %mul3A_128 = arith.mulf %max3A_96, %get3A_127 : f32
    %get3A_129 = arith.constant 1 : index
    %get3A_130 = arith.constant 1 : index
    %get3A_131 = memref.load %arg4[%get3A_129, %get3A_130] : memref<2x2xf32, #tpu.memory_space<smem>>
    %mul3A_132 = arith.mulf %max3A_110, %get3A_131 : f32
    %add3A_133 = arith.addf %mul3A_128, %mul3A_132 : f32
    %get3A_134 = arith.constant 1 : index
    %get3A_135 = memref.load %arg5[%get3A_134] : memref<2xf32, #tpu.memory_space<smem>>
    %add3A_136 = arith.addf %add3A_133, %get3A_135 : f32
    %max3A_137 = arith.constant 0.000000e+00 : f32
    %max3A_138 = arith.maximumf %add3A_136, %max3A_137 : f32
    %get3A_139 = arith.constant 0 : index
    %get3A_140 = arith.constant 0 : index
    %get3A_141 = memref.load %arg6[%get3A_139, %get3A_140] : memref<2x2xf32, #tpu.memory_space<smem>>
    %mul3A_142 = arith.mulf %max3A_124, %get3A_141 : f32
    %get3A_143 = arith.constant 1 : index
    %get3A_144 = arith.constant 0 : index
    %get3A_145 = memref.load %arg6[%get3A_143, %get3A_144] : memref<2x2xf32, #tpu.memory_space<smem>>
    %mul3A_146 = arith.mulf %max3A_138, %get3A_145 : f32
    %add3A_147 = arith.addf %mul3A_142, %mul3A_146 : f32
    %get3A_148 = arith.constant 0 : index
    %get3A_149 = memref.load %arg7[%get3A_148] : memref<2xf32, #tpu.memory_space<smem>>
    %add3A_150 = arith.addf %add3A_147, %get3A_149 : f32
    %max3A_151 = arith.constant 0.000000e+00 : f32
    %max3A_152 = arith.maximumf %add3A_150, %max3A_151 : f32
    %get3A_153 = arith.constant 0 : index
    %get3A_154 = arith.constant 1 : index
    %get3A_155 = memref.load %arg6[%get3A_153, %get3A_154] : memref<2x2xf32, #tpu.memory_space<smem>>
    %mul3A_156 = arith.mulf %max3A_124, %get3A_155 : f32
    %get3A_157 = arith.constant 1 : index
    %get3A_158 = arith.constant 1 : index
    %get3A_159 = memref.load %arg6[%get3A_157, %get3A_158] : memref<2x2xf32, #tpu.memory_space<smem>>
    %mul3A_160 = arith.mulf %max3A_138, %get3A_159 : f32
    %add3A_161 = arith.addf %mul3A_156, %mul3A_160 : f32
    %get3A_162 = arith.constant 1 : index
    %get3A_163 = memref.load %arg7[%get3A_162] : memref<2xf32, #tpu.memory_space<smem>>
    %add3A_164 = arith.addf %add3A_161, %get3A_163 : f32
    %max3A_165 = arith.constant 0.000000e+00 : f32
    %max3A_166 = arith.maximumf %add3A_164, %max3A_165 : f32
    %get3A_167 = arith.constant 0 : index
    %get3A_168 = arith.constant 1 : index
    %get3A_169 = memref.load %arg8[%get3A_167, %get3A_168] : memref<2x2xf32, #tpu.memory_space<smem>>
    %mul3A_170 = arith.mulf %max3A_152, %get3A_169 : f32
    %get3A_171 = arith.constant 1 : index
    %get3A_172 = arith.constant 1 : index
    %get3A_173 = memref.load %arg8[%get3A_171, %get3A_172] : memref<2x2xf32, #tpu.memory_space<smem>>
    %mul3A_174 = arith.mulf %max3A_166, %get3A_173 : f32
    %add3A_175 = arith.addf %mul3A_170, %mul3A_174 : f32
    %get3A_176 = arith.constant 1 : index
    %get3A_177 = memref.load %arg9[%get3A_176] : memref<2xf32, #tpu.memory_space<smem>>
    %add3A_178 = arith.addf %add3A_175, %get3A_177 : f32
    %div3A_179 = arith.constant -0.180321768 : f32
    %div3A_180 = arith.divf %reduce_sum3A_83, %div3A_179 : f32
    %mul3A_181 = arith.constant 2.20549369 : f32
    %mul3A_182 = arith.mulf %reduce_sum3A_78, %mul3A_181 : f32
    %add3A_183 = arith.addf %div3A_180, %mul3A_182 : f32
    %mul3A_184 = arith.constant 0.956573128 : f32
    %mul3A_185 = arith.mulf %reduce_sum3A_83, %mul3A_184 : f32
    %mul3A_186 = arith.constant 0.82253158 : f32
    %mul3A_187 = arith.mulf %reduce_sum3A_78, %mul3A_186 : f32
    %add3A_188 = arith.addf %mul3A_185, %mul3A_187 : f32
    %abs3A = math.absf %add3A_188 : f32
    %add3A_189 = arith.addf %add3A_183, %abs3A : f32
    %mul3A_190 = arith.constant 4.62776981E-4 : f32
    %mul3A_191 = arith.mulf %add3A_189, %mul3A_190 : f32
    %add3A_192 = arith.constant -0.246342614 : f32
    %add3A_193 = arith.addf %mul3A_191, %add3A_192 : f32
    %iota3A_194 = tpu.iota {dimensions = array<i32: 0>} : vector<8x128xi32>
    %iota3A_195 = tpu.iota {dimensions = array<i32: 1>} : vector<8x128xi32>
    %eq3A = arith.constant 0 : i32
    %eq3A_196 = vector.broadcast %eq3A : i32 to vector<8x128xi32>
    %eq3A_197 = arith.cmpi eq, %iota3A_194, %eq3A_196 : vector<8x128xi32>
    %eq3A_198 = arith.constant 0 : i32
    %eq3A_199 = vector.broadcast %eq3A_198 : i32 to vector<8x128xi32>
    %eq3A_200 = arith.cmpi eq, %iota3A_195, %eq3A_199 : vector<8x128xi32>
    %and3A = arith.andi %eq3A_197, %eq3A_200 : vector<8x128xi1>
    %eq3A_201 = arith.constant 0 : i32
    %eq3A_202 = vector.broadcast %eq3A_201 : i32 to vector<8x128xi32>
    %eq3A_203 = arith.cmpi eq, %iota3A_194, %eq3A_202 : vector<8x128xi32>
    %eq3A_204 = arith.constant 1 : i32
    %eq3A_205 = vector.broadcast %eq3A_204 : i32 to vector<8x128xi32>
    %eq3A_206 = arith.cmpi eq, %iota3A_195, %eq3A_205 : vector<8x128xi32>
    %and3A_207 = arith.andi %eq3A_203, %eq3A_206 : vector<8x128xi1>
    %jit3A_208 = arith.constant 0.000000e+00 : f32
    %broadcast_in_dim3A_209 = vector.broadcast %add3A_178 : f32 to vector<8x128xf32>
    %broadcast_in_dim3A_210 = vector.broadcast %jit3A_208 : f32 to vector<8x128xf32>
    %select_n3A_211 = arith.select %and3A_207, %broadcast_in_dim3A_209, %broadcast_in_dim3A_210 : vector<8x128xi1>, vector<8x128xf32>
    %broadcast_in_dim3A_212 = vector.broadcast %add3A_193 : f32 to vector<8x128xf32>
    %select_n3A_213 = arith.select %and3A, %broadcast_in_dim3A_212, %select_n3A_211 : vector<8x128xi1>, vector<8x128xf32>
    %swap3A = arith.constant 0 : index
    %swap3A_214 = arith.constant 0 : index
    %swap3A_215 = vector.load %arg10[%swap3A, %swap3A_214] : memref<8x128xf32, #tpu.memory_space<vmem>>, vector<8x128xf32>
    tpu.vector_store %arg10[%swap3A, %swap3A_214], %select_n3A_213 {strides = array<i32>} : memref<8x128xf32, #tpu.memory_space<vmem>>, vector<8x128xf32>,
    return
  }
}

</mosaic_0001>

<sc_bundles>
// kernel: edge_scatter_sc.3.cloned.1.call-start
scs
__scs_entry_jumppad:
0x0: {  	(pc) =	sbr.rel $0x88, $3  }
0x1: {  	(tag) =	ssettag $0x0;
	lr =	simm.s32 $0x1  }
0x2: {  	[smem:$0x3F96] =	sst lr;
	_ =	strace $0xD0000000  }
0x3: {  	_ = 	snop  }
0x4: {  	_ = 	snop  }
0x5: {  	_ = 	snop  }
0x6: {  	_ = 	snop  }
0x7: {  	_ = 	snop  }
__scs_overlays_trampoline_lowered:
0x8: {  	[smem:$0x3FA5] =	sst s0  }
0x9: {  	[smem:$0x3FA6] =	sst s1  }
0xa: {  	[smem:$0x3FA7] =	sst s2  }
0xb: {  	[smem:$0x3FA8] =	sst s3  }
0xc: {  	[smem:$0x3FA9] =	sst s4  }
0xd: {  	[smem:$0x3FAA] =	sst s5  }
0xe: {  	[smem:$0x3FAB] =	sst s6  }
0xf: {  	[smem:$0x3FAC] =	sst s7  }
0x10: {  	[smem:$0x3FAD] =	sst s8  }
0x11: {  	[smem:$0x3FAE] =	sst s9;
	s0 =	simm.s32 @!p0 $0x0  }
0x12: {  	s1 =	sld [smem:$0x3F94];
	s0 =	simm.s32 @p0 $0x1  }
0x13: {  	[smem:$0x3FAF] =	sst s0;
	s0 =	simm.s32 @!p1 $0x0  }
0x14: {  	s2 =	sld [smem:$0x3F93];
	s0 =	simm.s32 @p1 $0x1  }
0x15: {  	[smem:$0x3FB0] =	sst s0;
	s0 =	simm.s32 @!p2 $0x0  }
0x16: {  	s3 =	sld [smem:$0x3FDB];
	s0 =	simm.s32 @p2 $0x1  }
0x17: {  	s4 =	simm.s32 $0x1BF5;
	[smem:$0x3FB2] =	sst s0  }
0x18: {  	s0 =	sld [smem:$0x3F95];
	_ =	swait.ge [sflag:s4], $0x0  }
0x19: {  	s7 =	sld [smem:$0x3F96]  }
0x1a: {  	s8 =	sadd.s32 $0xFFFFE003, lr  }
0x1b: {  	s9 =	sadd.s32 $0xFFFFFEF7, lr;
	s5 =	simm.s32 $0xFFFFFFFF;
	p2 =	slt.u32 s8, $0xFFFFF086  }
0x1c: {  	p1 =	slt.u32 s9, $0xF7A;
	s5 =	simm.s32 @!p2 $0x0  }
0x1d: {  	s5 =	simm.s32 @p1 $0x1;
	p0 =	seq.s32 s7, s2  }
0x1e: {  	s7 =	smul.u32 @!p0 $0xF7A, s2;
	p2 =	seq.s32 @!p0 s5, $0x0  }
0x1f: {  	s9 =	smul.u32 $0xF7A, s1;
	s8 =	simm.s32 @!p0 $0x1BF5;
	p2 =	por !p2, p0  }
0x20: {  	[sflag:s8] =	ssyncset.s32 @!p0 $0xFFFFF086;
	s6 =	sadd.s32 @!p0 s3, s7;
	s7 =	simm.s32 @!p0 $0x108  }
0x21: {  	s3 =	sadd.s32 s3, s9;
	s6 =	sadd.s32 @!p0 $0x88, s6;
	s7 =	simm.s32 @p2 $0x1082  }
0x22: {  	[simem:s7], [sflag:s8] =	dma.local @!p0 [hbm:s6], $0xF7A  }
0x23: {  	s9 =	sor.u32 $0xD0000000, s2;
	s6 =	simm.s32 $0x108;
	_ =	swait.ge @!p0 [sflag:s8], $0x0  }
0x24: {  	s3 =	sadd.s32 $0x88, s3;
	s6 =	simm.s32 @!p1 $0x1082;
	[sflag:s4] =	ssyncset.s32 $0xFFFFF086  }
0x25: {  	[simem:s6], [sflag:s4] =	dma.local [hbm:s3], $0xF7A  }
0x26: {  	[smem:$0x3F96] =	sst s1;
	(tag) =	ssettag s2;
	_ =	strace s9  }
0x27: {  	s1 =	sld [smem:$0x3FA6]  }
0x28: {  	s2 =	sld [smem:$0x3FA7]  }
0x29: {  	s4 =	sld [smem:$0x3FA9]  }
0x2a: {  	p0 =	seq.s32 s5, $0x0;
	s5 =	sld [smem:$0x3FAA]  }
0x2b: {  	s6 =	sld [smem:$0x3FAB]  }
0x2c: {  	s7 =	sld [smem:$0x3FAC]  }
0x2d: {  	s3 =	simm.s32 $0x108;
	s8 =	sld [smem:$0x3FAD]  }
0x2e: {  	s3 =	simm.s32 @!p0 $0x1082;
	s9 =	sld [smem:$0x3FAE]  }
0x2f: {  	lr =	sadd.s32 s0, s3;
	s0 =	sld [smem:$0x3FA5]  }
0x30: {  	s3 =	sld [smem:$0x3FA8]  }
0x31: {  	[smem:$0x3FB1] =	sst s10  }
0x32: {  	s10 =	sld [smem:$0x3FAF];
	_ =	sdelay $0x3  }
0x33: {  	p0 =	seq.s32 s10, $0x1;
	s10 =	sld [smem:$0x3FB1];
	_ =	sdelay $0x3  }
0x34: {  	[smem:$0x3FB1] =	sst s10  }
0x35: {  	s10 =	sld [smem:$0x3FB0];
	_ =	sdelay $0x3  }
0x36: {  	p1 =	seq.s32 s10, $0x1;
	s10 =	sld [smem:$0x3FB1];
	_ =	sdelay $0x3  }
0x37: {  	[smem:$0x3FB1] =	sst s10  }
0x38: {  	s10 =	sld [smem:$0x3FB2]  }
0x39: {  	_ = 	snop;
	(pc) =	sbr.ind lr, $3  }
0x3a: {  	_ = 	snop  }
0x3b: {  	_ = 	snop  }
0x3c: {  	p2 =	seq.s32 s10, $0x1;
	s10 =	sld [smem:$0x3FB1]  }
0x3d: {  	_ =	shalt  }
0x3e: {  	_ =	shalt  }
0x3f: {  	_ =	shalt  }
0x40: {  	_ =	shalt  }
0x41: {  	_ =	shalt  }
0x42: {  	_ =	shalt  }
0x43: {  	_ =	shalt  }
0x44: {  	_ =	shalt  }
0x45: {  	_ =	shalt  }
0x46: {  	_ =	shalt  }
0x47: {  	_ =	shalt  }
0x48: {  	_ =	shalt  }
0x49: {  	_ =	shalt  }
0x4a: {  	_ =	shalt  }
0x4b: {  	_ =	shalt  }
0x4c: {  	_ =	shalt  }
0x4d: {  	_ =	shalt  }
0x4e: {  	_ =	shalt  }
0x4f: {  	_ =	shalt  }
0x50: {  	_ =	shalt  }
0x51: {  	_ =	shalt  }
0x52: {  	_ =	shalt  }
0x53: {  	_ =	shalt  }
0x54: {  	_ =	shalt  }
0x55: {  	_ =	shalt  }
0x56: {  	_ =	shalt  }
0x57: {  	_ =	shalt  }
0x58: {  	_ =	shalt  }
0x59: {  	_ =	shalt  }
0x5a: {  	_ =	shalt  }
0x5b: {  	_ =	shalt  }
0x5c: {  	_ =	shalt  }
0x5d: {  	_ =	shalt  }
0x5e: {  	_ =	shalt  }
0x5f: {  	_ =	shalt  }
0x60: {  	_ =	shalt  }
0x61: {  	_ =	shalt  }
0x62: {  	_ =	shalt  }
0x63: {  	_ =	shalt  }
0x64: {  	_ =	shalt  }
0x65: {  	_ =	shalt  }
0x66: {  	_ =	shalt  }
0x67: {  	_ =	shalt  }
0x68: {  	_ =	shalt  }
0x69: {  	_ =	shalt  }
0x6a: {  	_ =	shalt  }
0x6b: {  	_ =	shalt  }
0x6c: {  	_ =	shalt  }
0x6d: {  	_ =	shalt  }
0x6e: {  	_ =	shalt  }
0x6f: {  	_ =	shalt  }
0x70: {  	_ =	shalt  }
0x71: {  	_ =	shalt  }
0x72: {  	_ =	shalt  }
0x73: {  	_ =	shalt  }
0x74: {  	_ =	shalt  }
0x75: {  	_ =	shalt  }
0x76: {  	_ =	shalt  }
0x77: {  	_ =	shalt  }
0x78: {  	_ =	shalt  }
0x79: {  	_ =	shalt  }
0x7a: {  	_ =	shalt  }
0x7b: {  	_ =	shalt  }
0x7c: {  	_ =	shalt  }
0x7d: {  	_ =	shalt  }
0x7e: {  	_ =	shalt  }
0x7f: {  	_ =	shalt  }
0x80: {  	_ =	shalt  }
0x81: {  	_ =	shalt  }
0x82: {  	_ =	shalt  }
0x83: {  	_ =	shalt  }
0x84: {  	_ =	shalt  }
0x85: {  	_ =	shalt  }
0x86: {  	_ =	shalt  }
0x87: {  	_ =	shalt  }
.Lfunc_end0:
.L_simem_size_0:
called_computation_lowered:
.L_overlay_start_0:
0x88: {  	s2 =	sld [smem:$0x3FD9]  }
0x89: {  	s3 =	sld [smem:$0x3FFE];
	_ =	sdelay $0x1  }
0x8a: {  	s1 =	srdreg.scid  }
0x8b: {  	s0 =	sand.u32 $0x1, s1  }
0x8c: {  	s17 =	sshll.u32 s0, $0xA;
	s2 =	sadd.s32 s3, s2  }
0x8d: {  	s2 =	sadd.s32 s2, s17  }
0x8e: {  	[smem:$0x3FBD] =	sst s2  }
0x8f: {  	_ = 	snop  }
0x90: {  	s2 =	sld [smem:$0x3FBF];
	(tm) =	ssettm $0x1  }
0x91: {  	s18 =	sld [smem:$0x3FFB];
	_ =	sdelay $0x3  }
0x92: {  	_ =	strace s18  }
0x93: {  	s3 =	sld [smem:$0x3FFC];
	_ =	sdelay $0x3  }
0x94: {  	_ =	strace s3  }
0x95: {  	s3 =	sld [smem:$0x3FFD];
	_ =	sdelay $0x3  }
0x96: {  	_ =	strace s3  }
0x97: {  	_ =	strace $0x8FFFFFFF  }
0x98: {  	s19 =	sld [smem:$0x3FDB];
	_ =	sdelay $0x1  }
0x99: {  	s4 =	simm.s32 $_scs_section_size  }
0x9a: {  	s5 =	simm.s32 $_size__tile_overlayer_lowered;
	s6 =	simm.s32 $_tile_overlayer_lowered  }
0x9b: {  	s22 =	simm.s32 $0x1BFF;
	s21 =	sshll.u32 s6, $0x1;
	s3 =	sadd.s32 s4, s19  }
0x9c: {  	s7 =	simm.s32 $0x0;
	s20 =	sshll.u32 s5, $0x1;
	s5 =	sadd.s32 s21, s3  }
0x9d: {  	[timem:s7], [sflag:s22] =	dma.local [hbm:s5], s20  }
0x9e: {  	_ =	swait.ge [sflag:s22], s20  }
0x9f: {  	s4 =	ssub.s32 $0x0, s20;
	[sflag:s22] =	ssyncset.done $0x0  }
0xa0: {  	[sflag:s22] =	ssyncadd.s32 s4;
	_ =	sdelay $0x1  }
0xa1: {  	s23 =	simm.s32 $0x1B8B  }
0xa2: {  	_ =	swait.ge [sflag:s23], $0x1  }
0xa3: {  	[sflag:s23] =	ssyncset.done $0x0  }
0xa4: {  	s25 =	simm.s32 $0x1B8E;
	s24 =	sld [smem:$0x3FFE];
	[sflag:s23] =	ssyncadd.s32 $0xFFFFFFFF  }
0xa5: {  	s26 =	simm.s32 $execute0_lowered;
	[smem:$0x3FD2] =	sst s25  }
0xa6: {  	s5 =	sshll.u32 s26, $0x1;
	_ =	strace $0x80000046;
	[dreg:$0x1] =	wrdreg $0xFFFFFFFF  }
0xa7: {  	s28 =	simm.s32 $_size_execute0_lowered;
	s3 =	sadd.s32 s3, s5;
	[dreg:$0x0] =	wrdreg $0x0  }
0xa8: {  	s5 =	sshll.u32 s28, $0x1;
	[dreg:$0x2] =	wrdreg s3  }
0xa9: {  	[dreg:$0x3] =	wrdreg s5  }
0xaa: {  	[dreg:$0x4] =	wrdreg $0xC0  }
0xab: {  	_ =	task [dreg:s7], $0x5FFFF  }
0xac: {  	[dreg:$0x1] =	wrdreg $0xFFFFFFFF  }
0xad: {  	[dreg:$0x0] =	wrdreg $0x60  }
0xae: {  	[dreg:$0x2] =	wrdreg s24  }
0xaf: {  	[dreg:$0x3] =	wrdreg s2  }
0xb0: {  	[dreg:$0x4] =	wrdreg $0x1CF000  }
0xb1: {  	[dreg:$0x5] =	wrdreg $0x1E7700  }
0xb2: {  	[dreg:$0x6] =	wrdreg $0x9  }
0xb3: {  	_ =	task.clear_ibuf [dreg:s7], $0x7FFFF;
	_ =	strace $0x90000046  }
0xb4: {  	s29 =	simm.s32 $0x9;
	_ =	strace $0x80000048  }
0xb5: {  	_ =	swait.ge [sflag:s29], $0x1  }
0xb6: {  	[sflag:s29] =	ssyncadd.s32 $0xFFFFFFFF  }
0xb7: {  	_ =	strace $0x90000048  }
0xb8: {  	_ =	sfence  }
0xb9: {  	s30 =	sld [smem:$0x0];
	_ =	sdelay $0x2  }
0xba: {  	s31 =	sshll.u32 s1, $0xD;
	s1 =	sshrl.u32 s1, $0x2  }
0xbb: {  	s3 =	sand.u32 $0x4000, s31;
	s1 =	sadd.s32 s1, s30  }
0xbc: {  	s0 =	sor.u32 s3, s0;
	s1 =	sshll.u32 s1, $0x11  }
0xbd: {  	s0 =	sor.u32 s1, s0  }
0xbe: {  	s0 =	sadd.s32 $0x8F2B, s0  }
0xbf: {  	[sflag:s0] =	ssyncadd.remote.s32 $0x1  }
0xc0: {  	_ =	sfence.sel $0xFFFF  }
0xc1: {  	[dreg:$0x0] =	wrdreg $0xFFFFFFFF;
	(pc) =	sbr.abs _section_cstart, $3  }
0xc2: {  	[dreg:$0x1] =	wrdreg $0xFFFFFFFF  }
0xc3: {  	_ =	task.clear_ibuf [dreg:s7], $0x2FFFF;
	_ =	strace $0x9FFFFFFF  }
0xc4: {  	(tm) =	ssettm $0x7FFFFFFF  }
0xc5: {  	_ =	shalt  }
tec
execute0_lowered:
.L_overlay_start_1:
0x0: {  	(tag) =	ssettag $0x1  }
0x1: {  	s0 =	rddreg [dreg:$0x0]  }
0x2: {  	s1 =	rddreg [dreg:$0x1]  }
0x3: {  	s2 =	rddreg [dreg:$0x2]  }
0x4: {  	s16 =	rddreg [dreg:$0x3];
	s5 =	simm.s32 $0x0;
	s3 =	srdreg.scid  }
0x5: {  	s10 =	stileid.u32;
	[smem:$0x7FF] =	sst s5;
	s3 =	sand.u32 $0x1, s3  }
0x6: {  	s6 =	smul.u32 $0x1870, s10;
	s7 =	sadd.s32 $0x63000, s0;
	_ =	strace $0x80000047  }
0x7: {  	s8 =	smul.u32 $0x30E00, s3;
	[dreg:$0x5] =	wrdreg s7;
	s9 =	sshll.u32 s3, $0x4  }
0x8: {  	s7 =	sadd.s32 $0x1400, s0;
	s3 =	ssub.s32 $0x2, s3;
	s9 =	sor.u32 s10, s9  }
0x9: {  	s12 =	sshrl.u32 s3, $0x1;
	s26 =	sadd.s32 s6, s2;
	s30 =	sadd.s32 $0x600, s6  }
0xa: {  	s15 =	sadd.s32 s6, s16;
	s4 =	sadd.s32 $0x1200, s6;
	s8 =	sadd.s32 s6, s8  }
0xb: {  	s11 =	smul.u32 $0x30D, s9;
	s3 =	ssub.s32 s3, s12;
	[dreg:$0xa] =	wrdreg s26  }
0xc: {  	s13 =	smin.u32 s9, $0x8;
	s17 =	sadd.s32 s30, s2;
	[dreg:$0xb] =	wrdreg s15  }
0xd: {  	s18 =	sadd.s32 s30, s16;
	s8 =	sshrl.u32 s8, $0x3;
	[dreg:$0xc] =	wrdreg s17  }
0xe: {  	s30 =	smax.u32 s3, $0x1;
	[dreg:$0xd] =	wrdreg s18;
	s14 =	sadd.s32 s13, s11  }
0xf: {  	s0 =	sadd.s32 s8, s0;
	[dreg:$0x1e] =	wrdreg s30;
	s8 =	sadd.s32 $0xC, s14  }
0x10: {  	p0 =	slt.u32 s9, $0x8;
	s10 =	sadd.s32 $0x662C0, s0;
	[dreg:$0x1f] =	wrdreg s8  }
0x11: {  	s11 =	sshll.u32 s14, $0x5;
	s13 =	sadd.s32 $0x66500, s0;
	[dreg:$0x15] =	wrdreg s10  }
0x12: {  	s24 =	sshll.u32 s14, $0x4;
	s21 =	sadd.s32 s1, s11;
	[dreg:$0x18] =	wrdreg s13  }
0x13: {  	s23 =	sshll.u32 s8, $0x5;
	s11 =	sadd.s32 s7, s24;
	[dreg:$0x6] =	wrdreg s21  }
0x14: {  	s12 =	sshll.u32 s8, $0x4;
	s8 =	sadd.s32 $0x24, s14;
	[dreg:$0x7] =	wrdreg s11  }
0x15: {  	s9 =	simm.s32 $0x302;
	s24 =	sadd.s32 $0x69460, s0;
	[smem:$0x7FD] =	sst s8  }
0x16: {  	s9 =	simm.s32 @!p0 $0x301;
	s11 =	sadd.s32 $0x66380, s0;
	[dreg:$0x1b] =	wrdreg s24  }
0x17: {  	s25 =	sand.u32 $0x1FFFFFF0, s12;
	s12 =	sadd.s32 $0x66440, s0;
	[dreg:$0x16] =	wrdreg s11  }
0x18: {  	s22 =	sadd.s32 s14, s9;
	s21 =	sadd.s32 s4, s2;
	[dreg:$0x17] =	wrdreg s12  }
0x19: {  	s9 =	sand.u32 $0x1FFFFFE0, s23;
	s23 =	sadd.s32 s4, s16;
	[dreg:$0x10] =	wrdreg s21  }
0x1a: {  	s26 =	sadd.s32 $0x30C, s14;
	s9 =	sadd.s32 s1, s9;
	[dreg:$0x11] =	wrdreg s23  }
0x1b: {  	s1 =	sadd.s32 $0xC00, s6;
	s6 =	sadd.s32 $0x1800, s6;
	[dreg:$0x8] =	wrdreg s9  }
0x1c: {  	s9 =	sadd.s32 s7, s25;
	s19 =	sadd.s32 s1, s2;
	s28 =	sadd.s32 s6, s2  }
0x1d: {  	v0 =	vimm.f32 $9.484139080e-01;
	s29 =	sadd.s32 s6, s16;
	s6 =	sadd.s32 $0x18, s14;
	[dreg:$0x9] =	wrdreg s9  }
0x1e: {  	(erf) = vrcp.f32 v0;
	s20 =	sadd.s32 s1, s16;
	s14 =	sadd.s32 $0x692E0, s0;
	[smem:$0x7FC] =	sst s6  }
0x1f: {  	s2 =	smov.u32 s16;
	s16 =	sadd.s32 $0x693A0, s0;
	[dreg:$0x19] =	wrdreg s14  }
0x20: {  	s31 =	simm.s32 $0x3;
	s25 =	sadd.s32 $0x69520, s0;
	[dreg:$0x1a] =	wrdreg s16  }
0x21: {  	s3 =	simm.s32 $0x600;
	s13 =	simm.s32 $0x1BD00;
	[dreg:$0x1c] =	wrdreg s25  }
0x22: {  	s10 =	simm.s32 $0x0;
	s8 =	simm.s32 $0x19F00;
	[dreg:$0xe] =	wrdreg s19  }
0x23: {  	s24 =	simm.s32 $0x1A500;
	s4 =	simm.s32 $0x1C900;
	[dreg:$0xf] =	wrdreg s20  }
0x24: {  	s12 =	simm.s32 $0x2;
	s1 =	simm.s32 $0x1B700;
	[dreg:$0x12] =	wrdreg s28  }
0x25: {  	s9 =	sadd.s32 $0x66200, s0;
	s0 =	sadd.s32 $0x695E0, s0;
	[dreg:$0x13] =	wrdreg s29  }
0x26: {  	s6 =	simm.s32 $0x19900;
	s25 =	simm.s32 $0x1C300;
	[dreg:$0x14] =	wrdreg s9  }
0x27: {  	v1 =	vimm.f32 $0.0e+00;
	v0 =	vpop (erf);
	s16 =	simm.s32 $0x4;
	[dreg:$0x1d] =	wrdreg s0;
	s0 =	simm.s32 $0x1  }
.LBB2_1:
0x28: {  	[smem:$0x7FB] =	sst s10;
	s9 =	simm.s32 $0x40;
	s10 =	simm.s32 $0x0  }
.LBB2_2:
0x29: {  	p0 =	sne.s32 s9, $0x17C0;
	[tilespmem:s10+$0x19F00] =	vst v1;
	s10 =	smov.u32 s9;
	s9 =	sadd.s32 $0x40, s9  }
.Ltmp0:
0x2a: {  	(pc) =	sbr.rel @p0 .LBB2_2-.Ltmp0, $2  }
0x2b: {  	_ =	sdelay $0x2  }
0x2c: {  	s10 =	sshra.s32 s10, $0x2  }
0x2d: {  	[tilespmem:s10+$0x19F00] =	vst v1;
	s9 =	simm.s32 $0x0;
	s11 =	rddreg [dreg:$0x5]  }
0x2e: {  	[tilespmem:s9], [sflag:$0x1] =	stream.linear.gather [hbm4b:s11+s9], $0x18700, $0x38;
	v63 =	vld [tilespmem:$0x0]  }
0x2f: {  	s14 =	rddreg [dreg:$0x6];
	s11 =	simm.s32 $0x18700  }
0x30: {  	[tilespmem:s11], [sflag:$0x1] =	stream.linear.gather [hbm4b:s14+s9], $0xC00, $0x38;
	v63 =	vld [tilespmem:$0x0]  }
0x31: {  	s10 =	simm.s32 $0x19300;
	s30 =	rddreg [dreg:$0x7]  }
0x32: {  	[tilespmem:s10], [sflag:$0x1] =	stream.linear.gather [hbm4b:s30+s9], $0x600, $0x38;
	v63 =	vld [tilespmem:$0x0]  }
0x33: {  	s14 =	rddreg [dreg:$0x8];
	s30 =	simm.s32 $0x1AB00  }
0x34: {  	[tilespmem:s30], [sflag:$0x2] =	stream.linear.gather [hbm4b:s14+s9], $0xC00, $0x38;
	v63 =	vld [tilespmem:$0x0]  }
0x35: {  	s30 =	rddreg [dreg:$0x9]  }
0x36: {  	[tilespmem:s1], [sflag:$0x2] =	stream.linear.gather [hbm4b:s30+s9], $0x600, $0x38;
	v63 =	vld [tilespmem:$0x0]  }
0x37: {  	s14 =	rddreg [dreg:$0xa];
	s9 =	simm.s32 $0x19F00  }
0x38: {  	[spmem:s14] =	stream.linear.scatter [tilespmem:s9], [sflag:$0x3], $0x600, $0x38;
	v63 =	vld [tilespmem:$0x0]  }
0x39: {  	_ = 	snop  }
0x3a: {  	[spmem:s15] =	stream.linear.scatter [tilespmem:s9], [sflag:$0x3], $0x600, $0x38;
	v63 =	vld [tilespmem:$0x0]  }
0x3b: {  	_ = 	snop  }
0x3c: {  	[spmem:s17] =	stream.linear.scatter [tilespmem:s9], [sflag:$0x3], $0x600, $0x38;
	v63 =	vld [tilespmem:$0x0]  }
0x3d: {  	_ = 	snop  }
0x3e: {  	[spmem:s18] =	stream.linear.scatter [tilespmem:s9], [sflag:$0x3], $0x600, $0x38;
	v63 =	vld [tilespmem:$0x0]  }
0x3f: {  	_ = 	snop  }
0x40: {  	[spmem:s19] =	stream.linear.scatter [tilespmem:s9], [sflag:$0x3], $0x600, $0x38;
	v63 =	vld [tilespmem:$0x0]  }
0x41: {  	_ = 	snop  }
0x42: {  	[spmem:s20] =	stream.linear.scatter [tilespmem:s9], [sflag:$0x3], $0x600, $0x38;
	v63 =	vld [tilespmem:$0x0]  }
0x43: {  	_ = 	snop  }
0x44: {  	[spmem:s21] =	stream.linear.scatter [tilespmem:s9], [sflag:$0x3], $0x600, $0x38;
	v63 =	vld [tilespmem:$0x0]  }
0x45: {  	_ = 	snop  }
0x46: {  	[spmem:s23] =	stream.linear.scatter [tilespmem:s9], [sflag:$0x3], $0x600, $0x38;
	v63 =	vld [tilespmem:$0x0]  }
0x47: {  	_ = 	snop  }
0x48: {  	[spmem:s28] =	stream.linear.scatter [tilespmem:s9], [sflag:$0x3], $0x70, $0x38;
	v63 =	vld [tilespmem:$0x0]  }
0x49: {  	_ = 	snop  }
0x4a: {  	[spmem:s29] =	stream.linear.scatter [tilespmem:s9], [sflag:$0x3], $0x70, $0x38;
	v63 =	vld [tilespmem:$0x0]  }
0x4b: {  	_ =	swait.ge [sflag:s31], $0x600  }
0x4c: {  	[sflag:s31] =	ssyncset.done $0x0  }
0x4d: {  	[sflag:s31] =	ssyncadd.s32 $0xFFFFFA00  }
0x4e: {  	_ =	swait.ge [sflag:s31], $0x600  }
0x4f: {  	[sflag:s31] =	ssyncset.done $0x0  }
0x50: {  	[sflag:s31] =	ssyncadd.s32 $0xFFFFFA00  }
0x51: {  	_ =	swait.ge [sflag:s31], $0x600  }
0x52: {  	[sflag:s31] =	ssyncset.done $0x0  }
0x53: {  	[sflag:s31] =	ssyncadd.s32 $0xFFFFFA00  }
0x54: {  	_ =	swait.ge [sflag:s31], $0x600  }
0x55: {  	[sflag:s31] =	ssyncset.done $0x0  }
0x56: {  	[sflag:s31] =	ssyncadd.s32 $0xFFFFFA00  }
0x57: {  	_ =	swait.ge [sflag:s31], $0x600  }
0x58: {  	[sflag:s31] =	ssyncset.done $0x0  }
0x59: {  	[sflag:s31] =	ssyncadd.s32 $0xFFFFFA00  }
0x5a: {  	_ =	swait.ge [sflag:s31], $0x600  }
0x5b: {  	[sflag:s31] =	ssyncset.done $0x0  }
0x5c: {  	[sflag:s31] =	ssyncadd.s32 $0xFFFFFA00  }
0x5d: {  	_ =	swait.ge [sflag:s31], $0x600  }
0x5e: {  	[sflag:s31] =	ssyncset.done $0x0  }
0x5f: {  	[sflag:s31] =	ssyncadd.s32 $0xFFFFFA00  }
0x60: {  	_ =	swait.ge [sflag:s31], $0x600  }
0x61: {  	[sflag:s31] =	ssyncset.done $0x0  }
0x62: {  	[sflag:s31] =	ssyncadd.s32 $0xFFFFFA00  }
0x63: {  	_ =	swait.ge [sflag:s31], $0x70  }
0x64: {  	[sflag:s31] =	ssyncset.done $0x0  }
0x65: {  	[sflag:s31] =	ssyncadd.s32 $0xFFFFFF90  }
0x66: {  	_ =	swait.ge [sflag:s31], $0x70  }
0x67: {  	[sflag:s31] =	ssyncset.done $0x0  }
0x68: {  	[sflag:s31] =	ssyncadd.s32 $0xFFFFFF90  }
0x69: {  	[bflag:$0x0] =	sbarrier.arrive $0xFFFF  }
0x6a: {  	_ =	swait.ge [sflag:s0], $0x18700  }
0x6b: {  	[sflag:s0] =	ssyncset.done $0x0  }
0x6c: {  	[sflag:s0] =	ssyncadd.s32 $0xFFFE7900  }
0x6d: {  	_ =	swait.ge [sflag:s0], $0xC00  }
0x6e: {  	[sflag:s0] =	ssyncset.done $0x0  }
0x6f: {  	[sflag:s0] =	ssyncadd.s32 $0xFFFFF400  }
0x70: {  	s17 =	simm.s32 $0x0;
	s18 =	simm.s32 $0x0;
	_ =	swait.ge [sflag:s0], $0x600  }
0x71: {  	s15 =	sand.u32 $0x70, s17;
	s17 =	sand.u32 $0x1FFFFF00, s18;
	[sflag:s0] =	ssyncset.done $0x0  }
0x72: {  	s15 =	sor.u32 s15, s17;
	[sflag:s0] =	ssyncadd.s32 $0xFFFFFA00  }
0x73: {  	v6 =	vld [tilespmem:s15+$0x18780];
	_ =	sdelay $0x1  }
0x74: {  	v2 =	vld [tilespmem:s15+$0x18700]  }
0x75: {  	s19 =	simm.s32 $0x10;
	s20 =	simm.s32 $0x20  }
0x76: {  	s17 =	sand.u32 $0x1FFFFF00, s20;
	s15 =	sand.u32 $0x70, s19  }
0x77: {  	s15 =	sor.u32 s15, s17  }
0x78: {  	v3 =	vld [tilespmem:s15+$0x18780]  }
0x79: {  	v5 =	vld [tilespmem:s15+$0x18700]  }
0x7a: {  	v4 =	vld.idx.msk [tilespmem:v6+s5+$0x0], $0xffff;
	_ =	sdelay $0x1  }
0x7b: {  	v7 =	vld.idx.msk [tilespmem:v2+s5+$0x0], $0xffff  }
0x7c: {  	v8 =	vld [tilespmem:s10+$0x0];
	_ =	sdelay $0x1  }
0x7d: {  	s21 =	simm.s32 $0x20;
	s23 =	simm.s32 $0x40;
	v2 =	vmul.f32 $-1.058436160e+00, v4  }
0x7e: {  	s10 =	sand.u32 $0x70, s21;
	s15 =	sand.u32 $0x1FFFFF00, s23;
	v10 =	vld.idx.msk [tilespmem:v3+s5+$0x0], $0xffff  }
0x7f: {  	s10 =	sor.u32 s10, s15;
	v14 =	vld.idx.msk [tilespmem:v5+s5+$0x0], $0xffff;
	v11 =	vmul.f32 v7, v0;
	v12 =	vadd.f32 $-2.123214010e-01, v4;
	v9 =	vadd.f32 v2, v7  }
0x80: {  	v8 =	vadd.f32 $-1.734846120e+00, v8;
	v13 =	vmul.f32 $-1.023958210e+00, v4;
	v2 =	vld [tilespmem:s10+$0x18780]  }
0x81: {  	v5 =	vsub.f32 v11, v12;
	v11 =	vld [tilespmem:s10+$0x18700];
	v9 =	vmul.f32 $1.534421090e+00, v9  }
0x82: {  	s28 =	simm.s32 $0x19310;
	v4 =	vadd.f32 v8, v4;
	v7 =	vadd.f32 v13, v7  }
0x83: {  	s18 =	simm.s32 $0x30;
	v12 =	vmul.f32 $-1.058436160e+00, v10;
	v5 =	vmul.f32 $-1.324843170e+00, v5;
	v8 =	vadd.f32 $4.536810820e-01, v9;
	v9 =	vld [tilespmem:s28+$0x0]  }
0x84: {  	s30 =	sand.u32 $0x70, s18;
	s29 =	simm.s32 $0x60;
	v4 =	vmul.f32 $-1.208471880e-01, v4;
	v7 =	vmul.f32 $1.931712030e+00, v7  }
0x85: {  	v13 =	vadd.f32 $-2.123214010e-01, v10;
	s10 =	sand.u32 $0x1FFFFF00, s29;
	v5 =	vand.u32 $0x7FFFFFFF, v5;
	v8 =	vand.u32 $0x7FFFFFFF, v8  }
0x86: {  	s10 =	sor.u32 s30, s10;
	v7 =	vadd.f32 v8, v7;
	v8 =	vadd.f32 v12, v14;
	v12 =	vmul.f32 v14, v0  }
0x87: {  	v15 =	vmul.f32 $-1.023958210e+00, v10;
	v16 =	vadd.f32 v4, v5;
	v4 =	vld [tilespmem:s10+$0x18780]  }
0x88: {  	s15 =	simm.s32 $0x19900;
	v5 =	vld.idx.msk [tilespmem:v2+s5+$0x0], $0xffff;
	v9 =	vadd.f32 $-1.734846120e+00, v9;
	v8 =	vmul.f32 $1.534421090e+00, v8;
	v12 =	vsub.f32 v12, v13  }
0x89: {  	[tilespmem:s15+$0x0] =	vst v6;
	v6 =	vld.idx.msk [tilespmem:v11+s5+$0x0], $0xffff;
	v13 =	vadd.f32 v15, v14;
	v14 =	vadd.f32 $5.468919870e-01, v7  }
0x8a: {  	v7 =	vld [tilespmem:s10+$0x18700];
	v9 =	vadd.f32 v9, v10;
	v8 =	vadd.f32 $4.536810820e-01, v8  }
0x8b: {  	s10 =	simm.s32 $0x19320;
	v12 =	vmul.f32 $-1.324843170e+00, v12;
	v13 =	vmul.f32 $1.931712030e+00, v13  }
0x8c: {  	s17 =	simm.s32 $0x1A500;
	[tilespmem:s9+$0x0] =	vst v16;
	v10 =	vmul.f32 $-1.208471880e-01, v9;
	v9 =	vand.u32 $0x7FFFFFFF, v8;
	v8 =	vld [tilespmem:s10+$0x0]  }
0x8d: {  	s19 =	simm.s32 $0x200;
	[tilespmem:s17+$0x0] =	vst v14;
	v11 =	vmul.f32 $-1.058436160e+00, v5;
	v12 =	vand.u32 $0x7FFFFFFF, v12;
	v9 =	vadd.f32 v9, v13  }
.LBB2_4:
0x8e: {  	s18 =	sadd.s32 $0x10, s18;
	s20 =	sshrl.u32 s19, $0x2;
	v10 =	vadd.f32 v10, v12;
	s15 =	sadd.s32 $0x10, s15  }
0x8f: {  	s9 =	sadd.s32 $0x10, s9;
	s21 =	sand.u32 $0x70, s18;
	s20 =	sand.u32 $0x1FFFFF00, s20;
	v11 =	vadd.f32 v11, v6;
	v9 =	vadd.f32 $5.468919870e-01, v9;
	[tilespmem:s15+$0x0] =	vst v3;
	v3 =	vmovc v2;
	v2 =	vmov v4  }
0x90: {  	v12 =	vmul.f32 v6, v0;
	v14 =	vadd.f32 $-2.123214010e-01, v5;
	v15 =	vmul.f32 $-1.023958210e+00, v5;
	s17 =	sadd.s32 $0x10, s17;
	p0 =	slt.u32 s18, $0x5F0;
	s20 =	sor.u32 s21, s20;
	v13 =	vld.idx.msk [tilespmem:v4+s5+$0x0], $0xffff;
	[tilespmem:s9+$0x0] =	vst v10  }
0x91: {  	v4 =	vld [tilespmem:s20+$0x18780];
	v8 =	vadd.f32 $-1.734846120e+00, v8;
	v10 =	vmul.f32 $1.534421090e+00, v11;
	[tilespmem:s17+$0x0] =	vst v9  }
.Ltmp1:
0x92: {  	v9 =	vsub.f32 v12, v14;
	v11 =	vadd.f32 v15, v6;
	v6 =	vld.idx.msk [tilespmem:v7+s5+$0x0], $0xffff;
	(pc) =	sbr.rel @p0 .LBB2_4-.Ltmp1, $4  }
0x93: {  	v7 =	vld [tilespmem:s20+$0x18700];
	v16 =	vadd.f32 v8, v5;
	v12 =	vadd.f32 $4.536810820e-01, v10  }
0x94: {  	s10 =	sadd.s32 $0x10, s10;
	v9 =	vmul.f32 $-1.324843170e+00, v9;
	v14 =	vmul.f32 $1.931712030e+00, v11  }
0x95: {  	v8 =	vld [tilespmem:s10+$0x0];
	v10 =	vmul.f32 $-1.208471880e-01, v16;
	v15 =	vand.u32 $0x7FFFFFFF, v12  }
0x96: {  	s19 =	sadd.s32 $0x80, s19;
	v11 =	vmul.f32 $-1.058436160e+00, v13;
	v12 =	vand.u32 $0x7FFFFFFF, v9;
	v5 =	vmovc v13;
	v9 =	vadd.f32 v15, v14  }
0x97: {  	_ =	sdelay $0x3  }
0x98: {  	v13 =	vld.idx.msk [tilespmem:v4+s5+$0x0], $0xffff  }
0x99: {  	v49 =	vmul.f32 $-1.023958210e+00, v5  }
0x9a: {  	v14 =	vmul.f32 v6, v0;
	v15 =	vadd.f32 $-2.123214010e-01, v5;
	s10 =	sadd.s32 $0x10, s10;
	v11 =	vadd.f32 v11, v6;
	v7 =	vld.idx.msk [tilespmem:v7+s5+$0x0], $0xffff  }
0x9b: {  	v10 =	vadd.f32 v10, v12;
	v51 =	vld [tilespmem:s10+$0x0]  }
0x9c: {  	s23 =	sadd.s32 $0x10, s15;
	v50 =	vadd.f32 v49, v6;
	v14 =	vsub.f32 v14, v15;
	v11 =	vmul.f32 $1.534421090e+00, v11  }
0x9d: {  	[tilespmem:s23+$0x0] =	vst v3;
	v3 =	vadd.f32 $5.468919870e-01, v9;
	v8 =	vadd.f32 $-1.734846120e+00, v8;
	v52 =	vmul.f32 $-1.058436160e+00, v13  }
0x9e: {  	v6 =	vmul.f32 $1.931712030e+00, v50;
	v14 =	vmul.f32 $-1.324843170e+00, v14;
	v11 =	vadd.f32 $4.536810820e-01, v11  }
0x9f: {  	v17 =	vadd.f32 $-2.123214010e-01, v13;
	v57 =	vmul.f32 $-1.023958210e+00, v13;
	v55 =	vadd.f32 v52, v7  }
0xa0: {  	v53 =	vadd.f32 v8, v5;
	v16 =	vmul.f32 v7, v0;
	v12 =	vadd.f32 $-1.734846120e+00, v51  }
0xa1: {  	v54 =	vand.u32 $0x7FFFFFFF, v11;
	v7 =	vadd.f32 v57, v7;
	v11 =	vmul.f32 $1.534421090e+00, v55  }
0xa2: {  	s9 =	sadd.s32 $0x10, s9;
	v5 =	vmul.f32 $-1.208471880e-01, v53;
	v6 =	vadd.f32 v54, v6;
	v56 =	vsub.f32 v16, v17  }
0xa3: {  	s28 =	sadd.s32 $0x10, s17;
	[tilespmem:s9+$0x0] =	vst v10;
	v58 =	vand.u32 $0x7FFFFFFF, v14;
	v59 =	vadd.f32 v12, v13;
	v11 =	vadd.f32 $4.536810820e-01, v11  }
0xa4: {  	s10 =	sadd.s32 $0x10, s23;
	[tilespmem:s28+$0x0] =	vst v3;
	v3 =	vadd.f32 v5, v58;
	v7 =	vmul.f32 $1.931712030e+00, v7;
	v60 =	vmul.f32 $-1.324843170e+00, v56  }
0xa5: {  	[tilespmem:s10+$0x0] =	vst v2;
	s9 =	sadd.s32 $0x10, s9;
	v2 =	vmul.f32 $-1.208471880e-01, v59;
	v61 =	vand.u32 $0x7FFFFFFF, v11  }
0xa6: {  	s10 =	sadd.s32 $0x10, s10;
	v6 =	vadd.f32 $5.468919870e-01, v6;
	[tilespmem:s9+$0x0] =	vst v3;
	v3 =	vand.u32 $0x7FFFFFFF, v60;
	v62 =	vadd.f32 v61, v7  }
0xa7: {  	s15 =	sadd.s32 $0x10, s28;
	[tilespmem:s10+$0x0] =	vst v4;
	v2 =	vadd.f32 v2, v3  }
0xa8: {  	s9 =	sadd.s32 $0x10, s9;
	[tilespmem:s15+$0x0] =	vst v6;
	v3 =	vadd.f32 $5.468919870e-01, v62  }
0xa9: {  	s29 =	sadd.s32 $0x10, s15;
	[tilespmem:s9+$0x0] =	vst v2  }
0xaa: {  	s30 =	rddreg [dreg:$0x2];
	[tilespmem:s29+$0x0] =	vst v3  }
0xab: {  	[spmem:s30] =	stream.indirect.scatter.add.f32 [tilespmem:s8], [sflag:$0x3], $0x1, s6, s3, $0xb8;
	v63 =	vld [tilespmem:$0x0]  }
0xac: {  	s19 =	simm.s32 $0x0  }
0xad: {  	[spmem:s2] =	stream.indirect.scatter.add.f32 [tilespmem:s24], [sflag:$0x3], $0x1, s6, s3, $0xb8;
	v63 =	vld [tilespmem:$0x0]  }
.LBB2_6:
0xae: {  	_ =	swait.ge [sflag:s12], $0xC00  }
0xaf: {  	[sflag:s12] =	ssyncset.done $0x0  }
0xb0: {  	[sflag:s12] =	ssyncadd.s32 $0xFFFFF400  }
0xb1: {  	s9 =	simm.s32 $0x0;
	s10 =	simm.s32 $0x0;
	_ =	swait.ge [sflag:s12], $0x600  }
0xb2: {  	s9 =	sand.u32 $0x70, s9;
	s10 =	sand.u32 $0x3FFFFF00, s10;
	[sflag:s12] =	ssyncset.done $0x0  }
0xb3: {  	s9 =	sor.u32 s9, s10;
	[sflag:s12] =	ssyncadd.s32 $0xFFFFFA00  }
0xb4: {  	v6 =	vld [tilespmem:s9+$0x1AB80];
	_ =	sdelay $0x1  }
0xb5: {  	v2 =	vld [tilespmem:s9+$0x1AB00];
	_ =	sdelay $0x1  }
0xb6: {  	s23 =	simm.s32 $0x10;
	s15 =	simm.s32 $0x20  }
0xb7: {  	s17 =	sand.u32 $0x70, s23;
	s9 =	sand.u32 $0x3FFFFF00, s15  }
0xb8: {  	s9 =	sor.u32 s17, s9  }
0xb9: {  	v3 =	vld [tilespmem:s9+$0x1AB80]  }
0xba: {  	v4 =	vld.idx.msk [tilespmem:v6+s5+$0x0], $0xffff  }
0xbb: {  	v7 =	vld [tilespmem:s9+$0x1AB00]  }
0xbc: {  	v5 =	vld.idx.msk [tilespmem:v2+s5+$0x0], $0xffff  }
0xbd: {  	s18 =	simm.s32 $0x1B700  }
0xbe: {  	v8 =	vld [tilespmem:s18+$0x0]  }
0xbf: {  	s20 =	simm.s32 $0x40;
	s17 =	simm.s32 $0x20;
	v2 =	vmul.f32 $-1.058436160e+00, v4  }
0xc0: {  	s21 =	sand.u32 $0x70, s17;
	s9 =	sand.u32 $0x3FFFFF00, s20  }
0xc1: {  	s9 =	sor.u32 s21, s9;
	v11 =	vld.idx.msk [tilespmem:v3+s5+$0x0], $0xffff;
	v9 =	vadd.f32 v2, v5  }
0xc2: {  	v10 =	vmul.f32 v5, v0;
	v12 =	vadd.f32 $-2.123214010e-01, v4;
	v13 =	vmul.f32 $-1.023958210e+00, v4;
	v2 =	vld [tilespmem:s9+$0x1AB80]  }
0xc3: {  	v8 =	vadd.f32 $-1.734846120e+00, v8;
	v7 =	vld.idx.msk [tilespmem:v7+s5+$0x0], $0xffff;
	v9 =	vmul.f32 $1.534421090e+00, v9  }
0xc4: {  	v10 =	vsub.f32 v10, v12;
	v5 =	vadd.f32 v13, v5;
	v12 =	vld [tilespmem:s9+$0x1AB00]  }
0xc5: {  	s10 =	simm.s32 $0x1B710;
	s20 =	smul.u32 $0x18, s19;
	v4 =	vadd.f32 v8, v4;
	v8 =	vadd.f32 $4.536810820e-01, v9  }
0xc6: {  	s11 =	rddreg [dreg:$0x1f];
	v5 =	vmul.f32 $1.931712030e+00, v5;
	v9 =	vmul.f32 $-1.324843170e+00, v10;
	v10 =	vld [tilespmem:s10+$0x0]  }
0xc7: {  	s14 =	simm.s32 $0x60;
	v4 =	vmul.f32 $-1.208471880e-01, v4;
	v13 =	vmul.f32 $-1.058436160e+00, v11;
	s9 =	sadd.s32 s20, s11;
	v8 =	vand.u32 $0x7FFFFFFF, v8  }
0xc8: {  	s15 =	simm.s32 $0x30;
	s21 =	smov.u32 s22;
	p0 =	slt.s32 s9, s22;
	v9 =	vand.u32 $0x7FFFFFFF, v9;
	v5 =	vadd.f32 v8, v5  }
0xc9: {  	s18 =	sand.u32 $0x70, s15;
	v14 =	vmul.f32 $-1.023958210e+00, v11;
	s21 =	smov.u32 @p0 s9;
	s10 =	sand.u32 $0x3FFFFF00, s14;
	v8 =	vadd.f32 v4, v9;
	v4 =	vadd.f32 v13, v7  }
0xca: {  	s28 =	simm.s32 $0x1BD00;
	s29 =	sadd.s32 $0x0, s21;
	s10 =	sor.u32 s18, s10;
	v9 =	vmul.f32 v7, v0;
	v13 =	vadd.f32 $-2.123214010e-01, v11;
	v15 =	vadd.f32 $5.468919870e-01, v5;
	v5 =	vld.idx.msk [tilespmem:v2+s5+$0x0], $0xffff  }
0xcb: {  	p6 =	slt.u32 s29, s9;
	v10 =	vadd.f32 $-1.734846120e+00, v10;
	v16 =	vmul.f32 $1.534421090e+00, v4;
	v4 =	vld [tilespmem:s10+$0x1AB80]  }
0xcc: {  	[tilespmem:s28+$0x0] =	vst v6;
	s29 =	simm.s32 $0x1C300;
	v6 =	vld.idx.msk [tilespmem:v12+s5+$0x0], $0xffff;
	v9 =	vsub.f32 v9, v13;
	v13 =	vadd.f32 v14, v7;
	v7 =	vpsel p6, $0x0, v8  }
0xcd: {  	[tilespmem:s29+$0x0] =	vst v7;
	v7 =	vld [tilespmem:s10+$0x1AB00];
	v12 =	vadd.f32 v10, v11;
	v14 =	vadd.f32 $4.536810820e-01, v16  }
0xce: {  	s30 =	simm.s32 $0x1C900;
	s10 =	simm.s32 $0x1B720;
	v8 =	vpsel p6, $0x0, v15;
	v10 =	vmul.f32 $-1.324843170e+00, v9;
	v11 =	vmul.f32 $1.931712030e+00, v13  }
0xcf: {  	s18 =	simm.s32 $0x30;
	[tilespmem:s30+$0x0] =	vst v8;
	v8 =	vld [tilespmem:s10+$0x0];
	v9 =	vmul.f32 $-1.208471880e-01, v12;
	v12 =	vand.u32 $0x7FFFFFFF, v14  }
.LBB2_7:
0xd0: {  	s15 =	sadd.s32 $0x10, s15;
	v13 =	vmul.f32 $-1.058436160e+00, v5;
	s11 =	sshrl.u32 s23, $0x7;
	v10 =	vand.u32 $0x7FFFFFFF, v10;
	v11 =	vadd.f32 v12, v11;
	v12 =	vmovc v5;
	s23 =	smov.u32 s17  }
0xd1: {  	s28 =	sadd.s32 $0x10, s28;
	s17 =	sshll.u32 s15, $0x1;
	s11 =	sadd.s32 s21, s11;
	v9 =	vadd.f32 v9, v10  }
0xd2: {  	s14 =	sand.u32 $0x70, s15;
	v10 =	vmul.f32 v6, v0;
	s17 =	sand.u32 $0x3FFFFF00, s17;
	v13 =	vadd.f32 v13, v6;
	p1 =	slt.u32 s11, s9;
	v11 =	vadd.f32 $5.468919870e-01, v11  }
0xd3: {  	s29 =	sadd.s32 $0x10, s29;
	p0 =	slt.u32 s15, $0x5F0;
	v14 =	vadd.f32 $-2.123214010e-01, v12;
	v15 =	vmul.f32 $-1.023958210e+00, v12;
	s11 =	sor.u32 s14, s17;
	v5 =	vld.idx.msk [tilespmem:v4+s5+$0x0], $0xffff;
	[tilespmem:s28+$0x0] =	vst v3;
	v9 =	vpsel p1, $0x0, v9;
	v3 =	vmovc v2;
	v2 =	vmovc v4  }
.Ltmp2:
0xd4: {  	s30 =	sadd.s32 $0x10, s30;
	v4 =	vld [tilespmem:s11+$0x1AB80];
	v8 =	vadd.f32 $-1.734846120e+00, v8;
	v13 =	vmul.f32 $1.534421090e+00, v13;
	[tilespmem:s29+$0x0] =	vst v9;
	v9 =	vpsel p1, $0x0, v11;
	(pc) =	sbr.rel @p0 .LBB2_7-.Ltmp2, $4  }
0xd5: {  	v10 =	vsub.f32 v10, v14;
	s17 =	smov.u32 s18;
	s18 =	smov.u32 s15;
	v11 =	vadd.f32 v15, v6;
	v6 =	vld.idx.msk [tilespmem:v7+s5+$0x0], $0xffff;
	[tilespmem:s30+$0x0] =	vst v9  }
0xd6: {  	v7 =	vld [tilespmem:s11+$0x1AB00];
	v9 =	vadd.f32 v8, v12;
	v12 =	vadd.f32 $4.536810820e-01, v13  }
0xd7: {  	s10 =	sadd.s32 $0x10, s10;
	v10 =	vmul.f32 $-1.324843170e+00, v10;
	v11 =	vmul.f32 $1.931712030e+00, v11  }
0xd8: {  	v8 =	vld [tilespmem:s10+$0x0];
	v9 =	vmul.f32 $-1.208471880e-01, v9;
	v12 =	vand.u32 $0x7FFFFFFF, v12  }
0xd9: {  	_ =	sdelay $0x1  }
0xda: {  	v13 =	vmul.f32 $-1.058436160e+00, v5;
	_ =	sdelay $0x1  }
0xdb: {  	v13 =	vadd.f32 v13, v6  }
0xdc: {  	v14 =	vld.idx.msk [tilespmem:v4+s5+$0x0], $0xffff;
	v15 =	vmul.f32 $-1.023958210e+00, v5  }
0xdd: {  	v11 =	vadd.f32 v12, v11;
	v7 =	vld.idx.msk [tilespmem:v7+s5+$0x0], $0xffff;
	v12 =	vmul.f32 $1.534421090e+00, v13  }
0xde: {  	v13 =	vmul.f32 v6, v0;
	v6 =	vadd.f32 v15, v6;
	v15 =	vadd.f32 $-2.123214010e-01, v5  }
0xdf: {  	v10 =	vand.u32 $0x7FFFFFFF, v10;
	s10 =	sadd.s32 $0x10, s10;
	v8 =	vadd.f32 $-1.734846120e+00, v8;
	v12 =	vadd.f32 $4.536810820e-01, v12  }
0xe0: {  	v9 =	vadd.f32 v9, v10;
	v10 =	vsub.f32 v13, v15;
	v6 =	vmul.f32 $1.931712030e+00, v6;
	v13 =	vld [tilespmem:s10+$0x0]  }
0xe1: {  	s15 =	sshrl.u32 s23, $0x7;
	v5 =	vadd.f32 v8, v5;
	v8 =	vand.u32 $0x7FFFFFFF, v12;
	v12 =	vmul.f32 $-1.058436160e+00, v14  }
0xe2: {  	s10 =	sadd.s32 s21, s15;
	v15 =	vadd.f32 $-2.123214010e-01, v14;
	v6 =	vadd.f32 v8, v6;
	v8 =	vmul.f32 v7, v0  }
0xe3: {  	v11 =	vadd.f32 $5.468919870e-01, v11;
	p0 =	slt.u32 s10, s9;
	v12 =	vadd.f32 v12, v7  }
0xe4: {  	v9 =	vpsel p0, $0x0, v9;
	v8 =	vsub.f32 v8, v15;
	v15 =	vmul.f32 $-1.023958210e+00, v14  }
0xe5: {  	v10 =	vmul.f32 $-1.324843170e+00, v10;
	v13 =	vadd.f32 $-1.734846120e+00, v13;
	v12 =	vmul.f32 $1.534421090e+00, v12  }
0xe6: {  	s23 =	sadd.s32 $0x10, s28;
	v11 =	vpsel p0, $0x0, v11;
	v5 =	vmul.f32 $-1.208471880e-01, v5;
	v7 =	vadd.f32 v15, v7  }
0xe7: {  	s14 =	sshrl.u32 s17, $0x7;
	[tilespmem:s23+$0x0] =	vst v3;
	s10 =	sadd.s32 $0x10, s23;
	v3 =	vand.u32 $0x7FFFFFFF, v10;
	v10 =	vadd.f32 v13, v14;
	v12 =	vadd.f32 $4.536810820e-01, v12  }
0xe8: {  	s11 =	sadd.s32 $0x10, s29;
	s14 =	sadd.s32 s21, s14;
	[tilespmem:s10+$0x0] =	vst v2;
	v3 =	vadd.f32 v5, v3;
	v5 =	vmul.f32 $-1.324843170e+00, v8;
	v7 =	vmul.f32 $1.931712030e+00, v7  }
0xe9: {  	p4 =	slt.u32 s14, s9;
	s15 =	sadd.s32 $0x10, s30;
	[tilespmem:s11+$0x0] =	vst v9;
	v6 =	vadd.f32 $5.468919870e-01, v6;
	v8 =	vmul.f32 $-1.208471880e-01, v10;
	v9 =	vand.u32 $0x7FFFFFFF, v12  }
0xea: {  	s18 =	sshrl.u32 s18, $0x7;
	s11 =	sadd.s32 $0x10, s11;
	[tilespmem:s15+$0x0] =	vst v11;
	v2 =	vpsel p4, $0x0, v3;
	v3 =	vand.u32 $0x7FFFFFFF, v5;
	v5 =	vadd.f32 v9, v7  }
0xeb: {  	s14 =	sadd.s32 s21, s18;
	s15 =	sadd.s32 $0x10, s15;
	[tilespmem:s11+$0x0] =	vst v2;
	v2 =	vpsel p4, $0x0, v6;
	v3 =	vadd.f32 v8, v3  }
0xec: {  	p5 =	slt.u32 s14, s9;
	s10 =	sadd.s32 $0x10, s10;
	[tilespmem:s15+$0x0] =	vst v2;
	v2 =	vadd.f32 $5.468919870e-01, v5  }
0xed: {  	[tilespmem:s10+$0x0] =	vst v4;
	s23 =	sadd.s32 $0x10, s11;
	v3 =	vpsel p5, $0x0, v3  }
0xee: {  	s10 =	sadd.s32 $0x10, s15;
	[tilespmem:s23+$0x0] =	vst v3;
	v2 =	vpsel p5, $0x0, v2  }
0xef: {  	[tilespmem:s10+$0x0] =	vst v2  }
0xf0: {  	_ =	swait.ge [sflag:s31], $0x600  }
0xf1: {  	s11 =	sld [smem:$0x7FC];
	_ =	sdelay $0x1  }
0xf2: {  	[sflag:s31] =	ssyncset.done $0x0  }
0xf3: {  	[sflag:s31] =	ssyncadd.s32 $0xFFFFFA00;
	s21 =	sadd.s32 s20, s11  }
0xf4: {  	s9 =	smov.u32 s22;
	_ =	swait.ge [sflag:s31], $0x600;
	p0 =	slt.s32 s21, s22  }
0xf5: {  	[sflag:s31] =	ssyncset.done $0x0;
	s9 =	smov.u32 @p0 s21  }
0xf6: {  	[sflag:s31] =	ssyncadd.s32 $0xFFFFFA00;
	s14 =	sshll.u32 s9, $0x5  }
0xf7: {  	s15 =	rddreg [dreg:$0x1];
	s10 =	sand.u32 $0x1FFFFFE0, s14  }
0xf8: {  	s17 =	simm.s32 $0x18700;
	s18 =	sshll.u32 s9, $0x4;
	s10 =	sadd.s32 s15, s10  }
0xf9: {  	[tilespmem:s17], [sflag:$0x1] =	stream.linear.gather [hbm4b:s10+s5], $0xC00, $0x38;
	v63 =	vld [tilespmem:$0x0]  }
0xfa: {  	s10 =	sand.u32 $0x1FFFFFF0, s18  }
0xfb: {  	s11 =	simm.s32 $0x19300;
	s10 =	sadd.s32 s7, s10  }
0xfc: {  	[tilespmem:s11], [sflag:$0x1] =	stream.linear.gather [hbm4b:s10+s5], $0x600, $0x38;
	v63 =	vld [tilespmem:$0x0]  }
0xfd: {  	s23 =	rddreg [dreg:$0x2]  }
0xfe: {  	[spmem:s23] =	stream.indirect.scatter.add.f32 [tilespmem:s25], [sflag:$0x4], $0x1, s13, s3, $0xb8;
	v63 =	vld [tilespmem:$0x0]  }
0xff: {  	_ = 	snop  }
0x100: {  	[spmem:s2] =	stream.indirect.scatter.add.f32 [tilespmem:s4], [sflag:$0x4], $0x1, s13, s3, $0xb8;
	v63 =	vld [tilespmem:$0x0]  }
0x101: {  	_ =	swait.ge [sflag:s0], $0xC00  }
0x102: {  	[sflag:s0] =	ssyncset.done $0x0  }
0x103: {  	[sflag:s0] =	ssyncadd.s32 $0xFFFFF400  }
0x104: {  	s14 =	simm.s32 $0x0;
	s15 =	simm.s32 $0x0;
	_ =	swait.ge [sflag:s0], $0x600  }
0x105: {  	s10 =	sand.u32 $0x70, s14;
	s14 =	sand.u32 $0x3FFFFF00, s15;
	[sflag:s0] =	ssyncset.done $0x0  }
0x106: {  	s10 =	sor.u32 s10, s14;
	[sflag:s0] =	ssyncadd.s32 $0xFFFFFA00  }
0x107: {  	v6 =	vld [tilespmem:s10+$0x18780];
	_ =	sdelay $0x1  }
0x108: {  	v2 =	vld [tilespmem:s10+$0x18700];
	_ =	sdelay $0x1  }
0x109: {  	s17 =	simm.s32 $0x20;
	s23 =	simm.s32 $0x10  }
0x10a: {  	s18 =	sand.u32 $0x70, s23;
	s10 =	sand.u32 $0x3FFFFF00, s17  }
0x10b: {  	s10 =	sor.u32 s18, s10  }
0x10c: {  	v3 =	vld [tilespmem:s10+$0x18780]  }
0x10d: {  	v4 =	vld.idx.msk [tilespmem:v6+s5+$0x0], $0xffff  }
0x10e: {  	v7 =	vld [tilespmem:s10+$0x18700]  }
0x10f: {  	v5 =	vld.idx.msk [tilespmem:v2+s5+$0x0], $0xffff;
	_ =	sdelay $0x1  }
0x110: {  	v8 =	vld [tilespmem:s11+$0x0]  }
0x111: {  	s14 =	simm.s32 $0x40;
	s17 =	simm.s32 $0x20;
	v2 =	vmul.f32 $-1.058436160e+00, v4  }
0x112: {  	s15 =	sand.u32 $0x70, s17;
	s10 =	sand.u32 $0x3FFFFF00, s14  }
0x113: {  	s10 =	sor.u32 s15, s10;
	v11 =	vld.idx.msk [tilespmem:v3+s5+$0x0], $0xffff;
	v9 =	vadd.f32 v2, v5  }
0x114: {  	v10 =	vmul.f32 v5, v0;
	v12 =	vadd.f32 $-2.123214010e-01, v4;
	v13 =	vmul.f32 $-1.023958210e+00, v4;
	v2 =	vld [tilespmem:s10+$0x18780]  }
0x115: {  	v8 =	vadd.f32 $-1.734846120e+00, v8;
	v7 =	vld.idx.msk [tilespmem:v7+s5+$0x0], $0xffff;
	v9 =	vmul.f32 $1.534421090e+00, v9  }
0x116: {  	v10 =	vsub.f32 v10, v12;
	v5 =	vadd.f32 v13, v5;
	v12 =	vld [tilespmem:s10+$0x18700]  }
0x117: {  	s18 =	simm.s32 $0x19310;
	v4 =	vadd.f32 v8, v4;
	v8 =	vadd.f32 $4.536810820e-01, v9  }
0x118: {  	v5 =	vmul.f32 $1.931712030e+00, v5;
	v9 =	vmul.f32 $-1.324843170e+00, v10;
	v10 =	vld [tilespmem:s18+$0x0]  }
0x119: {  	v4 =	vmul.f32 $-1.208471880e-01, v4;
	v13 =	vmul.f32 $-1.058436160e+00, v11;
	v8 =	vand.u32 $0x7FFFFFFF, v8  }
0x11a: {  	s11 =	simm.s32 $0x60;
	s15 =	simm.s32 $0x30;
	v9 =	vand.u32 $0x7FFFFFFF, v9;
	v5 =	vadd.f32 v8, v5  }
0x11b: {  	s14 =	sand.u32 $0x70, s15;
	s10 =	sand.u32 $0x3FFFFF00, s11;
	v14 =	vmul.f32 $-1.023958210e+00, v11;
	v8 =	vadd.f32 v4, v9;
	v4 =	vadd.f32 v13, v7  }
0x11c: {  	s28 =	simm.s32 $0x19900;
	s10 =	sor.u32 s14, s10;
	s18 =	sadd.s32 $0x0, s9;
	v9 =	vmul.f32 v7, v0;
	v13 =	vadd.f32 $-2.123214010e-01, v11;
	v15 =	vadd.f32 $5.468919870e-01, v5;
	v5 =	vld.idx.msk [tilespmem:v2+s5+$0x0], $0xffff  }
0x11d: {  	p6 =	slt.u32 s18, s21;
	v10 =	vadd.f32 $-1.734846120e+00, v10;
	v16 =	vmul.f32 $1.534421090e+00, v4;
	v4 =	vld [tilespmem:s10+$0x18780]  }
0x11e: {  	s29 =	simm.s32 $0x19F00;
	[tilespmem:s28+$0x0] =	vst v6;
	v6 =	vld.idx.msk [tilespmem:v12+s5+$0x0], $0xffff;
	v9 =	vsub.f32 v9, v13;
	v13 =	vadd.f32 v14, v7;
	v7 =	vpsel p6, $0x0, v8  }
0x11f: {  	[tilespmem:s29+$0x0] =	vst v7;
	v7 =	vld [tilespmem:s10+$0x18700];
	v12 =	vadd.f32 v10, v11;
	v14 =	vadd.f32 $4.536810820e-01, v16  }
0x120: {  	s30 =	simm.s32 $0x1A500;
	s10 =	simm.s32 $0x19320;
	v8 =	vpsel p6, $0x0, v15;
	v10 =	vmul.f32 $-1.324843170e+00, v9;
	v11 =	vmul.f32 $1.931712030e+00, v13  }
0x121: {  	s18 =	simm.s32 $0x30;
	[tilespmem:s30+$0x0] =	vst v8;
	v8 =	vld [tilespmem:s10+$0x0];
	v9 =	vmul.f32 $-1.208471880e-01, v12;
	v12 =	vand.u32 $0x7FFFFFFF, v14  }
.LBB2_9:
0x122: {  	s15 =	sadd.s32 $0x10, s15;
	v13 =	vmul.f32 $-1.058436160e+00, v5;
	s11 =	sshrl.u32 s23, $0x7;
	v10 =	vand.u32 $0x7FFFFFFF, v10;
	v11 =	vadd.f32 v12, v11;
	v12 =	vmovc v5;
	s23 =	smov.u32 s17  }
0x123: {  	s28 =	sadd.s32 $0x10, s28;
	s14 =	sshll.u32 s15, $0x1;
	s11 =	sadd.s32 s9, s11;
	v9 =	vadd.f32 v9, v10  }
0x124: {  	s17 =	sand.u32 $0x70, s15;
	v10 =	vmul.f32 v6, v0;
	s14 =	sand.u32 $0x3FFFFF00, s14;
	v13 =	vadd.f32 v13, v6;
	p1 =	slt.u32 s11, s21;
	v11 =	vadd.f32 $5.468919870e-01, v11  }
0x125: {  	s29 =	sadd.s32 $0x10, s29;
	p0 =	slt.u32 s15, $0x5F0;
	v14 =	vadd.f32 $-2.123214010e-01, v12;
	v15 =	vmul.f32 $-1.023958210e+00, v12;
	s11 =	sor.u32 s17, s14;
	v5 =	vld.idx.msk [tilespmem:v4+s5+$0x0], $0xffff;
	[tilespmem:s28+$0x0] =	vst v3;
	v9 =	vpsel p1, $0x0, v9;
	v3 =	vmovc v2;
	v2 =	vmovc v4  }
.Ltmp3:
0x126: {  	s30 =	sadd.s32 $0x10, s30;
	v4 =	vld [tilespmem:s11+$0x18780];
	v8 =	vadd.f32 $-1.734846120e+00, v8;
	v13 =	vmul.f32 $1.534421090e+00, v13;
	[tilespmem:s29+$0x0] =	vst v9;
	v9 =	vpsel p1, $0x0, v11;
	(pc) =	sbr.rel @p0 .LBB2_9-.Ltmp3, $4  }
0x127: {  	v10 =	vsub.f32 v10, v14;
	s17 =	smov.u32 s18;
	s18 =	smov.u32 s15;
	v11 =	vadd.f32 v15, v6;
	v6 =	vld.idx.msk [tilespmem:v7+s5+$0x0], $0xffff;
	[tilespmem:s30+$0x0] =	vst v9  }
0x128: {  	v7 =	vld [tilespmem:s11+$0x18700];
	v9 =	vadd.f32 v8, v12;
	v12 =	vadd.f32 $4.536810820e-01, v13  }
0x129: {  	s10 =	sadd.s32 $0x10, s10;
	v10 =	vmul.f32 $-1.324843170e+00, v10;
	v11 =	vmul.f32 $1.931712030e+00, v11  }
0x12a: {  	v8 =	vld [tilespmem:s10+$0x0];
	v9 =	vmul.f32 $-1.208471880e-01, v9;
	v12 =	vand.u32 $0x7FFFFFFF, v12  }
0x12b: {  	_ =	sdelay $0x2  }
0x12c: {  	v13 =	vmul.f32 $-1.058436160e+00, v5  }
0x12d: {  	v14 =	vld.idx.msk [tilespmem:v4+s5+$0x0], $0xffff;
	v15 =	vmul.f32 $-1.023958210e+00, v5;
	s10 =	sadd.s32 $0x10, s10  }
0x12e: {  	v11 =	vadd.f32 v12, v11;
	v10 =	vand.u32 $0x7FFFFFFF, v10;
	s23 =	sshrl.u32 s23, $0x7;
	v51 =	vld [tilespmem:s10+$0x0];
	v13 =	vadd.f32 v13, v6  }
0x12f: {  	v49 =	vadd.f32 $-2.123214010e-01, v5;
	v47 =	vmul.f32 v6, v0;
	v9 =	vadd.f32 v9, v10;
	s10 =	sadd.s32 s9, s23;
	v7 =	vld.idx.msk [tilespmem:v7+s5+$0x0], $0xffff  }
0x130: {  	v48 =	vadd.f32 v15, v6;
	p0 =	slt.u32 s10, s21;
	v46 =	vmul.f32 $1.534421090e+00, v13  }
0x131: {  	v11 =	vadd.f32 $5.468919870e-01, v11;
	v50 =	vsub.f32 v47, v49;
	v9 =	vpsel p0, $0x0, v9  }
0x132: {  	v8 =	vadd.f32 $-1.734846120e+00, v8;
	v54 =	vmul.f32 $-1.058436160e+00, v14;
	v12 =	vadd.f32 $4.536810820e-01, v46  }
0x133: {  	v6 =	vmul.f32 $1.931712030e+00, v48;
	v11 =	vpsel p0, $0x0, v11;
	v56 =	vadd.f32 $-2.123214010e-01, v14  }
0x134: {  	v57 =	vmul.f32 $-1.023958210e+00, v14;
	v53 =	vand.u32 $0x7FFFFFFF, v12;
	v12 =	vadd.f32 v54, v7  }
0x135: {  	v52 =	vadd.f32 v8, v5;
	v13 =	vadd.f32 $-1.734846120e+00, v51;
	v55 =	vmul.f32 v7, v0  }
0x136: {  	v10 =	vmul.f32 $-1.324843170e+00, v50;
	v7 =	vadd.f32 v57, v7;
	v12 =	vmul.f32 $1.534421090e+00, v12  }
0x137: {  	s28 =	sadd.s32 $0x10, s28;
	v5 =	vmul.f32 $-1.208471880e-01, v52;
	v58 =	vadd.f32 v13, v14;
	v8 =	vsub.f32 v55, v56  }
0x138: {  	s14 =	sshrl.u32 s17, $0x7;
	[tilespmem:s28+$0x0] =	vst v3;
	s10 =	sadd.s32 $0x10, s28;
	v3 =	vand.u32 $0x7FFFFFFF, v10;
	v6 =	vadd.f32 v53, v6;
	v12 =	vadd.f32 $4.536810820e-01, v12  }
0x139: {  	s11 =	sadd.s32 $0x10, s29;
	s14 =	sadd.s32 s9, s14;
	[tilespmem:s10+$0x0] =	vst v2;
	v3 =	vadd.f32 v5, v3;
	v7 =	vmul.f32 $1.931712030e+00, v7;
	v59 =	vmul.f32 $-1.324843170e+00, v8  }
0x13a: {  	s15 =	sadd.s32 $0x10, s30;
	p5 =	slt.u32 s14, s21;
	[tilespmem:s11+$0x0] =	vst v9;
	v60 =	vmul.f32 $-1.208471880e-01, v58;
	v6 =	vadd.f32 $5.468919870e-01, v6;
	v61 =	vand.u32 $0x7FFFFFFF, v12  }
0x13b: {  	s30 =	sshrl.u32 s18, $0x7;
	s11 =	sadd.s32 $0x10, s11;
	[tilespmem:s15+$0x0] =	vst v11;
	v2 =	vpsel p5, $0x0, v3;
	v3 =	vand.u32 $0x7FFFFFFF, v59;
	v62 =	vadd.f32 v61, v7  }
0x13c: {  	s14 =	sadd.s32 s9, s30;
	s15 =	sadd.s32 $0x10, s15;
	[tilespmem:s11+$0x0] =	vst v2;
	v2 =	vpsel p5, $0x0, v6;
	v3 =	vadd.f32 v60, v3  }
0x13d: {  	s10 =	sadd.s32 $0x10, s10;
	p6 =	slt.u32 s14, s21;
	[tilespmem:s15+$0x0] =	vst v2;
	v2 =	vadd.f32 $5.468919870e-01, v62  }
0x13e: {  	[tilespmem:s10+$0x0] =	vst v4;
	s17 =	sadd.s32 $0x10, s11;
	v3 =	vpsel p6, $0x0, v3  }
0x13f: {  	s18 =	sadd.s32 $0x10, s15;
	[tilespmem:s17+$0x0] =	vst v3;
	v2 =	vpsel p6, $0x0, v2  }
0x140: {  	[tilespmem:s18+$0x0] =	vst v2  }
0x141: {  	_ =	swait.ge [sflag:s16], $0x600  }
0x142: {  	s21 =	sld [smem:$0x7FD];
	_ =	sdelay $0x1  }
0x143: {  	[sflag:s16] =	ssyncset.done $0x0  }
0x144: {  	[sflag:s16] =	ssyncadd.s32 $0xFFFFFA00;
	s9 =	sadd.s32 s20, s21  }
0x145: {  	s10 =	smov.u32 s22;
	_ =	swait.ge [sflag:s16], $0x600;
	p0 =	slt.s32 s9, s22  }
0x146: {  	[sflag:s16] =	ssyncset.done $0x0;
	s10 =	smov.u32 @p0 s9  }
0x147: {  	[sflag:s16] =	ssyncadd.s32 $0xFFFFFA00;
	s9 =	sshll.u32 s10, $0x5  }
0x148: {  	s23 =	rddreg [dreg:$0x1];
	s9 =	sand.u32 $0x1FFFFFE0, s9  }
0x149: {  	s28 =	simm.s32 $0x1AB00;
	s29 =	sshll.u32 s10, $0x4;
	s9 =	sadd.s32 s23, s9  }
0x14a: {  	[tilespmem:s28], [sflag:$0x2] =	stream.linear.gather [hbm4b:s9+s5], $0xC00, $0x38;
	v63 =	vld [tilespmem:$0x0]  }
0x14b: {  	s19 =	sadd.s32 $0x1, s19;
	s9 =	sand.u32 $0x1FFFFFF0, s29  }
0x14c: {  	p0 =	sne.s32 s19, $0x20;
	s9 =	sadd.s32 s7, s9  }
0x14d: {  	[tilespmem:s1], [sflag:$0x2] =	stream.linear.gather [hbm4b:s9+s5], $0x600, $0x38;
	v63 =	vld [tilespmem:$0x0]  }
.Ltmp4:
0x14e: {  	_ = 	snop;
	(pc) =	sbr.rel @p0 .LBB2_6-.Ltmp4, $4  }
0x14f: {  	s30 =	rddreg [dreg:$0x2]  }
0x150: {  	[spmem:s30] =	stream.indirect.scatter.add.f32 [tilespmem:s8], [sflag:$0x3], $0x1, s6, s3, $0xb8;
	v63 =	vld [tilespmem:$0x0]  }
0x151: {  	_ = 	snop  }
0x152: {  	[spmem:s2] =	stream.indirect.scatter.add.f32 [tilespmem:s24], [sflag:$0x3], $0x1, s6, s3, $0xb8;
	v63 =	vld [tilespmem:$0x0]  }
0x153: {  	_ =	swait.ge [sflag:s12], $0xC00  }
0x154: {  	[sflag:s12] =	ssyncset.done $0x0  }
0x155: {  	[sflag:s12] =	ssyncadd.s32 $0xFFFFF400  }
0x156: {  	s9 =	simm.s32 $0x0;
	s10 =	simm.s32 $0x0;
	_ =	swait.ge [sflag:s12], $0x600  }
0x157: {  	s9 =	sand.u32 $0x70, s9;
	s10 =	sand.u32 $0x3FFFFF00, s10;
	[sflag:s12] =	ssyncset.done $0x0  }
0x158: {  	s9 =	sor.u32 s9, s10;
	[sflag:s12] =	ssyncadd.s32 $0xFFFFFA00  }
0x159: {  	v5 =	vld [tilespmem:s9+$0x1AB80];
	_ =	sdelay $0x1  }
0x15a: {  	v3 =	vld [tilespmem:s9+$0x1AB00];
	_ =	sdelay $0x1  }
0x15b: {  	s21 =	simm.s32 $0x20;
	s9 =	simm.s32 $0x10  }
0x15c: {  	s10 =	sand.u32 $0x3FFFFF00, s21;
	s11 =	sand.u32 $0x70, s9  }
0x15d: {  	s10 =	sor.u32 s11, s10  }
0x15e: {  	v2 =	vld [tilespmem:s10+$0x1AB80]  }
0x15f: {  	v4 =	vld.idx.msk [tilespmem:v5+s5+$0x0], $0xffff  }
0x160: {  	v7 =	vld [tilespmem:s10+$0x1AB00]  }
0x161: {  	v6 =	vld.idx.msk [tilespmem:v3+s5+$0x0], $0xffff  }
0x162: {  	s23 =	simm.s32 $0x1B700  }
0x163: {  	v8 =	vld [tilespmem:s23+$0x0]  }
0x164: {  	s20 =	simm.s32 $0x20;
	s24 =	simm.s32 $0x40;
	v3 =	vmul.f32 $-1.058436160e+00, v4  }
0x165: {  	s25 =	sand.u32 $0x70, s20;
	s10 =	sand.u32 $0x3FFFFF00, s24  }
0x166: {  	s10 =	sor.u32 s25, s10;
	v11 =	vld.idx.msk [tilespmem:v2+s5+$0x0], $0xffff;
	v9 =	vadd.f32 v3, v6  }
0x167: {  	v10 =	vmul.f32 v6, v0;
	v12 =	vadd.f32 $-2.123214010e-01, v4;
	v13 =	vmul.f32 $-1.023958210e+00, v4;
	v3 =	vld [tilespmem:s10+$0x1AB80]  }
0x168: {  	v8 =	vadd.f32 $-1.734846120e+00, v8;
	v7 =	vld.idx.msk [tilespmem:v7+s5+$0x0], $0xffff;
	v9 =	vmul.f32 $1.534421090e+00, v9  }
0x169: {  	v10 =	vsub.f32 v10, v12;
	v6 =	vadd.f32 v13, v6;
	v12 =	vld [tilespmem:s10+$0x1AB00]  }
0x16a: {  	s28 =	simm.s32 $0x1B710;
	v4 =	vadd.f32 v8, v4;
	v8 =	vadd.f32 $4.536810820e-01, v9  }
0x16b: {  	v6 =	vmul.f32 $1.931712030e+00, v6;
	v9 =	vmul.f32 $-1.324843170e+00, v10;
	v10 =	vld [tilespmem:s28+$0x0]  }
0x16c: {  	v4 =	vmul.f32 $-1.208471880e-01, v4;
	v13 =	vmul.f32 $-1.058436160e+00, v11;
	v8 =	vand.u32 $0x7FFFFFFF, v8  }
0x16d: {  	s15 =	simm.s32 $0x30;
	s29 =	simm.s32 $0x60;
	v9 =	vand.u32 $0x7FFFFFFF, v9;
	v6 =	vadd.f32 v8, v6  }
0x16e: {  	s30 =	sand.u32 $0x70, s15;
	s10 =	sand.u32 $0x3FFFFF00, s29;
	v14 =	vmul.f32 $-1.023958210e+00, v11;
	v8 =	vadd.f32 v4, v9;
	v4 =	vadd.f32 v13, v7  }
0x16f: {  	s14 =	sadd.s32 $0x0, s22;
	s18 =	simm.s32 $0x1BD00;
	s10 =	sor.u32 s30, s10;
	v9 =	vmul.f32 v7, v0;
	v13 =	vadd.f32 $-2.123214010e-01, v11;
	v15 =	vadd.f32 $5.468919870e-01, v6;
	v6 =	vld.idx.msk [tilespmem:v3+s5+$0x0], $0xffff  }
0x170: {  	p0 =	slt.u32 s14, s26;
	v10 =	vadd.f32 $-1.734846120e+00, v10;
	v16 =	vmul.f32 $1.534421090e+00, v4;
	v4 =	vld [tilespmem:s10+$0x1AB80]  }
0x171: {  	s17 =	simm.s32 $0x1C300;
	[tilespmem:s18+$0x0] =	vst v5;
	v5 =	vld.idx.msk [tilespmem:v12+s5+$0x0], $0xffff;
	v9 =	vsub.f32 v9, v13;
	v13 =	vadd.f32 v14, v7;
	v7 =	vpsel p0, $0x0, v8  }
0x172: {  	[tilespmem:s17+$0x0] =	vst v7;
	v7 =	vld [tilespmem:s10+$0x1AB00];
	v12 =	vadd.f32 v10, v11;
	v14 =	vadd.f32 $4.536810820e-01, v16  }
0x173: {  	s19 =	simm.s32 $0x1C900;
	s10 =	simm.s32 $0x1B720;
	v8 =	vpsel p0, $0x0, v15;
	v10 =	vmul.f32 $-1.324843170e+00, v9;
	v11 =	vmul.f32 $1.931712030e+00, v13  }
0x174: {  	s21 =	simm.s32 $0x30;
	[tilespmem:s19+$0x0] =	vst v8;
	v8 =	vld [tilespmem:s10+$0x0];
	v9 =	vmul.f32 $-1.208471880e-01, v12;
	v12 =	vand.u32 $0x7FFFFFFF, v14  }
.LBB2_12:
0x175: {  	s15 =	sadd.s32 $0x10, s15;
	v13 =	vmul.f32 $-1.058436160e+00, v6;
	s11 =	sshrl.u32 s9, $0x7;
	v10 =	vand.u32 $0x7FFFFFFF, v10;
	v11 =	vadd.f32 v12, v11;
	v12 =	vmovc v6;
	s9 =	smov.u32 s20  }
0x176: {  	s18 =	sadd.s32 $0x10, s18;
	s14 =	sshll.u32 s15, $0x1;
	s11 =	sadd.s32 s22, s11;
	v9 =	vadd.f32 v9, v10  }
0x177: {  	s20 =	sand.u32 $0x70, s15;
	v10 =	vmul.f32 v5, v0;
	s14 =	sand.u32 $0x3FFFFF00, s14;
	v13 =	vadd.f32 v13, v5;
	p1 =	slt.u32 s11, s26;
	v11 =	vadd.f32 $5.468919870e-01, v11  }
0x178: {  	s17 =	sadd.s32 $0x10, s17;
	p0 =	slt.u32 s15, $0x5F0;
	v14 =	vadd.f32 $-2.123214010e-01, v12;
	v15 =	vmul.f32 $-1.023958210e+00, v12;
	s11 =	sor.u32 s20, s14;
	v6 =	vld.idx.msk [tilespmem:v4+s5+$0x0], $0xffff;
	[tilespmem:s18+$0x0] =	vst v2;
	v9 =	vpsel p1, $0x0, v9;
	v2 =	vmovc v3;
	v3 =	vmovc v4  }
.Ltmp5:
0x179: {  	s19 =	sadd.s32 $0x10, s19;
	v4 =	vld [tilespmem:s11+$0x1AB80];
	v8 =	vadd.f32 $-1.734846120e+00, v8;
	v13 =	vmul.f32 $1.534421090e+00, v13;
	[tilespmem:s17+$0x0] =	vst v9;
	v9 =	vpsel p1, $0x0, v11;
	(pc) =	sbr.rel @p0 .LBB2_12-.Ltmp5, $4  }
0x17a: {  	v10 =	vsub.f32 v10, v14;
	s20 =	smov.u32 s21;
	s21 =	smov.u32 s15;
	v11 =	vadd.f32 v15, v5;
	v5 =	vld.idx.msk [tilespmem:v7+s5+$0x0], $0xffff;
	[tilespmem:s19+$0x0] =	vst v9  }
0x17b: {  	v7 =	vld [tilespmem:s11+$0x1AB00];
	v9 =	vadd.f32 v8, v12;
	v12 =	vadd.f32 $4.536810820e-01, v13  }
0x17c: {  	s10 =	sadd.s32 $0x10, s10;
	v10 =	vmul.f32 $-1.324843170e+00, v10;
	v11 =	vmul.f32 $1.931712030e+00, v11  }
0x17d: {  	v8 =	vld [tilespmem:s10+$0x0];
	v9 =	vmul.f32 $-1.208471880e-01, v9;
	v12 =	vand.u32 $0x7FFFFFFF, v12  }
0x17e: {  	_ =	sdelay $0x3  }
0x17f: {  	v13 =	vld.idx.msk [tilespmem:v4+s5+$0x0], $0xffff;
	s10 =	sadd.s32 $0x10, s10  }
0x180: {  	v14 =	vmul.f32 $-1.058436160e+00, v6;
	v15 =	vld [tilespmem:s10+$0x0]  }
0x181: {  	v10 =	vand.u32 $0x7FFFFFFF, v10;
	v16 =	vadd.f32 $-2.123214010e-01, v6;
	v51 =	vmul.f32 $-1.023958210e+00, v6;
	s9 =	sshrl.u32 s9, $0x7;
	v7 =	vld.idx.msk [tilespmem:v7+s5+$0x0], $0xffff  }
0x182: {  	v49 =	vmul.f32 v5, v0;
	v9 =	vadd.f32 v9, v10;
	s9 =	sadd.s32 s22, s9;
	v50 =	vadd.f32 v14, v5  }
0x183: {  	v11 =	vadd.f32 v12, v11;
	v52 =	vadd.f32 v51, v5;
	p0 =	slt.u32 s9, s26  }
0x184: {  	v12 =	vsub.f32 v49, v16;
	v9 =	vpsel p0, $0x0, v9;
	v10 =	vmul.f32 $1.534421090e+00, v50  }
0x185: {  	v8 =	vadd.f32 $-1.734846120e+00, v8;
	v5 =	vmul.f32 $1.931712030e+00, v52;
	v56 =	vmul.f32 $-1.058436160e+00, v13  }
0x186: {  	v54 =	vadd.f32 $-2.123214010e-01, v13;
	v15 =	vadd.f32 $-1.734846120e+00, v15;
	v53 =	vmul.f32 v7, v0  }
0x187: {  	v12 =	vmul.f32 $-1.324843170e+00, v12;
	v55 =	vadd.f32 v8, v6;
	v8 =	vadd.f32 v56, v7  }
0x188: {  	s24 =	sadd.s32 $0x10, s18;
	v15 =	vadd.f32 v15, v13;
	v13 =	vmul.f32 $-1.023958210e+00, v13;
	v14 =	vsub.f32 v53, v54  }
0x189: {  	[tilespmem:s24+$0x0] =	vst v2;
	v10 =	vadd.f32 $4.536810820e-01, v10;
	v2 =	vand.u32 $0x7FFFFFFF, v12;
	v8 =	vmul.f32 $1.534421090e+00, v8  }
0x18a: {  	v6 =	vmul.f32 $-1.208471880e-01, v55;
	v7 =	vadd.f32 v13, v7;
	v57 =	vmul.f32 $-1.324843170e+00, v14  }
0x18b: {  	s25 =	sshrl.u32 s20, $0x7;
	s9 =	sadd.s32 $0x10, s24;
	v10 =	vand.u32 $0x7FFFFFFF, v10;
	v58 =	vmul.f32 $-1.208471880e-01, v15;
	v8 =	vadd.f32 $4.536810820e-01, v8  }
0x18c: {  	s11 =	sshrl.u32 s21, $0x7;
	s10 =	sadd.s32 s22, s25;
	[tilespmem:s9+$0x0] =	vst v3;
	s9 =	sadd.s32 $0x10, s9;
	v2 =	vadd.f32 v6, v2;
	v3 =	vmul.f32 $1.931712030e+00, v7;
	v59 =	vand.u32 $0x7FFFFFFF, v57  }
0x18d: {  	s30 =	sadd.s32 $0x10, s17;
	s1 =	sadd.s32 s22, s11;
	p1 =	slt.u32 s10, s26;
	[tilespmem:s9+$0x0] =	vst v4;
	v60 =	vadd.f32 v10, v5;
	v61 =	vand.u32 $0x7FFFFFFF, v8;
	v6 =	vadd.f32 v58, v59  }
0x18e: {  	p2 =	slt.u32 s1, s26;
	v62 =	vadd.f32 $5.468919870e-01, v11;
	[tilespmem:s30+$0x0] =	vst v9;
	s9 =	sadd.s32 $0x10, s30;
	v2 =	vpsel p1, $0x0, v2;
	v3 =	vadd.f32 v61, v3  }
0x18f: {  	v4 =	vadd.f32 $5.468919870e-01, v60;
	[tilespmem:s9+$0x0] =	vst v2;
	s9 =	sadd.s32 $0x10, s9;
	v2 =	vpsel p2, $0x0, v6  }
0x190: {  	s4 =	sadd.s32 $0x10, s19;
	v3 =	vadd.f32 $5.468919870e-01, v3;
	[tilespmem:s9+$0x0] =	vst v2;
	v2 =	vpsel p0, $0x0, v62  }
0x191: {  	v4 =	vpsel p1, $0x0, v4;
	s9 =	sadd.s32 $0x10, s4;
	[tilespmem:s4+$0x0] =	vst v2  }
0x192: {  	[tilespmem:s9+$0x0] =	vst v4;
	v2 =	vpsel p2, $0x0, v3;
	s9 =	sadd.s32 $0x10, s9  }
0x193: {  	[tilespmem:s9+$0x0] =	vst v2  }
0x194: {  	_ =	swait.ge [sflag:s31], $0x600  }
0x195: {  	[sflag:s31] =	ssyncset.done $0x0  }
0x196: {  	[sflag:s31] =	ssyncadd.s32 $0xFFFFFA00  }
0x197: {  	_ =	swait.ge [sflag:s31], $0x600  }
0x198: {  	[sflag:s31] =	ssyncset.done $0x0  }
0x199: {  	[sflag:s31] =	ssyncadd.s32 $0xFFFFFA00  }
0x19a: {  	s14 =	simm.s32 $0x1C300;
	s1 =	rddreg [dreg:$0x2]  }
0x19b: {  	[spmem:s1] =	stream.indirect.scatter.add.f32 [tilespmem:s14], [sflag:$0x4], $0x1, s13, s3, $0xb8;
	v63 =	vld [tilespmem:$0x0]  }
0x19c: {  	s1 =	simm.s32 $0x1C900  }
0x19d: {  	[spmem:s2] =	stream.indirect.scatter.add.f32 [tilespmem:s1], [sflag:$0x4], $0x1, s13, s3, $0xb8;
	v63 =	vld [tilespmem:$0x0]  }
0x19e: {  	_ =	swait.ge [sflag:s16], $0x600  }
0x19f: {  	[sflag:s16] =	ssyncset.done $0x0  }
0x1a0: {  	[sflag:s16] =	ssyncadd.s32 $0xFFFFFA00  }
0x1a1: {  	_ =	swait.ge [sflag:s16], $0x600  }
0x1a2: {  	[sflag:s16] =	ssyncset.done $0x0  }
0x1a3: {  	[sflag:s16] =	ssyncadd.s32 $0xFFFFFA00  }
0x1a4: {  	[bflag:$0x0] =	sbarrier.arrive $0xFFFF  }
0x1a5: {  	s11 =	simm.s32 $0x19F00;
	s4 =	rddreg [dreg:$0xa]  }
0x1a6: {  	[tilespmem:s11], [sflag:$0x1] =	stream.linear.gather [spmem:s4], $0x600, $0x38;
	v63 =	vld [tilespmem:$0x0]  }
0x1a7: {  	s30 =	simm.s32 $0x1A500;
	s17 =	rddreg [dreg:$0xc]  }
0x1a8: {  	[tilespmem:s30], [sflag:$0x1] =	stream.linear.gather [spmem:s17], $0x600, $0x38;
	v63 =	vld [tilespmem:$0x0]  }
0x1a9: {  	s25 =	simm.s32 $0x19300;
	s19 =	rddreg [dreg:$0xe]  }
0x1aa: {  	[tilespmem:s25], [sflag:$0x1] =	stream.linear.gather [spmem:s19], $0x600, $0x38;
	v63 =	vld [tilespmem:$0x0]  }
0x1ab: {  	s21 =	rddreg [dreg:$0x10]  }
0x1ac: {  	[tilespmem:s14], [sflag:$0x1] =	stream.linear.gather [spmem:s21], $0x600, $0x38;
	v63 =	vld [tilespmem:$0x0]  }
0x1ad: {  	s28 =	rddreg [dreg:$0x12]  }
0x1ae: {  	[tilespmem:s1], [sflag:$0x1] =	stream.linear.gather [spmem:s28], $0x70, $0x38;
	v63 =	vld [tilespmem:$0x0]  }
0x1af: {  	s10 =	simm.s32 $0x1B700;
	s15 =	rddreg [dreg:$0xb]  }
0x1b0: {  	[tilespmem:s10], [sflag:$0x1] =	stream.linear.gather [spmem:s15], $0x600, $0x38;
	v63 =	vld [tilespmem:$0x0]  }
0x1b1: {  	_ =	swait.ge [sflag:s0], $0x600  }
0x1b2: {  	[sflag:s0] =	ssyncset.done $0x0  }
0x1b3: {  	[sflag:s0] =	ssyncadd.s32 $0xFFFFFA00  }
0x1b4: {  	_ =	swait.ge [sflag:s0], $0x600  }
0x1b5: {  	[sflag:s0] =	ssyncset.done $0x0  }
0x1b6: {  	[sflag:s0] =	ssyncadd.s32 $0xFFFFFA00  }
0x1b7: {  	_ =	swait.ge [sflag:s0], $0x600  }
0x1b8: {  	[sflag:s0] =	ssyncset.done $0x0  }
0x1b9: {  	[sflag:s0] =	ssyncadd.s32 $0xFFFFFA00  }
0x1ba: {  	_ =	swait.ge [sflag:s0], $0x600  }
0x1bb: {  	[sflag:s0] =	ssyncset.done $0x0  }
0x1bc: {  	[sflag:s0] =	ssyncadd.s32 $0xFFFFFA00  }
0x1bd: {  	_ =	swait.ge [sflag:s0], $0x70  }
0x1be: {  	[sflag:s0] =	ssyncset.done $0x0  }
0x1bf: {  	[sflag:s0] =	ssyncadd.s32 $0xFFFFFF90  }
0x1c0: {  	_ =	swait.ge [sflag:s0], $0x600  }
0x1c1: {  	[sflag:s0] =	ssyncset.done $0x0  }
0x1c2: {  	s8 =	rddreg [dreg:$0x14];
	[sflag:s0] =	ssyncadd.s32 $0xFFFFFA00  }
0x1c3: {  	[hbm4b:s8+s5] =	stream.linear.scatter [tilespmem:s11], [sflag:$0x2], $0x600, $0x38;
	v63 =	vld [tilespmem:$0x0]  }
0x1c4: {  	s18 =	rddreg [dreg:$0x15]  }
0x1c5: {  	[hbm4b:s18+s5] =	stream.linear.scatter [tilespmem:s30], [sflag:$0x2], $0x600, $0x38;
	v63 =	vld [tilespmem:$0x0]  }
0x1c6: {  	s20 =	rddreg [dreg:$0x16]  }
0x1c7: {  	[hbm4b:s20+s5] =	stream.linear.scatter [tilespmem:s25], [sflag:$0x2], $0x600, $0x38;
	v63 =	vld [tilespmem:$0x0]  }
0x1c8: {  	s23 =	rddreg [dreg:$0x17]  }
0x1c9: {  	[hbm4b:s23+s5] =	stream.linear.scatter [tilespmem:s14], [sflag:$0x2], $0x600, $0x38;
	v63 =	vld [tilespmem:$0x0]  }
0x1ca: {  	s24 =	rddreg [dreg:$0x18]  }
0x1cb: {  	[hbm4b:s24+s5] =	stream.linear.scatter [tilespmem:s1], [sflag:$0x2], $0x70, $0x38;
	v63 =	vld [tilespmem:$0x0]  }
0x1cc: {  	s8 =	rddreg [dreg:$0x19]  }
0x1cd: {  	[hbm4b:s8+s5] =	stream.linear.scatter [tilespmem:s10], [sflag:$0x2], $0x600, $0x38;
	v63 =	vld [tilespmem:$0x0]  }
0x1ce: {  	_ =	swait.ge [sflag:s12], $0x600  }
0x1cf: {  	[sflag:s12] =	ssyncset.done $0x0  }
0x1d0: {  	[sflag:s12] =	ssyncadd.s32 $0xFFFFFA00  }
0x1d1: {  	_ =	swait.ge [sflag:s12], $0x600  }
0x1d2: {  	[sflag:s12] =	ssyncset.done $0x0  }
0x1d3: {  	[sflag:s12] =	ssyncadd.s32 $0xFFFFFA00  }
0x1d4: {  	_ =	swait.ge [sflag:s12], $0x600  }
0x1d5: {  	[sflag:s12] =	ssyncset.done $0x0  }
0x1d6: {  	[sflag:s12] =	ssyncadd.s32 $0xFFFFFA00  }
0x1d7: {  	_ =	swait.ge [sflag:s12], $0x600  }
0x1d8: {  	[sflag:s12] =	ssyncset.done $0x0  }
0x1d9: {  	[sflag:s12] =	ssyncadd.s32 $0xFFFFFA00  }
0x1da: {  	_ =	swait.ge [sflag:s12], $0x70  }
0x1db: {  	[sflag:s12] =	ssyncset.done $0x0  }
0x1dc: {  	[sflag:s12] =	ssyncadd.s32 $0xFFFFFF90  }
0x1dd: {  	_ =	swait.ge [sflag:s12], $0x600  }
0x1de: {  	[sflag:s12] =	ssyncset.done $0x0  }
0x1df: {  	s18 =	rddreg [dreg:$0xd];
	[sflag:s12] =	ssyncadd.s32 $0xFFFFFA00  }
0x1e0: {  	[tilespmem:s11], [sflag:$0x1] =	stream.linear.gather [spmem:s18], $0x600, $0x38;
	v63 =	vld [tilespmem:$0x0]  }
0x1e1: {  	s20 =	rddreg [dreg:$0xf]  }
0x1e2: {  	[tilespmem:s30], [sflag:$0x1] =	stream.linear.gather [spmem:s20], $0x600, $0x38;
	v63 =	vld [tilespmem:$0x0]  }
0x1e3: {  	s23 =	rddreg [dreg:$0x11]  }
0x1e4: {  	[tilespmem:s25], [sflag:$0x1] =	stream.linear.gather [spmem:s23], $0x600, $0x38;
	v63 =	vld [tilespmem:$0x0]  }
0x1e5: {  	s29 =	rddreg [dreg:$0x13]  }
0x1e6: {  	[tilespmem:s14], [sflag:$0x1] =	stream.linear.gather [spmem:s29], $0x70, $0x38;
	v63 =	vld [tilespmem:$0x0]  }
0x1e7: {  	_ =	swait.ge [sflag:s0], $0x600  }
0x1e8: {  	[sflag:s0] =	ssyncset.done $0x0  }
0x1e9: {  	[sflag:s0] =	ssyncadd.s32 $0xFFFFFA00  }
0x1ea: {  	_ =	swait.ge [sflag:s0], $0x600  }
0x1eb: {  	[sflag:s0] =	ssyncset.done $0x0  }
0x1ec: {  	[sflag:s0] =	ssyncadd.s32 $0xFFFFFA00  }
0x1ed: {  	_ =	swait.ge [sflag:s0], $0x600  }
0x1ee: {  	[sflag:s0] =	ssyncset.done $0x0  }
0x1ef: {  	[sflag:s0] =	ssyncadd.s32 $0xFFFFFA00  }
0x1f0: {  	_ =	swait.ge [sflag:s0], $0x70  }
0x1f1: {  	[sflag:s0] =	ssyncset.done $0x0  }
0x1f2: {  	s10 =	rddreg [dreg:$0x1a];
	[sflag:s0] =	ssyncadd.s32 $0xFFFFFF90  }
0x1f3: {  	[hbm4b:s10+s5] =	stream.linear.scatter [tilespmem:s11], [sflag:$0x2], $0x600, $0x38;
	v63 =	vld [tilespmem:$0x0]  }
0x1f4: {  	s11 =	rddreg [dreg:$0x1b]  }
0x1f5: {  	[hbm4b:s11+s5] =	stream.linear.scatter [tilespmem:s30], [sflag:$0x2], $0x600, $0x38;
	v63 =	vld [tilespmem:$0x0]  }
0x1f6: {  	s10 =	rddreg [dreg:$0x1c]  }
0x1f7: {  	[hbm4b:s10+s5] =	stream.linear.scatter [tilespmem:s25], [sflag:$0x2], $0x600, $0x38;
	v63 =	vld [tilespmem:$0x0]  }
0x1f8: {  	s11 =	rddreg [dreg:$0x1d]  }
0x1f9: {  	[hbm4b:s11+s5] =	stream.linear.scatter [tilespmem:s14], [sflag:$0x2], $0x70, $0x38;
	v63 =	vld [tilespmem:$0x0]  }
0x1fa: {  	_ =	swait.ge [sflag:s12], $0x600  }
0x1fb: {  	[sflag:s12] =	ssyncset.done $0x0  }
0x1fc: {  	[sflag:s12] =	ssyncadd.s32 $0xFFFFFA00  }
0x1fd: {  	_ =	swait.ge [sflag:s12], $0x600  }
0x1fe: {  	[sflag:s12] =	ssyncset.done $0x0  }
0x1ff: {  	[sflag:s12] =	ssyncadd.s32 $0xFFFFFA00  }
0x200: {  	_ =	swait.ge [sflag:s12], $0x600  }
0x201: {  	[sflag:s12] =	ssyncset.done $0x0  }
0x202: {  	[sflag:s12] =	ssyncadd.s32 $0xFFFFFA00  }
0x203: {  	_ =	swait.ge [sflag:s12], $0x70  }
0x204: {  	s14 =	sld [smem:$0x7FB];
	_ =	sdelay $0x2  }
0x205: {  	s30 =	rddreg [dreg:$0x1e];
	s10 =	sadd.s32 $0x1, s14  }
0x206: {  	p0 =	sne.s32 s10, s30  }
.Ltmp6:
0x207: {  	_ = 	snop;
	(pc) =	sbr.rel @p0 .LBB2_1-.Ltmp6, $4  }
0x208: {  	_ = 	snop  }
0x209: {  	s4 =	simm.s32 $0x1C900  }
0x20a: {  	s1 =	simm.s32 $0x1B700;
	s24 =	simm.s32 $0x1A500;
	[sflag:s12] =	ssyncset.done $0x0  }
0x20b: {  	s8 =	simm.s32 $0x19F00;
	s25 =	simm.s32 $0x1C300;
	[sflag:s12] =	ssyncadd.s32 $0xFFFFFF90  }
0x20c: {  	_ =	sfence.sel $0x180000  }
0x20d: {  	[bflag:$0x0] =	sbarrier.arrive $0xFFFF  }
0x20e: {  	_ =	strace $0x90000047  }
0x20f: {  	s0 =	stileid.u32;
	[bflag:$0x2] =	sbarrier.arrive $0xFFFF  }
0x210: {  	p0 =	sne.s32 s0, $0x0;
	s0 =	rddreg [dreg:$0x4]  }
0x211: {  	s0 =	sadd.s32 @!p0 $0x100000, s0  }
0x212: {  	[sflag:s0] =	ssyncadd.tile.s32 @!p0 $0x1;
	_ =	shalt  }
.Lfunc_end2:
_tile_overlayer_lowered:
.L_overlay_start_2:
0x213: {  	(tag) =	ssettag $0x2  }
0x214: {  	s0 =	rddreg [dreg:$0x0];
	s2 =	stileid.u32  }
0x215: {  	s1 =	rddreg [dreg:$0x1];
	p0 =	sne.s32 s2, $0x0  }
0x216: {  	s3 =	rddreg [dreg:$0x2];
	[bflag:$0x3] =	sbarrier.arrive $0xFFFF;
	s2 =	simm.s32 @!p0 $0x1C05  }
0x217: {  	[timem:s3], [sflag:s2] =	dma.local @!p0 [hbm:s0], s1  }
0x218: {  	s0 =	simm.s32 @!p0 $0x5  }
0x219: {  	_ =	swait.ge @!p0 [sflag:s0], s1  }
0x21a: {  	s1 =	ssub.s32 @!p0 $0x0, s1;
	[sflag:s0] =	ssyncset.done @!p0 $0x0  }
0x21b: {  	[sflag:s0] =	ssyncadd.s32 @!p0 s1  }
0x21c: {  	[bflag:$0x3] =	sbarrier.arrive $0xFFFF  }
0x21d: {  	_ =	shalt  }

</sc_bundles>
